<compile_context>
chip_gen: v7x
topology: tpu7x:2x2x1
jax: 0.10.2.dev20260603
libtpu: 0.0.44.dev20260713+nightly
codegen_flags: <defaults>
</compile_context>

<pallas_src>
import functools

import jax
import jax.numpy as jnp
from jax import lax
from jax.experimental import pallas as pl
from jax.experimental.pallas import tpu as pltpu
from jax.experimental.pallas import tpu_sc as plsc

NC = 2
NS = 16
NW = NC * NS
CHUNK = 80
NBUF = 4
ROW_BLK = 1024


def _count_body(edges_hbm, out_hbm, src_v, dst_v, ones_v, scnt, dcnt, sems,
                semd, *, nwin, wch, n_pad):
    cid = lax.axis_index("c")
    sid = lax.axis_index("s")
    wid = cid * NS + sid
    rps = n_pad // NS
    zblk = 2 * CHUNK

    for k in range(zblk // 16):
        ones_v[pl.ds(k * 16, 16)] = jnp.zeros((16,), jnp.float32)

    def zcopy(r, carry):
        pltpu.sync_copy(ones_v, scnt.at[pl.ds(sid * rps + r * zblk, zblk)])
        pltpu.sync_copy(ones_v, dcnt.at[pl.ds(sid * rps + r * zblk, zblk)])
        return carry

    lax.fori_loop(0, rps // zblk, zcopy, 0)
    for k in range(CHUNK // 16):
        ones_v[pl.ds(k * 16, 16)] = jnp.full((16,), 1.0, jnp.float32)
    pltpu.sync_copy(edges_hbm.at[0, wid], src_v)
    pltpu.sync_copy(edges_hbm.at[1, wid], dst_v)
    plsc.subcore_barrier()
    ones = ones_v.at[pl.ds(0, CHUNK)]

    def step(t, carry):
        w = t // wch
        j = t % wch
        pltpu.async_copy(ones, scnt.at[src_v.at[w, j]], sems, add=True)
        pltpu.async_copy(ones, dcnt.at[dst_v.at[w, j]], semd, add=True)

        @pl.when(t > 0)
        def _():
            wp = (t - 1) // wch
            jp = (t - 1) % wch
            pltpu.make_async_copy(ones, scnt.at[src_v.at[wp, jp]],
                                  sems).wait()
            pltpu.make_async_copy(ones, dcnt.at[dst_v.at[wp, jp]],
                                  semd).wait()

        return carry

    nch = nwin * wch
    lax.fori_loop(0, nch, step, 0)
    pltpu.make_async_copy(ones, scnt.at[src_v.at[nwin - 1, wch - 1]],
                          sems).wait()
    pltpu.make_async_copy(ones, dcnt.at[dst_v.at[nwin - 1, wch - 1]],
                          semd).wait()
    plsc.subcore_barrier()
    pltpu.sync_copy(scnt.at[pl.ds(sid * rps, rps)],
                    out_hbm.at[cid, 0, pl.ds(sid * rps, rps)])
    pltpu.sync_copy(dcnt.at[pl.ds(sid * rps, rps)],
                    out_hbm.at[cid, 1, pl.ds(sid * rps, rps)])


def _agg_body(featsrc_hbm, edges_hbm, out_hbm,
              src_v, dst_v, b0, b1, b2, b3, acc,
              g0, g1, g2, g3, s0, s1, s2, s3,
              *, nwin, wch, n_acc, d):
    cid = lax.axis_index("c")
    sid = lax.axis_index("s")
    wid = cid * NS + sid
    rps = n_acc // NS
    bufs = (b0, b1, b2, b3)
    gsem = (g0, g1, g2, g3)
    ssem = (s0, s1, s2, s3)
    nround = wch // NBUF

    def zrow(i, carry):
        for k in range(d // 16):
            b0[i, pl.ds(k * 16, 16)] = jnp.zeros((16,), jnp.float32)
        return carry

    lax.fori_loop(0, CHUNK, zrow, 0)
    for r in range(rps // CHUNK):
        pltpu.sync_copy(b0, acc.at[pl.ds(sid * rps + r * CHUNK, CHUNK)])
    rem = rps % CHUNK
    if rem:
        pltpu.sync_copy(
            b0.at[pl.ds(0, rem)],
            acc.at[pl.ds(sid * rps + (rps // CHUNK) * CHUNK, rem)])
    plsc.subcore_barrier()

    def gather(j, buf, sem):
        return pltpu.async_copy(featsrc_hbm.at[src_v.at[j]], buf, sem)

    def gwait(j, buf, sem):
        pltpu.make_async_copy(featsrc_hbm.at[src_v.at[j]], buf, sem).wait()

    def scatter(j, buf, sem):
        return pltpu.async_copy(buf, acc.at[dst_v.at[j]], sem, add=True)

    def swait(j, buf, sem):
        pltpu.make_async_copy(buf, acc.at[dst_v.at[j]], sem).wait()

    def window(w, carry):
        pltpu.sync_copy(edges_hbm.at[0, wid, w], src_v)
        pltpu.sync_copy(edges_hbm.at[1, wid, w], dst_v)
        for k in range(NBUF):
            gather(k, bufs[k], gsem[k])

        jt = wch - 1

        def rnd(r, carry2):
            for k in range(NBUF):
                j = r * NBUF + k
                gwait(j, bufs[k], gsem[k])
                scatter(j, bufs[k], ssem[k])
            for k in range(NBUF):
                j = r * NBUF + k
                swait(j, bufs[k], ssem[k])
                if k == 0:
                    @pl.when(r == nround - 1)
                    def _():
                        gather(jt, b0, g0)

                @pl.when(r < nround - 1)
                def _():
                    gather(j + NBUF, bufs[k], gsem[k])

            return carry2

        lax.fori_loop(0, nround, rnd, 0)
        gwait(jt, b0, g0)
        scatter(jt, b0, s0)
        swait(jt, b0, s0)
        return carry

    lax.fori_loop(0, nwin, window, 0)
    plsc.subcore_barrier()
    pltpu.sync_copy(acc.at[pl.ds(sid * rps, rps)],
                    out_hbm.at[cid, pl.ds(sid * rps, rps)])


def _scale_body(cnt_ref, feat_ref, wt_ref, out_ref):
    src_cnt = cnt_ref[0, 0, :] + cnt_ref[1, 0, :]
    ns = lax.rsqrt(jnp.maximum(src_cnt, 1.0))
    y = jnp.dot(feat_ref[...], wt_ref[...],
                preferred_element_type=jnp.float32)
    out_ref[...] = y * ns[:, None]


def _final_body(agg_ref, cnt_ref, feat_ref, b_ref, out_ref):
    a = agg_ref[0] + agg_ref[1]
    dst_cnt = cnt_ref[0, 1, :] + cnt_ref[1, 1, :]
    nd = lax.rsqrt(jnp.maximum(dst_cnt, 1.0))[:, None]
    out_ref[...] = (a + b_ref[...]) * nd + feat_ref[...]


def kernel(feat, edge_index, W, b):
    n, d = feat.shape
    e = edge_index.shape[1]

    n_pad = -(-(n + 1) // ROW_BLK) * ROW_BLK
    assert e % (NW * CHUNK) == 0, "edge count must tile over 32x80"
    nch = e // (NW * CHUNK)
    n_acc = -(-(n + 1) // 128) * 128

    nwin = 5
    assert nch % nwin == 0 and (nch // nwin) % NBUF == 1
    wch = nch // nwin
    edges = edge_index.astype(jnp.int32).reshape(2, NW, nwin, wch, CHUNK)

    mesh = plsc.VectorSubcoreMesh(core_axis_name="c", subcore_axis_name="s")

    count_k = pl.kernel(
        functools.partial(_count_body, nwin=nwin, wch=wch, n_pad=n_pad),
        out_type=jax.ShapeDtypeStruct((NC, 2, n_pad), jnp.float32),
        mesh=mesh,
        scratch_types=[
            pltpu.VMEM((nwin, wch, CHUNK), jnp.int32),
            pltpu.VMEM((nwin, wch, CHUNK), jnp.int32),
            pltpu.VMEM((2 * CHUNK,), jnp.float32),
            pltpu.VMEM_SHARED((n_pad,), jnp.float32),
            pltpu.VMEM_SHARED((n_pad,), jnp.float32),
            pltpu.SemaphoreType.DMA,
            pltpu.SemaphoreType.DMA,
        ],
    )
    cnt = count_k(edges)

    grid = n_pad // ROW_BLK
    feat_src = pl.pallas_call(
        _scale_body,
        grid=(grid,),
        in_specs=[
            pl.BlockSpec((NC, 2, ROW_BLK), lambda i: (0, 0, i)),
            pl.BlockSpec((ROW_BLK, d), lambda i: (i, 0)),
            pl.BlockSpec((d, d), lambda i: (0, 0)),
        ],
        out_specs=pl.BlockSpec((ROW_BLK, d), lambda i: (i, 0)),
        out_shape=jax.ShapeDtypeStruct((n_pad, d), jnp.float32),
    )(cnt, feat, W.T)

    agg_k = pl.kernel(
        functools.partial(_agg_body, nwin=nwin, wch=wch, n_acc=n_acc, d=d),
        out_type=jax.ShapeDtypeStruct((NC, n_acc, d), jnp.float32),
        mesh=mesh,
        scratch_types=[
            pltpu.VMEM((wch, CHUNK), jnp.int32),
            pltpu.VMEM((wch, CHUNK), jnp.int32),
            pltpu.VMEM((CHUNK, d), jnp.float32),
            pltpu.VMEM((CHUNK, d), jnp.float32),
            pltpu.VMEM((CHUNK, d), jnp.float32),
            pltpu.VMEM((CHUNK, d), jnp.float32),
            pltpu.VMEM_SHARED((n_acc, d), jnp.float32),
            pltpu.SemaphoreType.DMA,
            pltpu.SemaphoreType.DMA,
            pltpu.SemaphoreType.DMA,
            pltpu.SemaphoreType.DMA,
            pltpu.SemaphoreType.DMA,
            pltpu.SemaphoreType.DMA,
            pltpu.SemaphoreType.DMA,
            pltpu.SemaphoreType.DMA,
        ],
    )
    agg = agg_k(feat_src, edges)

    return pl.pallas_call(
        _final_body,
        grid=(grid,),
        in_specs=[
            pl.BlockSpec((NC, ROW_BLK, d), lambda i: (0, i, 0)),
            pl.BlockSpec((NC, 2, ROW_BLK), lambda i: (0, 0, i)),
            pl.BlockSpec((ROW_BLK, d), lambda i: (i, 0)),
            pl.BlockSpec((1, d), lambda i: (0, 0)),
        ],
        out_specs=pl.BlockSpec((ROW_BLK, d), lambda i: (i, 0)),
        out_shape=jax.ShapeDtypeStruct((n, d), jnp.float32),
    )(agg, cnt, feat, b.reshape(1, d))

# --- scband reference (transcript-rebuilt; emitter-appended) ---
"""Pipeline reference for scband-graph-conv-15590731285058 (READ-ONLY COPY).

The authoritative reference and input builder live on the scoring server;
editing this copy changes nothing except your own understanding.
"""

import jax, jax.numpy as jnp
import numpy as np

N = 10000
E = 320000
D = 128


def setup_inputs(seed: int = 0) -> dict:
    key = jax.random.key(seed)
    k1, k2, k3, k4 = jax.random.split(key, 4)
    feat = jax.random.normal(k1, (N, D), dtype=jnp.float32)
    edge_index = jax.random.randint(k2, (2, E), 0, N)
    # learned parameters for fc (Linear in_dim->out_dim). residual is Identity since in==out.
    W = jax.random.normal(k3, (D, D), dtype=jnp.float32) * (1.0 / np.sqrt(D))
    b = jax.random.normal(k4, (D,), dtype=jnp.float32) * 0.01
    return {"feat": feat, "edge_index": edge_index, "W": W, "b": b}


def reference(feat, edge_index, W, b):
    # GraphConv (DGL-style symmetric-norm GCN layer) with identity residual,
    # no norm layer, no activation.
    n = feat.shape[0]
    src = edge_index[0]
    dst = edge_index[1]
    ones = jnp.ones((edge_index.shape[1],), dtype=feat.dtype)
    # out_degrees (of source nodes), clamp(min=1)
    out_deg = jnp.clip(jax.ops.segment_sum(ones, src, num_segments=n), 1.0, None)
    # in_degrees (of destination nodes), clamp(min=1)
    in_deg = jnp.clip(jax.ops.segment_sum(ones, dst, num_segments=n), 1.0, None)
    # pre-normalize source features by out_deg^-0.5
    norm_src = jnp.power(out_deg, -0.5)[:, None]
    feat_src = feat * norm_src
    # message passing: copy_src + sum aggregation (gather then scatter-add)
    messages = jnp.take(feat_src, src, axis=0)
    agg = jax.ops.segment_sum(messages, dst, num_segments=n)
    # linear projection
    rst = agg @ W.T + b
    # post-normalize by in_deg^-0.5
    norm_dst = jnp.power(in_deg, -0.5)[:, None]
    rst = rst * norm_dst
    # identity residual (in_dim == out_dim)
    rst = rst + feat
    return rst

if __name__ == "__main__":
    import jax
    _d = setup_inputs()
    print(jax.jit(kernel)(*tuple(_d.values())))

</pallas_src>

<mosaic_0001>
#map = affine_map<(d0, d1) -> (0, 0, 0, 0, 0)>
#map1 = affine_map<(d0, d1) -> (0, 0, 0)>
module attributes {stable_mosaic.version = 14 : i64} {
  func.func @_count_body(%arg0: i32, %arg1: i32, %arg2: memref<2x32x5x25x80xi32, #tpu.memory_space<hbm>>, %arg3: memref<2x2x10240xf32, #tpu.memory_space<hbm>>, %arg4: memref<5x25x80xi32, #tpu.memory_space<vmem>>, %arg5: memref<5x25x80xi32, #tpu.memory_space<vmem>>, %arg6: memref<160xf32, #tpu.memory_space<vmem>>, %arg7: memref<10240xf32, #tpu.memory_space<vmem_shared>>, %arg8: memref<10240xf32, #tpu.memory_space<vmem_shared>>, %arg9: memref<!tpu.dma_semaphore, #tpu.memory_space<semaphore_mem>>, %arg10: memref<!tpu.dma_semaphore, #tpu.memory_space<semaphore_mem>>) attributes {dimension_semantics = [#tpu.dimension_semantics<core_parallel>, #tpu.dimension_semantics<subcore_parallel>], iteration_bounds = array<i64: 2, 16>, scalar_prefetch = 0 : i64, scratch_operands = 7 : i64, tpu.core_type = #tpu.core_type<sc_vector_subcore>, window_params = [{transform_indices = #map}, {transform_indices = #map1}]} {
    %mul3A = arith.constant 16 : i32
    %mul3A_0 = arith.muli %arg0, %mul3A : i32
    %add3A = arith.addi %mul3A_0, %arg1 : i32
    %broadcast_in_dim3A = arith.constant 0.000000e+00 : f32
    %broadcast_in_dim3A_1 = vector.broadcast %broadcast_in_dim3A : f32 to vector<16xf32>
    %swap3A = arith.constant 0 : index
    %swap3A_2 = tpu.vector_load %arg6[%swap3A] {strides = array<i32>} : memref<160xf32, #tpu.memory_space<vmem>>, vector<16xf32>,
    %swap3A_3 = vector.shape_cast %swap3A_2 : vector<16xf32> to vector<16xf32>
    %swap3A_4 = vector.shape_cast %broadcast_in_dim3A_1 : vector<16xf32> to vector<16xf32>
    tpu.vector_store %arg6[%swap3A], %swap3A_4 {strides = array<i32>} : memref<160xf32, #tpu.memory_space<vmem>>, vector<16xf32>,
    %broadcast_in_dim3A_5 = arith.constant 0.000000e+00 : f32
    %broadcast_in_dim3A_6 = vector.broadcast %broadcast_in_dim3A_5 : f32 to vector<16xf32>
    %swap3A_7 = arith.constant 16 : index
    %swap3A_8 = tpu.vector_load %arg6[%swap3A_7] {strides = array<i32>} : memref<160xf32, #tpu.memory_space<vmem>>, vector<16xf32>,
    %swap3A_9 = vector.shape_cast %swap3A_8 : vector<16xf32> to vector<16xf32>
    %swap3A_10 = vector.shape_cast %broadcast_in_dim3A_6 : vector<16xf32> to vector<16xf32>
    tpu.vector_store %arg6[%swap3A_7], %swap3A_10 {strides = array<i32>} : memref<160xf32, #tpu.memory_space<vmem>>, vector<16xf32>,
    %broadcast_in_dim3A_11 = arith.constant 0.000000e+00 : f32
    %broadcast_in_dim3A_12 = vector.broadcast %broadcast_in_dim3A_11 : f32 to vector<16xf32>
    %swap3A_13 = arith.constant 32 : index
    %swap3A_14 = tpu.vector_load %arg6[%swap3A_13] {strides = array<i32>} : memref<160xf32, #tpu.memory_space<vmem>>, vector<16xf32>,
    %swap3A_15 = vector.shape_cast %swap3A_14 : vector<16xf32> to vector<16xf32>
    %swap3A_16 = vector.shape_cast %broadcast_in_dim3A_12 : vector<16xf32> to vector<16xf32>
    tpu.vector_store %arg6[%swap3A_13], %swap3A_16 {strides = array<i32>} : memref<160xf32, #tpu.memory_space<vmem>>, vector<16xf32>,
    %broadcast_in_dim3A_17 = arith.constant 0.000000e+00 : f32
    %broadcast_in_dim3A_18 = vector.broadcast %broadcast_in_dim3A_17 : f32 to vector<16xf32>
    %swap3A_19 = arith.constant 48 : index
    %swap3A_20 = tpu.vector_load %arg6[%swap3A_19] {strides = array<i32>} : memref<160xf32, #tpu.memory_space<vmem>>, vector<16xf32>,
    %swap3A_21 = vector.shape_cast %swap3A_20 : vector<16xf32> to vector<16xf32>
    %swap3A_22 = vector.shape_cast %broadcast_in_dim3A_18 : vector<16xf32> to vector<16xf32>
    tpu.vector_store %arg6[%swap3A_19], %swap3A_22 {strides = array<i32>} : memref<160xf32, #tpu.memory_space<vmem>>, vector<16xf32>,
    %broadcast_in_dim3A_23 = arith.constant 0.000000e+00 : f32
    %broadcast_in_dim3A_24 = vector.broadcast %broadcast_in_dim3A_23 : f32 to vector<16xf32>
    %swap3A_25 = arith.constant 64 : index
    %swap3A_26 = tpu.vector_load %arg6[%swap3A_25] {strides = array<i32>} : memref<160xf32, #tpu.memory_space<vmem>>, vector<16xf32>,
    %swap3A_27 = vector.shape_cast %swap3A_26 : vector<16xf32> to vector<16xf32>
    %swap3A_28 = vector.shape_cast %broadcast_in_dim3A_24 : vector<16xf32> to vector<16xf32>
    tpu.vector_store %arg6[%swap3A_25], %swap3A_28 {strides = array<i32>} : memref<160xf32, #tpu.memory_space<vmem>>, vector<16xf32>,
    %broadcast_in_dim3A_29 = arith.constant 0.000000e+00 : f32
    %broadcast_in_dim3A_30 = vector.broadcast %broadcast_in_dim3A_29 : f32 to vector<16xf32>
    %swap3A_31 = arith.constant 80 : index
    %swap3A_32 = tpu.vector_load %arg6[%swap3A_31] {strides = array<i32>} : memref<160xf32, #tpu.memory_space<vmem>>, vector<16xf32>,
    %swap3A_33 = vector.shape_cast %swap3A_32 : vector<16xf32> to vector<16xf32>
    %swap3A_34 = vector.shape_cast %broadcast_in_dim3A_30 : vector<16xf32> to vector<16xf32>
    tpu.vector_store %arg6[%swap3A_31], %swap3A_34 {strides = array<i32>} : memref<160xf32, #tpu.memory_space<vmem>>, vector<16xf32>,
    %broadcast_in_dim3A_35 = arith.constant 0.000000e+00 : f32
    %broadcast_in_dim3A_36 = vector.broadcast %broadcast_in_dim3A_35 : f32 to vector<16xf32>
    %swap3A_37 = arith.constant 96 : index
    %swap3A_38 = tpu.vector_load %arg6[%swap3A_37] {strides = array<i32>} : memref<160xf32, #tpu.memory_space<vmem>>, vector<16xf32>,
    %swap3A_39 = vector.shape_cast %swap3A_38 : vector<16xf32> to vector<16xf32>
    %swap3A_40 = vector.shape_cast %broadcast_in_dim3A_36 : vector<16xf32> to vector<16xf32>
    tpu.vector_store %arg6[%swap3A_37], %swap3A_40 {strides = array<i32>} : memref<160xf32, #tpu.memory_space<vmem>>, vector<16xf32>,
    %broadcast_in_dim3A_41 = arith.constant 0.000000e+00 : f32
    %broadcast_in_dim3A_42 = vector.broadcast %broadcast_in_dim3A_41 : f32 to vector<16xf32>
    %swap3A_43 = arith.constant 112 : index
    %swap3A_44 = tpu.vector_load %arg6[%swap3A_43] {strides = array<i32>} : memref<160xf32, #tpu.memory_space<vmem>>, vector<16xf32>,
    %swap3A_45 = vector.shape_cast %swap3A_44 : vector<16xf32> to vector<16xf32>
    %swap3A_46 = vector.shape_cast %broadcast_in_dim3A_42 : vector<16xf32> to vector<16xf32>
    tpu.vector_store %arg6[%swap3A_43], %swap3A_46 {strides = array<i32>} : memref<160xf32, #tpu.memory_space<vmem>>, vector<16xf32>,
    %broadcast_in_dim3A_47 = arith.constant 0.000000e+00 : f32
    %broadcast_in_dim3A_48 = vector.broadcast %broadcast_in_dim3A_47 : f32 to vector<16xf32>
    %swap3A_49 = arith.constant 128 : index
    %swap3A_50 = tpu.vector_load %arg6[%swap3A_49] {strides = array<i32>} : memref<160xf32, #tpu.memory_space<vmem>>, vector<16xf32>,
    %swap3A_51 = vector.shape_cast %swap3A_50 : vector<16xf32> to vector<16xf32>
    %swap3A_52 = vector.shape_cast %broadcast_in_dim3A_48 : vector<16xf32> to vector<16xf32>
    tpu.vector_store %arg6[%swap3A_49], %swap3A_52 {strides = array<i32>} : memref<160xf32, #tpu.memory_space<vmem>>, vector<16xf32>,
    %broadcast_in_dim3A_53 = arith.constant 0.000000e+00 : f32
    %broadcast_in_dim3A_54 = vector.broadcast %broadcast_in_dim3A_53 : f32 to vector<16xf32>
    %swap3A_55 = arith.constant 144 : index
    %swap3A_56 = tpu.vector_load %arg6[%swap3A_55] {strides = array<i32>} : memref<160xf32, #tpu.memory_space<vmem>>, vector<16xf32>,
    %swap3A_57 = vector.shape_cast %swap3A_56 : vector<16xf32> to vector<16xf32>
    %swap3A_58 = vector.shape_cast %broadcast_in_dim3A_54 : vector<16xf32> to vector<16xf32>
    tpu.vector_store %arg6[%swap3A_55], %swap3A_58 {strides = array<i32>} : memref<160xf32, #tpu.memory_space<vmem>>, vector<16xf32>,
    %scan3A = arith.constant 0 : i32
    %scan3A_59 = arith.constant 0 : i32
    %scan3A_60 = arith.constant 4 : i32
    %scan3A_61 = arith.addi %scan3A_59, %scan3A_60 : i32
    %scan3A_62 = arith.constant 1 : i32
    scf.for %scan3A_129 = %scan3A_59 to %scan3A_61 step %scan3A_62  : i32 {
      %mul3A_130 = arith.constant 640 : i32
      %mul3A_131 = arith.muli %arg1, %mul3A_130 : i32
      %mul3A_132 = arith.constant 160 : i32
      %mul3A_133 = arith.muli %scan3A_129, %mul3A_132 : i32
      %add3A_134 = arith.addi %mul3A_131, %mul3A_133 : i32
      "tpu.region"() ({
        %run_scoped3A_140 = tpu.sem_alloc : memref<!tpu.dma_semaphore, #tpu.memory_space<semaphore_mem>>
        %dma_start3A = tpu.memref_slice %arg7[%add3A_134] : memref<10240xf32, #tpu.memory_space<vmem_shared>> -> memref<160xf32, #tpu.memory_space<vmem_shared>>
        %dma_start3A_141 = tpu.memref_slice %arg7[%add3A_134] : memref<10240xf32, #tpu.memory_space<vmem_shared>> -> memref<160xf32, #tpu.memory_space<vmem_shared>>
        tpu.enqueue_dma source(%arg6 : memref<160xf32, #tpu.memory_space<vmem>>) target(%dma_start3A_141 : memref<160xf32, #tpu.memory_space<vmem_shared>>) target_semaphore(%run_scoped3A_140 : memref<!tpu.dma_semaphore, #tpu.memory_space<semaphore_mem>>)
        %dma_wait3A_142 = tpu.memref_slice %arg7[%add3A_134] : memref<10240xf32, #tpu.memory_space<vmem_shared>> -> memref<160xf32, #tpu.memory_space<vmem_shared>>
        %dma_wait3A_143 = tpu.memref_slice %arg7[%add3A_134] : memref<10240xf32, #tpu.memory_space<vmem_shared>> -> memref<160xf32, #tpu.memory_space<vmem_shared>>
        tpu.wait_dma2 semaphore(%run_scoped3A_140 : memref<!tpu.dma_semaphore, #tpu.memory_space<semaphore_mem>>) src(%arg6 : memref<160xf32, #tpu.memory_space<vmem>>) dst(%dma_wait3A_143 : memref<160xf32, #tpu.memory_space<vmem_shared>>)
        tpu.yield
      }) : () -> ()
      %mul3A_135 = arith.constant 640 : i32
      %mul3A_136 = arith.muli %arg1, %mul3A_135 : i32
      %mul3A_137 = arith.constant 160 : i32
      %mul3A_138 = arith.muli %scan3A_129, %mul3A_137 : i32
      %add3A_139 = arith.addi %mul3A_136, %mul3A_138 : i32
      "tpu.region"() ({
        %run_scoped3A_140 = tpu.sem_alloc : memref<!tpu.dma_semaphore, #tpu.memory_space<semaphore_mem>>
        %dma_start3A = tpu.memref_slice %arg8[%add3A_139] : memref<10240xf32, #tpu.memory_space<vmem_shared>> -> memref<160xf32, #tpu.memory_space<vmem_shared>>
        %dma_start3A_141 = tpu.memref_slice %arg8[%add3A_139] : memref<10240xf32, #tpu.memory_space<vmem_shared>> -> memref<160xf32, #tpu.memory_space<vmem_shared>>
        tpu.enqueue_dma source(%arg6 : memref<160xf32, #tpu.memory_space<vmem>>) target(%dma_start3A_141 : memref<160xf32, #tpu.memory_space<vmem_shared>>) target_semaphore(%run_scoped3A_140 : memref<!tpu.dma_semaphore, #tpu.memory_space<semaphore_mem>>)
        %dma_wait3A_142 = tpu.memref_slice %arg8[%add3A_139] : memref<10240xf32, #tpu.memory_space<vmem_shared>> -> memref<160xf32, #tpu.memory_space<vmem_shared>>
        %dma_wait3A_143 = tpu.memref_slice %arg8[%add3A_139] : memref<10240xf32, #tpu.memory_space<vmem_shared>> -> memref<160xf32, #tpu.memory_space<vmem_shared>>
        tpu.wait_dma2 semaphore(%run_scoped3A_140 : memref<!tpu.dma_semaphore, #tpu.memory_space<semaphore_mem>>) src(%arg6 : memref<160xf32, #tpu.memory_space<vmem>>) dst(%dma_wait3A_143 : memref<160xf32, #tpu.memory_space<vmem_shared>>)
        tpu.yield
      }) : () -> ()
    }
    %scan3A_63 = arith.constant 4 : i32
    %broadcast_in_dim3A_64 = arith.constant 1.000000e+00 : f32
    %broadcast_in_dim3A_65 = vector.broadcast %broadcast_in_dim3A_64 : f32 to vector<16xf32>
    %swap3A_66 = arith.constant 0 : index
    %swap3A_67 = tpu.vector_load %arg6[%swap3A_66] {strides = array<i32>} : memref<160xf32, #tpu.memory_space<vmem>>, vector<16xf32>,
    %swap3A_68 = vector.shape_cast %swap3A_67 : vector<16xf32> to vector<16xf32>
    %swap3A_69 = vector.shape_cast %broadcast_in_dim3A_65 : vector<16xf32> to vector<16xf32>
    tpu.vector_store %arg6[%swap3A_66], %swap3A_69 {strides = array<i32>} : memref<160xf32, #tpu.memory_space<vmem>>, vector<16xf32>,
    %broadcast_in_dim3A_70 = arith.constant 1.000000e+00 : f32
    %broadcast_in_dim3A_71 = vector.broadcast %broadcast_in_dim3A_70 : f32 to vector<16xf32>
    %swap3A_72 = arith.constant 16 : index
    %swap3A_73 = tpu.vector_load %arg6[%swap3A_72] {strides = array<i32>} : memref<160xf32, #tpu.memory_space<vmem>>, vector<16xf32>,
    %swap3A_74 = vector.shape_cast %swap3A_73 : vector<16xf32> to vector<16xf32>
    %swap3A_75 = vector.shape_cast %broadcast_in_dim3A_71 : vector<16xf32> to vector<16xf32>
    tpu.vector_store %arg6[%swap3A_72], %swap3A_75 {strides = array<i32>} : memref<160xf32, #tpu.memory_space<vmem>>, vector<16xf32>,
    %broadcast_in_dim3A_76 = arith.constant 1.000000e+00 : f32
    %broadcast_in_dim3A_77 = vector.broadcast %broadcast_in_dim3A_76 : f32 to vector<16xf32>
    %swap3A_78 = arith.constant 32 : index
    %swap3A_79 = tpu.vector_load %arg6[%swap3A_78] {strides = array<i32>} : memref<160xf32, #tpu.memory_space<vmem>>, vector<16xf32>,
    %swap3A_80 = vector.shape_cast %swap3A_79 : vector<16xf32> to vector<16xf32>
    %swap3A_81 = vector.shape_cast %broadcast_in_dim3A_77 : vector<16xf32> to vector<16xf32>
    tpu.vector_store %arg6[%swap3A_78], %swap3A_81 {strides = array<i32>} : memref<160xf32, #tpu.memory_space<vmem>>, vector<16xf32>,
    %broadcast_in_dim3A_82 = arith.constant 1.000000e+00 : f32
    %broadcast_in_dim3A_83 = vector.broadcast %broadcast_in_dim3A_82 : f32 to vector<16xf32>
    %swap3A_84 = arith.constant 48 : index
    %swap3A_85 = tpu.vector_load %arg6[%swap3A_84] {strides = array<i32>} : memref<160xf32, #tpu.memory_space<vmem>>, vector<16xf32>,
    %swap3A_86 = vector.shape_cast %swap3A_85 : vector<16xf32> to vector<16xf32>
    %swap3A_87 = vector.shape_cast %broadcast_in_dim3A_83 : vector<16xf32> to vector<16xf32>
    tpu.vector_store %arg6[%swap3A_84], %swap3A_87 {strides = array<i32>} : memref<160xf32, #tpu.memory_space<vmem>>, vector<16xf32>,
    %broadcast_in_dim3A_88 = arith.constant 1.000000e+00 : f32
    %broadcast_in_dim3A_89 = vector.broadcast %broadcast_in_dim3A_88 : f32 to vector<16xf32>
    %swap3A_90 = arith.constant 64 : index
    %swap3A_91 = tpu.vector_load %arg6[%swap3A_90] {strides = array<i32>} : memref<160xf32, #tpu.memory_space<vmem>>, vector<16xf32>,
    %swap3A_92 = vector.shape_cast %swap3A_91 : vector<16xf32> to vector<16xf32>
    %swap3A_93 = vector.shape_cast %broadcast_in_dim3A_89 : vector<16xf32> to vector<16xf32>
    tpu.vector_store %arg6[%swap3A_90], %swap3A_93 {strides = array<i32>} : memref<160xf32, #tpu.memory_space<vmem>>, vector<16xf32>,
    %run_scoped3A = arith.constant 0 : i32
    "tpu.region"() ({
      %run_scoped3A_129 = tpu.sem_alloc : memref<!tpu.dma_semaphore, #tpu.memory_space<semaphore_mem>>
      %dma_start3A = arith.constant 0 : i32
      %dma_start3A_130 = arith.constant 0 : i32
      %dma_start3A_131 = arith.constant 0 : i32
      %dma_start3A_132 = tpu.memref_slice %arg2[%run_scoped3A, %add3A, %dma_start3A, %dma_start3A_130, %dma_start3A_131] : memref<2x32x5x25x80xi32, #tpu.memory_space<hbm>> -> memref<1x1x5x25x80xi32, #tpu.memory_space<hbm>>
      %dma_start3A_133 = tpu.memref_squeeze %dma_start3A_132 : memref<1x1x5x25x80xi32, #tpu.memory_space<hbm>> -> memref<5x25x80xi32, #tpu.memory_space<hbm>>
      %dma_start3A_134 = arith.constant 0 : i32
      %dma_start3A_135 = arith.constant 0 : i32
      %dma_start3A_136 = arith.constant 0 : i32
      %dma_start3A_137 = tpu.memref_slice %arg2[%run_scoped3A, %add3A, %dma_start3A_134, %dma_start3A_135, %dma_start3A_136] : memref<2x32x5x25x80xi32, #tpu.memory_space<hbm>> -> memref<1x1x5x25x80xi32, #tpu.memory_space<hbm>>
      %dma_start3A_138 = tpu.memref_squeeze %dma_start3A_137 : memref<1x1x5x25x80xi32, #tpu.memory_space<hbm>> -> memref<5x25x80xi32, #tpu.memory_space<hbm>>
      tpu.enqueue_dma source(%dma_start3A_138 : memref<5x25x80xi32, #tpu.memory_space<hbm>>) target(%arg4 : memref<5x25x80xi32, #tpu.memory_space<vmem>>) target_semaphore(%run_scoped3A_129 : memref<!tpu.dma_semaphore, #tpu.memory_space<semaphore_mem>>)
      %dma_wait3A_139 = arith.constant 0 : i32
      %dma_wait3A_140 = arith.constant 0 : i32
      %dma_wait3A_141 = arith.constant 0 : i32
      %dma_wait3A_142 = tpu.memref_slice %arg2[%run_scoped3A, %add3A, %dma_wait3A_139, %dma_wait3A_140, %dma_wait3A_141] : memref<2x32x5x25x80xi32, #tpu.memory_space<hbm>> -> memref<1x1x5x25x80xi32, #tpu.memory_space<hbm>>
      %dma_wait3A_143 = tpu.memref_squeeze %dma_wait3A_142 : memref<1x1x5x25x80xi32, #tpu.memory_space<hbm>> -> memref<5x25x80xi32, #tpu.memory_space<hbm>>
      %dma_wait3A_144 = arith.constant 0 : i32
      %dma_wait3A_145 = arith.constant 0 : i32
      %dma_wait3A_146 = arith.constant 0 : i32
      %dma_wait3A_147 = tpu.memref_slice %arg2[%run_scoped3A, %add3A, %dma_wait3A_144, %dma_wait3A_145, %dma_wait3A_146] : memref<2x32x5x25x80xi32, #tpu.memory_space<hbm>> -> memref<1x1x5x25x80xi32, #tpu.memory_space<hbm>>
      %dma_wait3A_148 = tpu.memref_squeeze %dma_wait3A_147 : memref<1x1x5x25x80xi32, #tpu.memory_space<hbm>> -> memref<5x25x80xi32, #tpu.memory_space<hbm>>
      tpu.wait_dma2 semaphore(%run_scoped3A_129 : memref<!tpu.dma_semaphore, #tpu.memory_space<semaphore_mem>>) src(%dma_wait3A_148 : memref<5x25x80xi32, #tpu.memory_space<hbm>>) dst(%arg4 : memref<5x25x80xi32, #tpu.memory_space<vmem>>)
      tpu.yield
    }) : () -> ()
    %run_scoped3A_94 = arith.constant 1 : i32
    "tpu.region"() ({
      %run_scoped3A_129 = tpu.sem_alloc : memref<!tpu.dma_semaphore, #tpu.memory_space<semaphore_mem>>
      %dma_start3A = arith.constant 0 : i32
      %dma_start3A_130 = arith.constant 0 : i32
      %dma_start3A_131 = arith.constant 0 : i32
      %dma_start3A_132 = tpu.memref_slice %arg2[%run_scoped3A_94, %add3A, %dma_start3A, %dma_start3A_130, %dma_start3A_131] : memref<2x32x5x25x80xi32, #tpu.memory_space<hbm>> -> memref<1x1x5x25x80xi32, #tpu.memory_space<hbm>>
      %dma_start3A_133 = tpu.memref_squeeze %dma_start3A_132 : memref<1x1x5x25x80xi32, #tpu.memory_space<hbm>> -> memref<5x25x80xi32, #tpu.memory_space<hbm>>
      %dma_start3A_134 = arith.constant 0 : i32
      %dma_start3A_135 = arith.constant 0 : i32
      %dma_start3A_136 = arith.constant 0 : i32
      %dma_start3A_137 = tpu.memref_slice %arg2[%run_scoped3A_94, %add3A, %dma_start3A_134, %dma_start3A_135, %dma_start3A_136] : memref<2x32x5x25x80xi32, #tpu.memory_space<hbm>> -> memref<1x1x5x25x80xi32, #tpu.memory_space<hbm>>
      %dma_start3A_138 = tpu.memref_squeeze %dma_start3A_137 : memref<1x1x5x25x80xi32, #tpu.memory_space<hbm>> -> memref<5x25x80xi32, #tpu.memory_space<hbm>>
      tpu.enqueue_dma source(%dma_start3A_138 : memref<5x25x80xi32, #tpu.memory_space<hbm>>) target(%arg5 : memref<5x25x80xi32, #tpu.memory_space<vmem>>) target_semaphore(%run_scoped3A_129 : memref<!tpu.dma_semaphore, #tpu.memory_space<semaphore_mem>>)
      %dma_wait3A_139 = arith.constant 0 : i32
      %dma_wait3A_140 = arith.constant 0 : i32
      %dma_wait3A_141 = arith.constant 0 : i32
      %dma_wait3A_142 = tpu.memref_slice %arg2[%run_scoped3A_94, %add3A, %dma_wait3A_139, %dma_wait3A_140, %dma_wait3A_141] : memref<2x32x5x25x80xi32, #tpu.memory_space<hbm>> -> memref<1x1x5x25x80xi32, #tpu.memory_space<hbm>>
      %dma_wait3A_143 = tpu.memref_squeeze %dma_wait3A_142 : memref<1x1x5x25x80xi32, #tpu.memory_space<hbm>> -> memref<5x25x80xi32, #tpu.memory_space<hbm>>
      %dma_wait3A_144 = arith.constant 0 : i32
      %dma_wait3A_145 = arith.constant 0 : i32
      %dma_wait3A_146 = arith.constant 0 : i32
      %dma_wait3A_147 = tpu.memref_slice %arg2[%run_scoped3A_94, %add3A, %dma_wait3A_144, %dma_wait3A_145, %dma_wait3A_146] : memref<2x32x5x25x80xi32, #tpu.memory_space<hbm>> -> memref<1x1x5x25x80xi32, #tpu.memory_space<hbm>>
      %dma_wait3A_148 = tpu.memref_squeeze %dma_wait3A_147 : memref<1x1x5x25x80xi32, #tpu.memory_space<hbm>> -> memref<5x25x80xi32, #tpu.memory_space<hbm>>
      tpu.wait_dma2 semaphore(%run_scoped3A_129 : memref<!tpu.dma_semaphore, #tpu.memory_space<semaphore_mem>>) src(%dma_wait3A_148 : memref<5x25x80xi32, #tpu.memory_space<hbm>>) dst(%arg5 : memref<5x25x80xi32, #tpu.memory_space<vmem>>)
      tpu.yield
    }) : () -> ()
    %barrier3A = arith.constant 0 : index
    tpu.barrier barrier_id(%barrier3A)
    %scan3A_95 = arith.constant 0 : i32
    %scan3A_96 = arith.constant 0 : i32
    %scan3A_97 = arith.constant 125 : i32
    %scan3A_98 = arith.addi %scan3A_96, %scan3A_97 : i32
    %scan3A_99 = arith.constant 1 : i32
    scf.for %scan3A_129 = %scan3A_96 to %scan3A_98 step %scan3A_99  : i32 {
      %jit3A = arith.constant 25 : i32
      %div3A = arith.divsi %scan3A_129, %jit3A : i32
      %sign3A = arith.constant 0 : i32
      %sign3A_130 = arith.cmpi sgt, %scan3A_129, %sign3A : i32
      %sign3A_131 = arith.extui %sign3A_130 : i1 to i32
      %sign3A_132 = arith.constant 0 : i32
      %sign3A_133 = arith.cmpi slt, %scan3A_129, %sign3A_132 : i32
      %sign3A_134 = arith.extui %sign3A_133 : i1 to i32
      %sign3A_135 = arith.subi %sign3A_131, %sign3A_134 : i32
      %sign3A_136 = arith.constant 0 : i32
      %sign3A_137 = arith.cmpi sgt, %jit3A, %sign3A_136 : i32
      %sign3A_138 = arith.extui %sign3A_137 : i1 to i32
      %sign3A_139 = arith.constant 0 : i32
      %sign3A_140 = arith.cmpi slt, %jit3A, %sign3A_139 : i32
      %sign3A_141 = arith.extui %sign3A_140 : i1 to i32
      %sign3A_142 = arith.subi %sign3A_138, %sign3A_141 : i32
      %ne3A = arith.cmpi ne, %sign3A_135, %sign3A_142 : i32
      %rem3A = arith.remsi %scan3A_129, %jit3A : i32
      %ne3A_143 = arith.constant 0 : i32
      %ne3A_144 = arith.cmpi ne, %rem3A, %ne3A_143 : i32
      %and3A = arith.andi %ne3A, %ne3A_144 : i1
      %sub3A = arith.constant 1 : i32
      %sub3A_145 = arith.subi %div3A, %sub3A : i32
      %select_n3A = arith.select %and3A, %sub3A_145, %div3A : i32
      %jit3A_146 = arith.constant 25 : i32
      %eq3A = arith.constant 0 : i32
      %eq3A_147 = arith.cmpi eq, %jit3A_146, %eq3A : i32
      %jit3A_148 = arith.constant 1 : i32
      %select_n3A_149 = arith.select %eq3A_147, %jit3A_148, %jit3A_146 : i32
      %rem3A_150 = arith.remsi %scan3A_129, %select_n3A_149 : i32
      %ne3A_151 = arith.constant 0 : i32
      %ne3A_152 = arith.cmpi ne, %rem3A_150, %ne3A_151 : i32
      %lt3A = arith.constant 0 : i32
      %lt3A_153 = arith.cmpi slt, %rem3A_150, %lt3A : i32
      %lt3A_154 = arith.constant 0 : i32
      %lt3A_155 = arith.cmpi slt, %select_n3A_149, %lt3A_154 : i32
      %ne3A_156 = arith.xori %lt3A_153, %lt3A_155 : i1
      %and3A_157 = arith.andi %ne3A_156, %ne3A_152 : i1
      %add3A_158 = arith.addi %rem3A_150, %select_n3A_149 : i32
      %select_n3A_159 = arith.select %and3A_157, %add3A_158, %rem3A_150 : i32
      %dma_start3A = arith.constant 0 : i32
      %dma_start3A_160 = tpu.memref_slice %arg6[%dma_start3A] : memref<160xf32, #tpu.memory_space<vmem>> -> memref<80xf32, #tpu.memory_space<vmem>>
      %dma_start3A_161 = arith.constant 0 : i32
      %dma_start3A_162 = tpu.memref_slice %arg4[%select_n3A, %select_n3A_159, %dma_start3A_161] : memref<5x25x80xi32, #tpu.memory_space<vmem>> -> memref<1x1x80xi32, #tpu.memory_space<vmem>>
      %dma_start3A_163 = tpu.memref_squeeze %dma_start3A_162 : memref<1x1x80xi32, #tpu.memory_space<vmem>> -> memref<80xi32, #tpu.memory_space<vmem>>
      %dma_start3A_164 = arith.constant 0 : i32
      %dma_start3A_165 = tpu.memref_slice %arg7[%dma_start3A_164] : memref<10240xf32, #tpu.memory_space<vmem_shared>> -> memref<10240xf32, #tpu.memory_space<vmem_shared>>
      tpu.enqueue_indirect_dma source(%dma_start3A_160 : memref<80xf32, #tpu.memory_space<vmem>>) target(%dma_start3A_165 : memref<10240xf32, #tpu.memory_space<vmem_shared>>) offsets(%dma_start3A_163 : memref<80xi32, #tpu.memory_space<vmem>>) semaphore(%arg9 : memref<!tpu.dma_semaphore, #tpu.memory_space<semaphore_mem>>) {add = true}
      %dma_start3A_166 = arith.constant 0 : i32
      %dma_start3A_167 = tpu.memref_slice %arg6[%dma_start3A_166] : memref<160xf32, #tpu.memory_space<vmem>> -> memref<80xf32, #tpu.memory_space<vmem>>
      %dma_start3A_168 = arith.constant 0 : i32
      %dma_start3A_169 = tpu.memref_slice %arg5[%select_n3A, %select_n3A_159, %dma_start3A_168] : memref<5x25x80xi32, #tpu.memory_space<vmem>> -> memref<1x1x80xi32, #tpu.memory_space<vmem>>
      %dma_start3A_170 = tpu.memref_squeeze %dma_start3A_169 : memref<1x1x80xi32, #tpu.memory_space<vmem>> -> memref<80xi32, #tpu.memory_space<vmem>>
      %dma_start3A_171 = arith.constant 0 : i32
      %dma_start3A_172 = tpu.memref_slice %arg8[%dma_start3A_171] : memref<10240xf32, #tpu.memory_space<vmem_shared>> -> memref<10240xf32, #tpu.memory_space<vmem_shared>>
      tpu.enqueue_indirect_dma source(%dma_start3A_167 : memref<80xf32, #tpu.memory_space<vmem>>) target(%dma_start3A_172 : memref<10240xf32, #tpu.memory_space<vmem_shared>>) offsets(%dma_start3A_170 : memref<80xi32, #tpu.memory_space<vmem>>) semaphore(%arg10 : memref<!tpu.dma_semaphore, #tpu.memory_space<semaphore_mem>>) {add = true}
      %gt3A = arith.constant 0 : i32
      %gt3A_173 = arith.cmpi sgt, %scan3A_129, %gt3A : i32
      %convert_element_type3A = arith.extui %gt3A_173 : i1 to i32
      %cond3A = arith.constant 0 : i32
      %cond3A_174 = arith.cmpi ne, %convert_element_type3A, %cond3A : i32
      scf.if %cond3A_174 {
        %sub3A_175 = arith.constant 1 : i32
        %sub3A_176 = arith.subi %scan3A_129, %sub3A_175 : i32
        %jit3A_177 = arith.constant 25 : i32
        %div3A_178 = arith.divsi %sub3A_176, %jit3A_177 : i32
        %sign3A_179 = arith.constant 0 : i32
        %sign3A_180 = arith.cmpi sgt, %sub3A_176, %sign3A_179 : i32
        %sign3A_181 = arith.extui %sign3A_180 : i1 to i32
        %sign3A_182 = arith.constant 0 : i32
        %sign3A_183 = arith.cmpi slt, %sub3A_176, %sign3A_182 : i32
        %sign3A_184 = arith.extui %sign3A_183 : i1 to i32
        %sign3A_185 = arith.subi %sign3A_181, %sign3A_184 : i32
        %sign3A_186 = arith.constant 0 : i32
        %sign3A_187 = arith.cmpi sgt, %jit3A_177, %sign3A_186 : i32
        %sign3A_188 = arith.extui %sign3A_187 : i1 to i32
        %sign3A_189 = arith.constant 0 : i32
        %sign3A_190 = arith.cmpi slt, %jit3A_177, %sign3A_189 : i32
        %sign3A_191 = arith.extui %sign3A_190 : i1 to i32
        %sign3A_192 = arith.subi %sign3A_188, %sign3A_191 : i32
        %ne3A_193 = arith.cmpi ne, %sign3A_185, %sign3A_192 : i32
        %rem3A_194 = arith.remsi %sub3A_176, %jit3A_177 : i32
        %ne3A_195 = arith.constant 0 : i32
        %ne3A_196 = arith.cmpi ne, %rem3A_194, %ne3A_195 : i32
        %and3A_197 = arith.andi %ne3A_193, %ne3A_196 : i1
        %sub3A_198 = arith.constant 1 : i32
        %sub3A_199 = arith.subi %div3A_178, %sub3A_198 : i32
        %select_n3A_200 = arith.select %and3A_197, %sub3A_199, %div3A_178 : i32
        %sub3A_201 = arith.constant 1 : i32
        %sub3A_202 = arith.subi %scan3A_129, %sub3A_201 : i32
        %jit3A_203 = arith.constant 25 : i32
        %eq3A_204 = arith.constant 0 : i32
        %eq3A_205 = arith.cmpi eq, %jit3A_203, %eq3A_204 : i32
        %jit3A_206 = arith.constant 1 : i32
        %select_n3A_207 = arith.select %eq3A_205, %jit3A_206, %jit3A_203 : i32
        %rem3A_208 = arith.remsi %sub3A_202, %select_n3A_207 : i32
        %ne3A_209 = arith.constant 0 : i32
        %ne3A_210 = arith.cmpi ne, %rem3A_208, %ne3A_209 : i32
        %lt3A_211 = arith.constant 0 : i32
        %lt3A_212 = arith.cmpi slt, %rem3A_208, %lt3A_211 : i32
        %lt3A_213 = arith.constant 0 : i32
        %lt3A_214 = arith.cmpi slt, %select_n3A_207, %lt3A_213 : i32
        %ne3A_215 = arith.xori %lt3A_212, %lt3A_214 : i1
        %and3A_216 = arith.andi %ne3A_215, %ne3A_210 : i1
        %add3A_217 = arith.addi %rem3A_208, %select_n3A_207 : i32
        %select_n3A_218 = arith.select %and3A_216, %add3A_217, %rem3A_208 : i32
        %dma_wait3A_219 = arith.constant 0 : i32
        %dma_wait3A_220 = tpu.memref_slice %arg6[%dma_wait3A_219] : memref<160xf32, #tpu.memory_space<vmem>> -> memref<80xf32, #tpu.memory_space<vmem>>
        %dma_wait3A_221 = arith.constant 0 : i32
        %dma_wait3A_222 = tpu.memref_slice %arg4[%select_n3A_200, %select_n3A_218, %dma_wait3A_221] : memref<5x25x80xi32, #tpu.memory_space<vmem>> -> memref<1x1x80xi32, #tpu.memory_space<vmem>>
        %dma_wait3A_223 = tpu.memref_squeeze %dma_wait3A_222 : memref<1x1x80xi32, #tpu.memory_space<vmem>> -> memref<80xi32, #tpu.memory_space<vmem>>
        %dma_wait3A_224 = arith.constant 0 : i32
        %dma_wait3A_225 = tpu.memref_slice %arg7[%dma_wait3A_224] : memref<10240xf32, #tpu.memory_space<vmem_shared>> -> memref<10240xf32, #tpu.memory_space<vmem_shared>>
        tpu.wait_indirect_dma semaphore(%arg9 : memref<!tpu.dma_semaphore, #tpu.memory_space<semaphore_mem>>) src(%dma_wait3A_220 : memref<80xf32, #tpu.memory_space<vmem>>) dst(%dma_wait3A_225 : memref<10240xf32, #tpu.memory_space<vmem_shared>>)
        %dma_wait3A_226 = arith.constant 0 : i32
        %dma_wait3A_227 = tpu.memref_slice %arg6[%dma_wait3A_226] : memref<160xf32, #tpu.memory_space<vmem>> -> memref<80xf32, #tpu.memory_space<vmem>>
        %dma_wait3A_228 = arith.constant 0 : i32
        %dma_wait3A_229 = tpu.memref_slice %arg5[%select_n3A_200, %select_n3A_218, %dma_wait3A_228] : memref<5x25x80xi32, #tpu.memory_space<vmem>> -> memref<1x1x80xi32, #tpu.memory_space<vmem>>
        %dma_wait3A_230 = tpu.memref_squeeze %dma_wait3A_229 : memref<1x1x80xi32, #tpu.memory_space<vmem>> -> memref<80xi32, #tpu.memory_space<vmem>>
        %dma_wait3A_231 = arith.constant 0 : i32
        %dma_wait3A_232 = tpu.memref_slice %arg8[%dma_wait3A_231] : memref<10240xf32, #tpu.memory_space<vmem_shared>> -> memref<10240xf32, #tpu.memory_space<vmem_shared>>
        tpu.wait_indirect_dma semaphore(%arg10 : memref<!tpu.dma_semaphore, #tpu.memory_space<semaphore_mem>>) src(%dma_wait3A_227 : memref<80xf32, #tpu.memory_space<vmem>>) dst(%dma_wait3A_232 : memref<10240xf32, #tpu.memory_space<vmem_shared>>)
      } else {
      }
    }
    %scan3A_100 = arith.constant 125 : i32
    %dma_wait3A = arith.constant 4 : i32
    %dma_wait3A_101 = arith.constant 24 : i32
    %dma_wait3A_102 = arith.constant 0 : i32
    %dma_wait3A_103 = tpu.memref_slice %arg6[%dma_wait3A_102] : memref<160xf32, #tpu.memory_space<vmem>> -> memref<80xf32, #tpu.memory_space<vmem>>
    %dma_wait3A_104 = arith.constant 0 : i32
    %dma_wait3A_105 = tpu.memref_slice %arg4[%dma_wait3A, %dma_wait3A_101, %dma_wait3A_104] : memref<5x25x80xi32, #tpu.memory_space<vmem>> -> memref<1x1x80xi32, #tpu.memory_space<vmem>>
    %dma_wait3A_106 = tpu.memref_squeeze %dma_wait3A_105 : memref<1x1x80xi32, #tpu.memory_space<vmem>> -> memref<80xi32, #tpu.memory_space<vmem>>
    %dma_wait3A_107 = arith.constant 0 : i32
    %dma_wait3A_108 = tpu.memref_slice %arg7[%dma_wait3A_107] : memref<10240xf32, #tpu.memory_space<vmem_shared>> -> memref<10240xf32, #tpu.memory_space<vmem_shared>>
    tpu.wait_indirect_dma semaphore(%arg9 : memref<!tpu.dma_semaphore, #tpu.memory_space<semaphore_mem>>) src(%dma_wait3A_103 : memref<80xf32, #tpu.memory_space<vmem>>) dst(%dma_wait3A_108 : memref<10240xf32, #tpu.memory_space<vmem_shared>>)
    %dma_wait3A_109 = arith.constant 4 : i32
    %dma_wait3A_110 = arith.constant 24 : i32
    %dma_wait3A_111 = arith.constant 0 : i32
    %dma_wait3A_112 = tpu.memref_slice %arg6[%dma_wait3A_111] : memref<160xf32, #tpu.memory_space<vmem>> -> memref<80xf32, #tpu.memory_space<vmem>>
    %dma_wait3A_113 = arith.constant 0 : i32
    %dma_wait3A_114 = tpu.memref_slice %arg5[%dma_wait3A_109, %dma_wait3A_110, %dma_wait3A_113] : memref<5x25x80xi32, #tpu.memory_space<vmem>> -> memref<1x1x80xi32, #tpu.memory_space<vmem>>
    %dma_wait3A_115 = tpu.memref_squeeze %dma_wait3A_114 : memref<1x1x80xi32, #tpu.memory_space<vmem>> -> memref<80xi32, #tpu.memory_space<vmem>>
    %dma_wait3A_116 = arith.constant 0 : i32
    %dma_wait3A_117 = tpu.memref_slice %arg8[%dma_wait3A_116] : memref<10240xf32, #tpu.memory_space<vmem_shared>> -> memref<10240xf32, #tpu.memory_space<vmem_shared>>
    tpu.wait_indirect_dma semaphore(%arg10 : memref<!tpu.dma_semaphore, #tpu.memory_space<semaphore_mem>>) src(%dma_wait3A_112 : memref<80xf32, #tpu.memory_space<vmem>>) dst(%dma_wait3A_117 : memref<10240xf32, #tpu.memory_space<vmem_shared>>)
    %barrier3A_118 = arith.constant 0 : index
    tpu.barrier barrier_id(%barrier3A_118)
    %mul3A_119 = arith.constant 640 : i32
    %mul3A_120 = arith.muli %arg1, %mul3A_119 : i32
    %mul3A_121 = arith.constant 640 : i32
    %mul3A_122 = arith.muli %arg1, %mul3A_121 : i32
    %run_scoped3A_123 = arith.constant 0 : i32
    "tpu.region"() ({
      %run_scoped3A_129 = tpu.sem_alloc : memref<!tpu.dma_semaphore, #tpu.memory_space<semaphore_mem>>
      %dma_start3A = tpu.memref_slice %arg3[%arg0, %run_scoped3A_123, %mul3A_122] : memref<2x2x10240xf32, #tpu.memory_space<hbm>> -> memref<1x1x640xf32, #tpu.memory_space<hbm>>
      %dma_start3A_130 = tpu.memref_squeeze %dma_start3A : memref<1x1x640xf32, #tpu.memory_space<hbm>> -> memref<640xf32, #tpu.memory_space<hbm>>
      %dma_start3A_131 = tpu.memref_slice %arg7[%mul3A_120] : memref<10240xf32, #tpu.memory_space<vmem_shared>> -> memref<640xf32, #tpu.memory_space<vmem_shared>>
      tpu.enqueue_dma source(%dma_start3A_131 : memref<640xf32, #tpu.memory_space<vmem_shared>>) target(%dma_start3A_130 : memref<640xf32, #tpu.memory_space<hbm>>) target_semaphore(%run_scoped3A_129 : memref<!tpu.dma_semaphore, #tpu.memory_space<semaphore_mem>>)
      %dma_wait3A_132 = tpu.memref_slice %arg3[%arg0, %run_scoped3A_123, %mul3A_122] : memref<2x2x10240xf32, #tpu.memory_space<hbm>> -> memref<1x1x640xf32, #tpu.memory_space<hbm>>
      %dma_wait3A_133 = tpu.memref_squeeze %dma_wait3A_132 : memref<1x1x640xf32, #tpu.memory_space<hbm>> -> memref<640xf32, #tpu.memory_space<hbm>>
      %dma_wait3A_134 = tpu.memref_slice %arg7[%mul3A_120] : memref<10240xf32, #tpu.memory_space<vmem_shared>> -> memref<640xf32, #tpu.memory_space<vmem_shared>>
      tpu.wait_dma2 semaphore(%run_scoped3A_129 : memref<!tpu.dma_semaphore, #tpu.memory_space<semaphore_mem>>) src(%dma_wait3A_134 : memref<640xf32, #tpu.memory_space<vmem_shared>>) dst(%dma_wait3A_133 : memref<640xf32, #tpu.memory_space<hbm>>)
      tpu.yield
    }) : () -> ()
    %mul3A_124 = arith.constant 640 : i32
    %mul3A_125 = arith.muli %arg1, %mul3A_124 : i32
    %mul3A_126 = arith.constant 640 : i32
    %mul3A_127 = arith.muli %arg1, %mul3A_126 : i32
    %run_scoped3A_128 = arith.constant 1 : i32
    "tpu.region"() ({
      %run_scoped3A_129 = tpu.sem_alloc : memref<!tpu.dma_semaphore, #tpu.memory_space<semaphore_mem>>
      %dma_start3A = tpu.memref_slice %arg3[%arg0, %run_scoped3A_128, %mul3A_127] : memref<2x2x10240xf32, #tpu.memory_space<hbm>> -> memref<1x1x640xf32, #tpu.memory_space<hbm>>
      %dma_start3A_130 = tpu.memref_squeeze %dma_start3A : memref<1x1x640xf32, #tpu.memory_space<hbm>> -> memref<640xf32, #tpu.memory_space<hbm>>
      %dma_start3A_131 = tpu.memref_slice %arg8[%mul3A_125] : memref<10240xf32, #tpu.memory_space<vmem_shared>> -> memref<640xf32, #tpu.memory_space<vmem_shared>>
      tpu.enqueue_dma source(%dma_start3A_131 : memref<640xf32, #tpu.memory_space<vmem_shared>>) target(%dma_start3A_130 : memref<640xf32, #tpu.memory_space<hbm>>) target_semaphore(%run_scoped3A_129 : memref<!tpu.dma_semaphore, #tpu.memory_space<semaphore_mem>>)
      %dma_wait3A_132 = tpu.memref_slice %arg3[%arg0, %run_scoped3A_128, %mul3A_127] : memref<2x2x10240xf32, #tpu.memory_space<hbm>> -> memref<1x1x640xf32, #tpu.memory_space<hbm>>
      %dma_wait3A_133 = tpu.memref_squeeze %dma_wait3A_132 : memref<1x1x640xf32, #tpu.memory_space<hbm>> -> memref<640xf32, #tpu.memory_space<hbm>>
      %dma_wait3A_134 = tpu.memref_slice %arg8[%mul3A_125] : memref<10240xf32, #tpu.memory_space<vmem_shared>> -> memref<640xf32, #tpu.memory_space<vmem_shared>>
      tpu.wait_dma2 semaphore(%run_scoped3A_129 : memref<!tpu.dma_semaphore, #tpu.memory_space<semaphore_mem>>) src(%dma_wait3A_134 : memref<640xf32, #tpu.memory_space<vmem_shared>>) dst(%dma_wait3A_133 : memref<640xf32, #tpu.memory_space<hbm>>)
      tpu.yield
    }) : () -> ()
    return
  }
}

#map = affine_map<(d0, d1) -> (0, 0)>
#map1 = affine_map<(d0, d1) -> (0, 0, 0, 0, 0)>
#map2 = affine_map<(d0, d1) -> (0, 0, 0)>
module attributes {stable_mosaic.version = 14 : i64} {
  func.func @_agg_body(%arg0: i32, %arg1: i32, %arg2: memref<10240x128xf32, #tpu.memory_space<hbm>>, %arg3: memref<2x32x5x25x80xi32, #tpu.memory_space<hbm>>, %arg4: memref<2x10112x128xf32, #tpu.memory_space<hbm>>, %arg5: memref<25x80xi32, #tpu.memory_space<vmem>>, %arg6: memref<25x80xi32, #tpu.memory_space<vmem>>, %arg7: memref<80x128xf32, #tpu.memory_space<vmem>>, %arg8: memref<80x128xf32, #tpu.memory_space<vmem>>, %arg9: memref<80x128xf32, #tpu.memory_space<vmem>>, %arg10: memref<80x128xf32, #tpu.memory_space<vmem>>, %arg11: memref<10112x128xf32, #tpu.memory_space<vmem_shared>>, %arg12: memref<!tpu.dma_semaphore, #tpu.memory_space<semaphore_mem>>, %arg13: memref<!tpu.dma_semaphore, #tpu.memory_space<semaphore_mem>>, %arg14: memref<!tpu.dma_semaphore, #tpu.memory_space<semaphore_mem>>, %arg15: memref<!tpu.dma_semaphore, #tpu.memory_space<semaphore_mem>>, %arg16: memref<!tpu.dma_semaphore, #tpu.memory_space<semaphore_mem>>, %arg17: memref<!tpu.dma_semaphore, #tpu.memory_space<semaphore_mem>>, %arg18: memref<!tpu.dma_semaphore, #tpu.memory_space<semaphore_mem>>, %arg19: memref<!tpu.dma_semaphore, #tpu.memory_space<semaphore_mem>>) attributes {dimension_semantics = [#tpu.dimension_semantics<core_parallel>, #tpu.dimension_semantics<subcore_parallel>], iteration_bounds = array<i64: 2, 16>, scalar_prefetch = 0 : i64, scratch_operands = 15 : i64, tpu.core_type = #tpu.core_type<sc_vector_subcore>, window_params = [{transform_indices = #map}, {transform_indices = #map1}, {transform_indices = #map2}]} {
    %mul3A = arith.constant 16 : i32
    %mul3A_0 = arith.muli %arg0, %mul3A : i32
    %add3A = arith.addi %mul3A_0, %arg1 : i32
    %scan3A = arith.constant 0 : i32
    %scan3A_1 = arith.constant 0 : i32
    %scan3A_2 = arith.constant 80 : i32
    %scan3A_3 = arith.addi %scan3A_1, %scan3A_2 : i32
    %scan3A_4 = arith.constant 1 : i32
    scf.for %scan3A_49 = %scan3A_1 to %scan3A_3 step %scan3A_4  : i32 {
      %broadcast_in_dim3A = arith.constant 0.000000e+00 : f32
      %broadcast_in_dim3A_50 = vector.broadcast %broadcast_in_dim3A : f32 to vector<16xf32>
      %swap3A = arith.index_cast %scan3A_49 : i32 to index
      %swap3A_51 = arith.constant 0 : index
      %swap3A_52 = tpu.vector_load %arg7[%swap3A, %swap3A_51] {strides = array<i32>} : memref<80x128xf32, #tpu.memory_space<vmem>>, vector<1x16xf32>,
      %swap3A_53 = vector.shape_cast %swap3A_52 : vector<1x16xf32> to vector<16xf32>
      %swap3A_54 = vector.shape_cast %broadcast_in_dim3A_50 : vector<16xf32> to vector<1x16xf32>
      tpu.vector_store %arg7[%swap3A, %swap3A_51], %swap3A_54 {strides = array<i32>} : memref<80x128xf32, #tpu.memory_space<vmem>>, vector<1x16xf32>,
      %broadcast_in_dim3A_55 = arith.constant 0.000000e+00 : f32
      %broadcast_in_dim3A_56 = vector.broadcast %broadcast_in_dim3A_55 : f32 to vector<16xf32>
      %swap3A_57 = arith.index_cast %scan3A_49 : i32 to index
      %swap3A_58 = arith.constant 16 : index
      %swap3A_59 = tpu.vector_load %arg7[%swap3A_57, %swap3A_58] {strides = array<i32>} : memref<80x128xf32, #tpu.memory_space<vmem>>, vector<1x16xf32>,
      %swap3A_60 = vector.shape_cast %swap3A_59 : vector<1x16xf32> to vector<16xf32>
      %swap3A_61 = vector.shape_cast %broadcast_in_dim3A_56 : vector<16xf32> to vector<1x16xf32>
      tpu.vector_store %arg7[%swap3A_57, %swap3A_58], %swap3A_61 {strides = array<i32>} : memref<80x128xf32, #tpu.memory_space<vmem>>, vector<1x16xf32>,
      %broadcast_in_dim3A_62 = arith.constant 0.000000e+00 : f32
      %broadcast_in_dim3A_63 = vector.broadcast %broadcast_in_dim3A_62 : f32 to vector<16xf32>
      %swap3A_64 = arith.index_cast %scan3A_49 : i32 to index
      %swap3A_65 = arith.constant 32 : index
      %swap3A_66 = tpu.vector_load %arg7[%swap3A_64, %swap3A_65] {strides = array<i32>} : memref<80x128xf32, #tpu.memory_space<vmem>>, vector<1x16xf32>,
      %swap3A_67 = vector.shape_cast %swap3A_66 : vector<1x16xf32> to vector<16xf32>
      %swap3A_68 = vector.shape_cast %broadcast_in_dim3A_63 : vector<16xf32> to vector<1x16xf32>
      tpu.vector_store %arg7[%swap3A_64, %swap3A_65], %swap3A_68 {strides = array<i32>} : memref<80x128xf32, #tpu.memory_space<vmem>>, vector<1x16xf32>,
      %broadcast_in_dim3A_69 = arith.constant 0.000000e+00 : f32
      %broadcast_in_dim3A_70 = vector.broadcast %broadcast_in_dim3A_69 : f32 to vector<16xf32>
      %swap3A_71 = arith.index_cast %scan3A_49 : i32 to index
      %swap3A_72 = arith.constant 48 : index
      %swap3A_73 = tpu.vector_load %arg7[%swap3A_71, %swap3A_72] {strides = array<i32>} : memref<80x128xf32, #tpu.memory_space<vmem>>, vector<1x16xf32>,
      %swap3A_74 = vector.shape_cast %swap3A_73 : vector<1x16xf32> to vector<16xf32>
      %swap3A_75 = vector.shape_cast %broadcast_in_dim3A_70 : vector<16xf32> to vector<1x16xf32>
      tpu.vector_store %arg7[%swap3A_71, %swap3A_72], %swap3A_75 {strides = array<i32>} : memref<80x128xf32, #tpu.memory_space<vmem>>, vector<1x16xf32>,
      %broadcast_in_dim3A_76 = arith.constant 0.000000e+00 : f32
      %broadcast_in_dim3A_77 = vector.broadcast %broadcast_in_dim3A_76 : f32 to vector<16xf32>
      %swap3A_78 = arith.index_cast %scan3A_49 : i32 to index
      %swap3A_79 = arith.constant 64 : index
      %swap3A_80 = tpu.vector_load %arg7[%swap3A_78, %swap3A_79] {strides = array<i32>} : memref<80x128xf32, #tpu.memory_space<vmem>>, vector<1x16xf32>,
      %swap3A_81 = vector.shape_cast %swap3A_80 : vector<1x16xf32> to vector<16xf32>
      %swap3A_82 = vector.shape_cast %broadcast_in_dim3A_77 : vector<16xf32> to vector<1x16xf32>
      tpu.vector_store %arg7[%swap3A_78, %swap3A_79], %swap3A_82 {strides = array<i32>} : memref<80x128xf32, #tpu.memory_space<vmem>>, vector<1x16xf32>,
      %broadcast_in_dim3A_83 = arith.constant 0.000000e+00 : f32
      %broadcast_in_dim3A_84 = vector.broadcast %broadcast_in_dim3A_83 : f32 to vector<16xf32>
      %swap3A_85 = arith.index_cast %scan3A_49 : i32 to index
      %swap3A_86 = arith.constant 80 : index
      %swap3A_87 = tpu.vector_load %arg7[%swap3A_85, %swap3A_86] {strides = array<i32>} : memref<80x128xf32, #tpu.memory_space<vmem>>, vector<1x16xf32>,
      %swap3A_88 = vector.shape_cast %swap3A_87 : vector<1x16xf32> to vector<16xf32>
      %swap3A_89 = vector.shape_cast %broadcast_in_dim3A_84 : vector<16xf32> to vector<1x16xf32>
      tpu.vector_store %arg7[%swap3A_85, %swap3A_86], %swap3A_89 {strides = array<i32>} : memref<80x128xf32, #tpu.memory_space<vmem>>, vector<1x16xf32>,
      %broadcast_in_dim3A_90 = arith.constant 0.000000e+00 : f32
      %broadcast_in_dim3A_91 = vector.broadcast %broadcast_in_dim3A_90 : f32 to vector<16xf32>
      %swap3A_92 = arith.index_cast %scan3A_49 : i32 to index
      %swap3A_93 = arith.constant 96 : index
      %swap3A_94 = tpu.vector_load %arg7[%swap3A_92, %swap3A_93] {strides = array<i32>} : memref<80x128xf32, #tpu.memory_space<vmem>>, vector<1x16xf32>,
      %swap3A_95 = vector.shape_cast %swap3A_94 : vector<1x16xf32> to vector<16xf32>
      %swap3A_96 = vector.shape_cast %broadcast_in_dim3A_91 : vector<16xf32> to vector<1x16xf32>
      tpu.vector_store %arg7[%swap3A_92, %swap3A_93], %swap3A_96 {strides = array<i32>} : memref<80x128xf32, #tpu.memory_space<vmem>>, vector<1x16xf32>,
      %broadcast_in_dim3A_97 = arith.constant 0.000000e+00 : f32
      %broadcast_in_dim3A_98 = vector.broadcast %broadcast_in_dim3A_97 : f32 to vector<16xf32>
      %swap3A_99 = arith.index_cast %scan3A_49 : i32 to index
      %swap3A_100 = arith.constant 112 : index
      %swap3A_101 = tpu.vector_load %arg7[%swap3A_99, %swap3A_100] {strides = array<i32>} : memref<80x128xf32, #tpu.memory_space<vmem>>, vector<1x16xf32>,
      %swap3A_102 = vector.shape_cast %swap3A_101 : vector<1x16xf32> to vector<16xf32>
      %swap3A_103 = vector.shape_cast %broadcast_in_dim3A_98 : vector<16xf32> to vector<1x16xf32>
      tpu.vector_store %arg7[%swap3A_99, %swap3A_100], %swap3A_103 {strides = array<i32>} : memref<80x128xf32, #tpu.memory_space<vmem>>, vector<1x16xf32>,
    }
    %scan3A_5 = arith.constant 80 : i32
    %mul3A_6 = arith.constant 632 : i32
    %mul3A_7 = arith.muli %arg1, %mul3A_6 : i32
    %add3A_8 = arith.constant 0 : i32
    %add3A_9 = arith.addi %mul3A_7, %add3A_8 : i32
    "tpu.region"() ({
      %run_scoped3A = tpu.sem_alloc : memref<!tpu.dma_semaphore, #tpu.memory_space<semaphore_mem>>
      %dma_start3A = arith.constant 0 : i32
      %dma_start3A_49 = tpu.memref_slice %arg11[%add3A_9, %dma_start3A] : memref<10112x128xf32, #tpu.memory_space<vmem_shared>> -> memref<80x128xf32, #tpu.memory_space<vmem_shared>>
      %dma_start3A_50 = arith.constant 0 : i32
      %dma_start3A_51 = tpu.memref_slice %arg11[%add3A_9, %dma_start3A_50] : memref<10112x128xf32, #tpu.memory_space<vmem_shared>> -> memref<80x128xf32, #tpu.memory_space<vmem_shared>>
      tpu.enqueue_dma source(%arg7 : memref<80x128xf32, #tpu.memory_space<vmem>>) target(%dma_start3A_51 : memref<80x128xf32, #tpu.memory_space<vmem_shared>>) target_semaphore(%run_scoped3A : memref<!tpu.dma_semaphore, #tpu.memory_space<semaphore_mem>>)
      %dma_wait3A = arith.constant 0 : i32
      %dma_wait3A_52 = tpu.memref_slice %arg11[%add3A_9, %dma_wait3A] : memref<10112x128xf32, #tpu.memory_space<vmem_shared>> -> memref<80x128xf32, #tpu.memory_space<vmem_shared>>
      %dma_wait3A_53 = arith.constant 0 : i32
      %dma_wait3A_54 = tpu.memref_slice %arg11[%add3A_9, %dma_wait3A_53] : memref<10112x128xf32, #tpu.memory_space<vmem_shared>> -> memref<80x128xf32, #tpu.memory_space<vmem_shared>>
      tpu.wait_dma2 semaphore(%run_scoped3A : memref<!tpu.dma_semaphore, #tpu.memory_space<semaphore_mem>>) src(%arg7 : memref<80x128xf32, #tpu.memory_space<vmem>>) dst(%dma_wait3A_54 : memref<80x128xf32, #tpu.memory_space<vmem_shared>>)
      tpu.yield
    }) : () -> ()
    %mul3A_10 = arith.constant 632 : i32
    %mul3A_11 = arith.muli %arg1, %mul3A_10 : i32
    %add3A_12 = arith.constant 80 : i32
    %add3A_13 = arith.addi %mul3A_11, %add3A_12 : i32
    "tpu.region"() ({
      %run_scoped3A = tpu.sem_alloc : memref<!tpu.dma_semaphore, #tpu.memory_space<semaphore_mem>>
      %dma_start3A = arith.constant 0 : i32
      %dma_start3A_49 = tpu.memref_slice %arg11[%add3A_13, %dma_start3A] : memref<10112x128xf32, #tpu.memory_space<vmem_shared>> -> memref<80x128xf32, #tpu.memory_space<vmem_shared>>
      %dma_start3A_50 = arith.constant 0 : i32
      %dma_start3A_51 = tpu.memref_slice %arg11[%add3A_13, %dma_start3A_50] : memref<10112x128xf32, #tpu.memory_space<vmem_shared>> -> memref<80x128xf32, #tpu.memory_space<vmem_shared>>
      tpu.enqueue_dma source(%arg7 : memref<80x128xf32, #tpu.memory_space<vmem>>) target(%dma_start3A_51 : memref<80x128xf32, #tpu.memory_space<vmem_shared>>) target_semaphore(%run_scoped3A : memref<!tpu.dma_semaphore, #tpu.memory_space<semaphore_mem>>)
      %dma_wait3A = arith.constant 0 : i32
      %dma_wait3A_52 = tpu.memref_slice %arg11[%add3A_13, %dma_wait3A] : memref<10112x128xf32, #tpu.memory_space<vmem_shared>> -> memref<80x128xf32, #tpu.memory_space<vmem_shared>>
      %dma_wait3A_53 = arith.constant 0 : i32
      %dma_wait3A_54 = tpu.memref_slice %arg11[%add3A_13, %dma_wait3A_53] : memref<10112x128xf32, #tpu.memory_space<vmem_shared>> -> memref<80x128xf32, #tpu.memory_space<vmem_shared>>
      tpu.wait_dma2 semaphore(%run_scoped3A : memref<!tpu.dma_semaphore, #tpu.memory_space<semaphore_mem>>) src(%arg7 : memref<80x128xf32, #tpu.memory_space<vmem>>) dst(%dma_wait3A_54 : memref<80x128xf32, #tpu.memory_space<vmem_shared>>)
      tpu.yield
    }) : () -> ()
    %mul3A_14 = arith.constant 632 : i32
    %mul3A_15 = arith.muli %arg1, %mul3A_14 : i32
    %add3A_16 = arith.constant 160 : i32
    %add3A_17 = arith.addi %mul3A_15, %add3A_16 : i32
    "tpu.region"() ({
      %run_scoped3A = tpu.sem_alloc : memref<!tpu.dma_semaphore, #tpu.memory_space<semaphore_mem>>
      %dma_start3A = arith.constant 0 : i32
      %dma_start3A_49 = tpu.memref_slice %arg11[%add3A_17, %dma_start3A] : memref<10112x128xf32, #tpu.memory_space<vmem_shared>> -> memref<80x128xf32, #tpu.memory_space<vmem_shared>>
      %dma_start3A_50 = arith.constant 0 : i32
      %dma_start3A_51 = tpu.memref_slice %arg11[%add3A_17, %dma_start3A_50] : memref<10112x128xf32, #tpu.memory_space<vmem_shared>> -> memref<80x128xf32, #tpu.memory_space<vmem_shared>>
      tpu.enqueue_dma source(%arg7 : memref<80x128xf32, #tpu.memory_space<vmem>>) target(%dma_start3A_51 : memref<80x128xf32, #tpu.memory_space<vmem_shared>>) target_semaphore(%run_scoped3A : memref<!tpu.dma_semaphore, #tpu.memory_space<semaphore_mem>>)
      %dma_wait3A = arith.constant 0 : i32
      %dma_wait3A_52 = tpu.memref_slice %arg11[%add3A_17, %dma_wait3A] : memref<10112x128xf32, #tpu.memory_space<vmem_shared>> -> memref<80x128xf32, #tpu.memory_space<vmem_shared>>
      %dma_wait3A_53 = arith.constant 0 : i32
      %dma_wait3A_54 = tpu.memref_slice %arg11[%add3A_17, %dma_wait3A_53] : memref<10112x128xf32, #tpu.memory_space<vmem_shared>> -> memref<80x128xf32, #tpu.memory_space<vmem_shared>>
      tpu.wait_dma2 semaphore(%run_scoped3A : memref<!tpu.dma_semaphore, #tpu.memory_space<semaphore_mem>>) src(%arg7 : memref<80x128xf32, #tpu.memory_space<vmem>>) dst(%dma_wait3A_54 : memref<80x128xf32, #tpu.memory_space<vmem_shared>>)
      tpu.yield
    }) : () -> ()
    %mul3A_18 = arith.constant 632 : i32
    %mul3A_19 = arith.muli %arg1, %mul3A_18 : i32
    %add3A_20 = arith.constant 240 : i32
    %add3A_21 = arith.addi %mul3A_19, %add3A_20 : i32
    "tpu.region"() ({
      %run_scoped3A = tpu.sem_alloc : memref<!tpu.dma_semaphore, #tpu.memory_space<semaphore_mem>>
      %dma_start3A = arith.constant 0 : i32
      %dma_start3A_49 = tpu.memref_slice %arg11[%add3A_21, %dma_start3A] : memref<10112x128xf32, #tpu.memory_space<vmem_shared>> -> memref<80x128xf32, #tpu.memory_space<vmem_shared>>
      %dma_start3A_50 = arith.constant 0 : i32
      %dma_start3A_51 = tpu.memref_slice %arg11[%add3A_21, %dma_start3A_50] : memref<10112x128xf32, #tpu.memory_space<vmem_shared>> -> memref<80x128xf32, #tpu.memory_space<vmem_shared>>
      tpu.enqueue_dma source(%arg7 : memref<80x128xf32, #tpu.memory_space<vmem>>) target(%dma_start3A_51 : memref<80x128xf32, #tpu.memory_space<vmem_shared>>) target_semaphore(%run_scoped3A : memref<!tpu.dma_semaphore, #tpu.memory_space<semaphore_mem>>)
      %dma_wait3A = arith.constant 0 : i32
      %dma_wait3A_52 = tpu.memref_slice %arg11[%add3A_21, %dma_wait3A] : memref<10112x128xf32, #tpu.memory_space<vmem_shared>> -> memref<80x128xf32, #tpu.memory_space<vmem_shared>>
      %dma_wait3A_53 = arith.constant 0 : i32
      %dma_wait3A_54 = tpu.memref_slice %arg11[%add3A_21, %dma_wait3A_53] : memref<10112x128xf32, #tpu.memory_space<vmem_shared>> -> memref<80x128xf32, #tpu.memory_space<vmem_shared>>
      tpu.wait_dma2 semaphore(%run_scoped3A : memref<!tpu.dma_semaphore, #tpu.memory_space<semaphore_mem>>) src(%arg7 : memref<80x128xf32, #tpu.memory_space<vmem>>) dst(%dma_wait3A_54 : memref<80x128xf32, #tpu.memory_space<vmem_shared>>)
      tpu.yield
    }) : () -> ()
    %mul3A_22 = arith.constant 632 : i32
    %mul3A_23 = arith.muli %arg1, %mul3A_22 : i32
    %add3A_24 = arith.constant 320 : i32
    %add3A_25 = arith.addi %mul3A_23, %add3A_24 : i32
    "tpu.region"() ({
      %run_scoped3A = tpu.sem_alloc : memref<!tpu.dma_semaphore, #tpu.memory_space<semaphore_mem>>
      %dma_start3A = arith.constant 0 : i32
      %dma_start3A_49 = tpu.memref_slice %arg11[%add3A_25, %dma_start3A] : memref<10112x128xf32, #tpu.memory_space<vmem_shared>> -> memref<80x128xf32, #tpu.memory_space<vmem_shared>>
      %dma_start3A_50 = arith.constant 0 : i32
      %dma_start3A_51 = tpu.memref_slice %arg11[%add3A_25, %dma_start3A_50] : memref<10112x128xf32, #tpu.memory_space<vmem_shared>> -> memref<80x128xf32, #tpu.memory_space<vmem_shared>>
      tpu.enqueue_dma source(%arg7 : memref<80x128xf32, #tpu.memory_space<vmem>>) target(%dma_start3A_51 : memref<80x128xf32, #tpu.memory_space<vmem_shared>>) target_semaphore(%run_scoped3A : memref<!tpu.dma_semaphore, #tpu.memory_space<semaphore_mem>>)
      %dma_wait3A = arith.constant 0 : i32
      %dma_wait3A_52 = tpu.memref_slice %arg11[%add3A_25, %dma_wait3A] : memref<10112x128xf32, #tpu.memory_space<vmem_shared>> -> memref<80x128xf32, #tpu.memory_space<vmem_shared>>
      %dma_wait3A_53 = arith.constant 0 : i32
      %dma_wait3A_54 = tpu.memref_slice %arg11[%add3A_25, %dma_wait3A_53] : memref<10112x128xf32, #tpu.memory_space<vmem_shared>> -> memref<80x128xf32, #tpu.memory_space<vmem_shared>>
      tpu.wait_dma2 semaphore(%run_scoped3A : memref<!tpu.dma_semaphore, #tpu.memory_space<semaphore_mem>>) src(%arg7 : memref<80x128xf32, #tpu.memory_space<vmem>>) dst(%dma_wait3A_54 : memref<80x128xf32, #tpu.memory_space<vmem_shared>>)
      tpu.yield
    }) : () -> ()
    %mul3A_26 = arith.constant 632 : i32
    %mul3A_27 = arith.muli %arg1, %mul3A_26 : i32
    %add3A_28 = arith.constant 400 : i32
    %add3A_29 = arith.addi %mul3A_27, %add3A_28 : i32
    "tpu.region"() ({
      %run_scoped3A = tpu.sem_alloc : memref<!tpu.dma_semaphore, #tpu.memory_space<semaphore_mem>>
      %dma_start3A = arith.constant 0 : i32
      %dma_start3A_49 = tpu.memref_slice %arg11[%add3A_29, %dma_start3A] : memref<10112x128xf32, #tpu.memory_space<vmem_shared>> -> memref<80x128xf32, #tpu.memory_space<vmem_shared>>
      %dma_start3A_50 = arith.constant 0 : i32
      %dma_start3A_51 = tpu.memref_slice %arg11[%add3A_29, %dma_start3A_50] : memref<10112x128xf32, #tpu.memory_space<vmem_shared>> -> memref<80x128xf32, #tpu.memory_space<vmem_shared>>
      tpu.enqueue_dma source(%arg7 : memref<80x128xf32, #tpu.memory_space<vmem>>) target(%dma_start3A_51 : memref<80x128xf32, #tpu.memory_space<vmem_shared>>) target_semaphore(%run_scoped3A : memref<!tpu.dma_semaphore, #tpu.memory_space<semaphore_mem>>)
      %dma_wait3A = arith.constant 0 : i32
      %dma_wait3A_52 = tpu.memref_slice %arg11[%add3A_29, %dma_wait3A] : memref<10112x128xf32, #tpu.memory_space<vmem_shared>> -> memref<80x128xf32, #tpu.memory_space<vmem_shared>>
      %dma_wait3A_53 = arith.constant 0 : i32
      %dma_wait3A_54 = tpu.memref_slice %arg11[%add3A_29, %dma_wait3A_53] : memref<10112x128xf32, #tpu.memory_space<vmem_shared>> -> memref<80x128xf32, #tpu.memory_space<vmem_shared>>
      tpu.wait_dma2 semaphore(%run_scoped3A : memref<!tpu.dma_semaphore, #tpu.memory_space<semaphore_mem>>) src(%arg7 : memref<80x128xf32, #tpu.memory_space<vmem>>) dst(%dma_wait3A_54 : memref<80x128xf32, #tpu.memory_space<vmem_shared>>)
      tpu.yield
    }) : () -> ()
    %mul3A_30 = arith.constant 632 : i32
    %mul3A_31 = arith.muli %arg1, %mul3A_30 : i32
    %add3A_32 = arith.constant 480 : i32
    %add3A_33 = arith.addi %mul3A_31, %add3A_32 : i32
    "tpu.region"() ({
      %run_scoped3A = tpu.sem_alloc : memref<!tpu.dma_semaphore, #tpu.memory_space<semaphore_mem>>
      %dma_start3A = arith.constant 0 : i32
      %dma_start3A_49 = tpu.memref_slice %arg11[%add3A_33, %dma_start3A] : memref<10112x128xf32, #tpu.memory_space<vmem_shared>> -> memref<80x128xf32, #tpu.memory_space<vmem_shared>>
      %dma_start3A_50 = arith.constant 0 : i32
      %dma_start3A_51 = tpu.memref_slice %arg11[%add3A_33, %dma_start3A_50] : memref<10112x128xf32, #tpu.memory_space<vmem_shared>> -> memref<80x128xf32, #tpu.memory_space<vmem_shared>>
      tpu.enqueue_dma source(%arg7 : memref<80x128xf32, #tpu.memory_space<vmem>>) target(%dma_start3A_51 : memref<80x128xf32, #tpu.memory_space<vmem_shared>>) target_semaphore(%run_scoped3A : memref<!tpu.dma_semaphore, #tpu.memory_space<semaphore_mem>>)
      %dma_wait3A = arith.constant 0 : i32
      %dma_wait3A_52 = tpu.memref_slice %arg11[%add3A_33, %dma_wait3A] : memref<10112x128xf32, #tpu.memory_space<vmem_shared>> -> memref<80x128xf32, #tpu.memory_space<vmem_shared>>
      %dma_wait3A_53 = arith.constant 0 : i32
      %dma_wait3A_54 = tpu.memref_slice %arg11[%add3A_33, %dma_wait3A_53] : memref<10112x128xf32, #tpu.memory_space<vmem_shared>> -> memref<80x128xf32, #tpu.memory_space<vmem_shared>>
      tpu.wait_dma2 semaphore(%run_scoped3A : memref<!tpu.dma_semaphore, #tpu.memory_space<semaphore_mem>>) src(%arg7 : memref<80x128xf32, #tpu.memory_space<vmem>>) dst(%dma_wait3A_54 : memref<80x128xf32, #tpu.memory_space<vmem_shared>>)
      tpu.yield
    }) : () -> ()
    %mul3A_34 = arith.constant 632 : i32
    %mul3A_35 = arith.muli %arg1, %mul3A_34 : i32
    %add3A_36 = arith.constant 560 : i32
    %add3A_37 = arith.addi %mul3A_35, %add3A_36 : i32
    "tpu.region"() ({
      %run_scoped3A = tpu.sem_alloc : memref<!tpu.dma_semaphore, #tpu.memory_space<semaphore_mem>>
      %dma_start3A = arith.constant 0 : i32
      %dma_start3A_49 = arith.constant 0 : i32
      %dma_start3A_50 = tpu.memref_slice %arg7[%dma_start3A, %dma_start3A_49] : memref<80x128xf32, #tpu.memory_space<vmem>> -> memref<72x128xf32, #tpu.memory_space<vmem>>
      %dma_start3A_51 = arith.constant 0 : i32
      %dma_start3A_52 = tpu.memref_slice %arg11[%add3A_37, %dma_start3A_51] : memref<10112x128xf32, #tpu.memory_space<vmem_shared>> -> memref<72x128xf32, #tpu.memory_space<vmem_shared>>
      %dma_start3A_53 = arith.constant 0 : i32
      %dma_start3A_54 = tpu.memref_slice %arg11[%add3A_37, %dma_start3A_53] : memref<10112x128xf32, #tpu.memory_space<vmem_shared>> -> memref<72x128xf32, #tpu.memory_space<vmem_shared>>
      %dma_start3A_55 = arith.constant 0 : i32
      %dma_start3A_56 = arith.constant 0 : i32
      %dma_start3A_57 = tpu.memref_slice %arg7[%dma_start3A_55, %dma_start3A_56] : memref<80x128xf32, #tpu.memory_space<vmem>> -> memref<72x128xf32, #tpu.memory_space<vmem>>
      tpu.enqueue_dma source(%dma_start3A_57 : memref<72x128xf32, #tpu.memory_space<vmem>>) target(%dma_start3A_54 : memref<72x128xf32, #tpu.memory_space<vmem_shared>>) target_semaphore(%run_scoped3A : memref<!tpu.dma_semaphore, #tpu.memory_space<semaphore_mem>>)
      %dma_wait3A = arith.constant 0 : i32
      %dma_wait3A_58 = arith.constant 0 : i32
      %dma_wait3A_59 = tpu.memref_slice %arg7[%dma_wait3A, %dma_wait3A_58] : memref<80x128xf32, #tpu.memory_space<vmem>> -> memref<72x128xf32, #tpu.memory_space<vmem>>
      %dma_wait3A_60 = arith.constant 0 : i32
      %dma_wait3A_61 = tpu.memref_slice %arg11[%add3A_37, %dma_wait3A_60] : memref<10112x128xf32, #tpu.memory_space<vmem_shared>> -> memref<72x128xf32, #tpu.memory_space<vmem_shared>>
      %dma_wait3A_62 = arith.constant 0 : i32
      %dma_wait3A_63 = tpu.memref_slice %arg11[%add3A_37, %dma_wait3A_62] : memref<10112x128xf32, #tpu.memory_space<vmem_shared>> -> memref<72x128xf32, #tpu.memory_space<vmem_shared>>
      %dma_wait3A_64 = arith.constant 0 : i32
      %dma_wait3A_65 = arith.constant 0 : i32
      %dma_wait3A_66 = tpu.memref_slice %arg7[%dma_wait3A_64, %dma_wait3A_65] : memref<80x128xf32, #tpu.memory_space<vmem>> -> memref<72x128xf32, #tpu.memory_space<vmem>>
      tpu.wait_dma2 semaphore(%run_scoped3A : memref<!tpu.dma_semaphore, #tpu.memory_space<semaphore_mem>>) src(%dma_wait3A_66 : memref<72x128xf32, #tpu.memory_space<vmem>>) dst(%dma_wait3A_63 : memref<72x128xf32, #tpu.memory_space<vmem_shared>>)
      tpu.yield
    }) : () -> ()
    %barrier3A = arith.constant 0 : index
    tpu.barrier barrier_id(%barrier3A)
    %scan3A_38 = arith.constant 0 : i32
    %scan3A_39 = arith.constant 0 : i32
    %scan3A_40 = arith.constant 5 : i32
    %scan3A_41 = arith.addi %scan3A_39, %scan3A_40 : i32
    %scan3A_42 = arith.constant 1 : i32
    scf.for %scan3A_49 = %scan3A_39 to %scan3A_41 step %scan3A_42  : i32 {
      %run_scoped3A = arith.constant 0 : i32
      "tpu.region"() ({
        %run_scoped3A_104 = tpu.sem_alloc : memref<!tpu.dma_semaphore, #tpu.memory_space<semaphore_mem>>
        %dma_start3A_105 = arith.constant 0 : i32
        %dma_start3A_106 = arith.constant 0 : i32
        %dma_start3A_107 = tpu.memref_slice %arg3[%run_scoped3A, %add3A, %scan3A_49, %dma_start3A_105, %dma_start3A_106] : memref<2x32x5x25x80xi32, #tpu.memory_space<hbm>> -> memref<1x1x1x25x80xi32, #tpu.memory_space<hbm>>
        %dma_start3A_108 = tpu.memref_squeeze %dma_start3A_107 : memref<1x1x1x25x80xi32, #tpu.memory_space<hbm>> -> memref<25x80xi32, #tpu.memory_space<hbm>>
        %dma_start3A_109 = arith.constant 0 : i32
        %dma_start3A_110 = arith.constant 0 : i32
        %dma_start3A_111 = tpu.memref_slice %arg3[%run_scoped3A, %add3A, %scan3A_49, %dma_start3A_109, %dma_start3A_110] : memref<2x32x5x25x80xi32, #tpu.memory_space<hbm>> -> memref<1x1x1x25x80xi32, #tpu.memory_space<hbm>>
        %dma_start3A_112 = tpu.memref_squeeze %dma_start3A_111 : memref<1x1x1x25x80xi32, #tpu.memory_space<hbm>> -> memref<25x80xi32, #tpu.memory_space<hbm>>
        tpu.enqueue_dma source(%dma_start3A_112 : memref<25x80xi32, #tpu.memory_space<hbm>>) target(%arg5 : memref<25x80xi32, #tpu.memory_space<vmem>>) target_semaphore(%run_scoped3A_104 : memref<!tpu.dma_semaphore, #tpu.memory_space<semaphore_mem>>)
        %dma_wait3A_113 = arith.constant 0 : i32
        %dma_wait3A_114 = arith.constant 0 : i32
        %dma_wait3A_115 = tpu.memref_slice %arg3[%run_scoped3A, %add3A, %scan3A_49, %dma_wait3A_113, %dma_wait3A_114] : memref<2x32x5x25x80xi32, #tpu.memory_space<hbm>> -> memref<1x1x1x25x80xi32, #tpu.memory_space<hbm>>
        %dma_wait3A_116 = tpu.memref_squeeze %dma_wait3A_115 : memref<1x1x1x25x80xi32, #tpu.memory_space<hbm>> -> memref<25x80xi32, #tpu.memory_space<hbm>>
        %dma_wait3A_117 = arith.constant 0 : i32
        %dma_wait3A_118 = arith.constant 0 : i32
        %dma_wait3A_119 = tpu.memref_slice %arg3[%run_scoped3A, %add3A, %scan3A_49, %dma_wait3A_117, %dma_wait3A_118] : memref<2x32x5x25x80xi32, #tpu.memory_space<hbm>> -> memref<1x1x1x25x80xi32, #tpu.memory_space<hbm>>
        %dma_wait3A_120 = tpu.memref_squeeze %dma_wait3A_119 : memref<1x1x1x25x80xi32, #tpu.memory_space<hbm>> -> memref<25x80xi32, #tpu.memory_space<hbm>>
        tpu.wait_dma2 semaphore(%run_scoped3A_104 : memref<!tpu.dma_semaphore, #tpu.memory_space<semaphore_mem>>) src(%dma_wait3A_120 : memref<25x80xi32, #tpu.memory_space<hbm>>) dst(%arg5 : memref<25x80xi32, #tpu.memory_space<vmem>>)
        tpu.yield
      }) : () -> ()
      %run_scoped3A_50 = arith.constant 1 : i32
      "tpu.region"() ({
        %run_scoped3A_104 = tpu.sem_alloc : memref<!tpu.dma_semaphore, #tpu.memory_space<semaphore_mem>>
        %dma_start3A_105 = arith.constant 0 : i32
        %dma_start3A_106 = arith.constant 0 : i32
        %dma_start3A_107 = tpu.memref_slice %arg3[%run_scoped3A_50, %add3A, %scan3A_49, %dma_start3A_105, %dma_start3A_106] : memref<2x32x5x25x80xi32, #tpu.memory_space<hbm>> -> memref<1x1x1x25x80xi32, #tpu.memory_space<hbm>>
        %dma_start3A_108 = tpu.memref_squeeze %dma_start3A_107 : memref<1x1x1x25x80xi32, #tpu.memory_space<hbm>> -> memref<25x80xi32, #tpu.memory_space<hbm>>
        %dma_start3A_109 = arith.constant 0 : i32
        %dma_start3A_110 = arith.constant 0 : i32
        %dma_start3A_111 = tpu.memref_slice %arg3[%run_scoped3A_50, %add3A, %scan3A_49, %dma_start3A_109, %dma_start3A_110] : memref<2x32x5x25x80xi32, #tpu.memory_space<hbm>> -> memref<1x1x1x25x80xi32, #tpu.memory_space<hbm>>
        %dma_start3A_112 = tpu.memref_squeeze %dma_start3A_111 : memref<1x1x1x25x80xi32, #tpu.memory_space<hbm>> -> memref<25x80xi32, #tpu.memory_space<hbm>>
        tpu.enqueue_dma source(%dma_start3A_112 : memref<25x80xi32, #tpu.memory_space<hbm>>) target(%arg6 : memref<25x80xi32, #tpu.memory_space<vmem>>) target_semaphore(%run_scoped3A_104 : memref<!tpu.dma_semaphore, #tpu.memory_space<semaphore_mem>>)
        %dma_wait3A_113 = arith.constant 0 : i32
        %dma_wait3A_114 = arith.constant 0 : i32
        %dma_wait3A_115 = tpu.memref_slice %arg3[%run_scoped3A_50, %add3A, %scan3A_49, %dma_wait3A_113, %dma_wait3A_114] : memref<2x32x5x25x80xi32, #tpu.memory_space<hbm>> -> memref<1x1x1x25x80xi32, #tpu.memory_space<hbm>>
        %dma_wait3A_116 = tpu.memref_squeeze %dma_wait3A_115 : memref<1x1x1x25x80xi32, #tpu.memory_space<hbm>> -> memref<25x80xi32, #tpu.memory_space<hbm>>
        %dma_wait3A_117 = arith.constant 0 : i32
        %dma_wait3A_118 = arith.constant 0 : i32
        %dma_wait3A_119 = tpu.memref_slice %arg3[%run_scoped3A_50, %add3A, %scan3A_49, %dma_wait3A_117, %dma_wait3A_118] : memref<2x32x5x25x80xi32, #tpu.memory_space<hbm>> -> memref<1x1x1x25x80xi32, #tpu.memory_space<hbm>>
        %dma_wait3A_120 = tpu.memref_squeeze %dma_wait3A_119 : memref<1x1x1x25x80xi32, #tpu.memory_space<hbm>> -> memref<25x80xi32, #tpu.memory_space<hbm>>
        tpu.wait_dma2 semaphore(%run_scoped3A_104 : memref<!tpu.dma_semaphore, #tpu.memory_space<semaphore_mem>>) src(%dma_wait3A_120 : memref<25x80xi32, #tpu.memory_space<hbm>>) dst(%arg6 : memref<25x80xi32, #tpu.memory_space<vmem>>)
        tpu.yield
      }) : () -> ()
      %dma_start3A = arith.constant 0 : i32
      %dma_start3A_51 = arith.constant 0 : i32
      %dma_start3A_52 = tpu.memref_slice %arg5[%dma_start3A, %dma_start3A_51] : memref<25x80xi32, #tpu.memory_space<vmem>> -> memref<1x80xi32, #tpu.memory_space<vmem>>
      %dma_start3A_53 = tpu.memref_squeeze %dma_start3A_52 : memref<1x80xi32, #tpu.memory_space<vmem>> -> memref<80xi32, #tpu.memory_space<vmem>>
      %dma_start3A_54 = arith.constant 0 : i32
      %dma_start3A_55 = arith.constant 0 : i32
      %dma_start3A_56 = tpu.memref_slice %arg2[%dma_start3A_54, %dma_start3A_55] : memref<10240x128xf32, #tpu.memory_space<hbm>> -> memref<10240x128xf32, #tpu.memory_space<hbm>>
      tpu.enqueue_indirect_dma source(%dma_start3A_56 : memref<10240x128xf32, #tpu.memory_space<hbm>>) target(%arg7 : memref<80x128xf32, #tpu.memory_space<vmem>>) offsets(%dma_start3A_53 : memref<80xi32, #tpu.memory_space<vmem>>) semaphore(%arg12 : memref<!tpu.dma_semaphore, #tpu.memory_space<semaphore_mem>>)
      %dma_start3A_57 = arith.constant 1 : i32
      %dma_start3A_58 = arith.constant 0 : i32
      %dma_start3A_59 = tpu.memref_slice %arg5[%dma_start3A_57, %dma_start3A_58] : memref<25x80xi32, #tpu.memory_space<vmem>> -> memref<1x80xi32, #tpu.memory_space<vmem>>
      %dma_start3A_60 = tpu.memref_squeeze %dma_start3A_59 : memref<1x80xi32, #tpu.memory_space<vmem>> -> memref<80xi32, #tpu.memory_space<vmem>>
      %dma_start3A_61 = arith.constant 0 : i32
      %dma_start3A_62 = arith.constant 0 : i32
      %dma_start3A_63 = tpu.memref_slice %arg2[%dma_start3A_61, %dma_start3A_62] : memref<10240x128xf32, #tpu.memory_space<hbm>> -> memref<10240x128xf32, #tpu.memory_space<hbm>>
      tpu.enqueue_indirect_dma source(%dma_start3A_63 : memref<10240x128xf32, #tpu.memory_space<hbm>>) target(%arg8 : memref<80x128xf32, #tpu.memory_space<vmem>>) offsets(%dma_start3A_60 : memref<80xi32, #tpu.memory_space<vmem>>) semaphore(%arg13 : memref<!tpu.dma_semaphore, #tpu.memory_space<semaphore_mem>>)
      %dma_start3A_64 = arith.constant 2 : i32
      %dma_start3A_65 = arith.constant 0 : i32
      %dma_start3A_66 = tpu.memref_slice %arg5[%dma_start3A_64, %dma_start3A_65] : memref<25x80xi32, #tpu.memory_space<vmem>> -> memref<1x80xi32, #tpu.memory_space<vmem>>
      %dma_start3A_67 = tpu.memref_squeeze %dma_start3A_66 : memref<1x80xi32, #tpu.memory_space<vmem>> -> memref<80xi32, #tpu.memory_space<vmem>>
      %dma_start3A_68 = arith.constant 0 : i32
      %dma_start3A_69 = arith.constant 0 : i32
      %dma_start3A_70 = tpu.memref_slice %arg2[%dma_start3A_68, %dma_start3A_69] : memref<10240x128xf32, #tpu.memory_space<hbm>> -> memref<10240x128xf32, #tpu.memory_space<hbm>>
      tpu.enqueue_indirect_dma source(%dma_start3A_70 : memref<10240x128xf32, #tpu.memory_space<hbm>>) target(%arg9 : memref<80x128xf32, #tpu.memory_space<vmem>>) offsets(%dma_start3A_67 : memref<80xi32, #tpu.memory_space<vmem>>) semaphore(%arg14 : memref<!tpu.dma_semaphore, #tpu.memory_space<semaphore_mem>>)
      %dma_start3A_71 = arith.constant 3 : i32
      %dma_start3A_72 = arith.constant 0 : i32
      %dma_start3A_73 = tpu.memref_slice %arg5[%dma_start3A_71, %dma_start3A_72] : memref<25x80xi32, #tpu.memory_space<vmem>> -> memref<1x80xi32, #tpu.memory_space<vmem>>
      %dma_start3A_74 = tpu.memref_squeeze %dma_start3A_73 : memref<1x80xi32, #tpu.memory_space<vmem>> -> memref<80xi32, #tpu.memory_space<vmem>>
      %dma_start3A_75 = arith.constant 0 : i32
      %dma_start3A_76 = arith.constant 0 : i32
      %dma_start3A_77 = tpu.memref_slice %arg2[%dma_start3A_75, %dma_start3A_76] : memref<10240x128xf32, #tpu.memory_space<hbm>> -> memref<10240x128xf32, #tpu.memory_space<hbm>>
      tpu.enqueue_indirect_dma source(%dma_start3A_77 : memref<10240x128xf32, #tpu.memory_space<hbm>>) target(%arg10 : memref<80x128xf32, #tpu.memory_space<vmem>>) offsets(%dma_start3A_74 : memref<80xi32, #tpu.memory_space<vmem>>) semaphore(%arg15 : memref<!tpu.dma_semaphore, #tpu.memory_space<semaphore_mem>>)
      %scan3A_78 = arith.constant 0 : i32
      %scan3A_79 = arith.constant 0 : i32
      %scan3A_80 = arith.constant 6 : i32
      %scan3A_81 = arith.addi %scan3A_79, %scan3A_80 : i32
      %scan3A_82 = arith.constant 1 : i32
      scf.for %scan3A_104 = %scan3A_79 to %scan3A_81 step %scan3A_82  : i32 {
        %mul3A_105 = arith.constant 4 : i32
        %mul3A_106 = arith.muli %scan3A_104, %mul3A_105 : i32
        %add3A_107 = arith.constant 0 : i32
        %add3A_108 = arith.addi %mul3A_106, %add3A_107 : i32
        %dma_wait3A_109 = arith.constant 0 : i32
        %dma_wait3A_110 = tpu.memref_slice %arg5[%add3A_108, %dma_wait3A_109] : memref<25x80xi32, #tpu.memory_space<vmem>> -> memref<1x80xi32, #tpu.memory_space<vmem>>
        %dma_wait3A_111 = tpu.memref_squeeze %dma_wait3A_110 : memref<1x80xi32, #tpu.memory_space<vmem>> -> memref<80xi32, #tpu.memory_space<vmem>>
        %dma_wait3A_112 = arith.constant 0 : i32
        %dma_wait3A_113 = arith.constant 0 : i32
        %dma_wait3A_114 = tpu.memref_slice %arg2[%dma_wait3A_112, %dma_wait3A_113] : memref<10240x128xf32, #tpu.memory_space<hbm>> -> memref<10240x128xf32, #tpu.memory_space<hbm>>
        tpu.wait_indirect_dma semaphore(%arg12 : memref<!tpu.dma_semaphore, #tpu.memory_space<semaphore_mem>>) src(%dma_wait3A_114 : memref<10240x128xf32, #tpu.memory_space<hbm>>) dst(%arg7 : memref<80x128xf32, #tpu.memory_space<vmem>>)
        %dma_start3A_115 = arith.constant 0 : i32
        %dma_start3A_116 = tpu.memref_slice %arg6[%add3A_108, %dma_start3A_115] : memref<25x80xi32, #tpu.memory_space<vmem>> -> memref<1x80xi32, #tpu.memory_space<vmem>>
        %dma_start3A_117 = tpu.memref_squeeze %dma_start3A_116 : memref<1x80xi32, #tpu.memory_space<vmem>> -> memref<80xi32, #tpu.memory_space<vmem>>
        %dma_start3A_118 = arith.constant 0 : i32
        %dma_start3A_119 = arith.constant 0 : i32
        %dma_start3A_120 = tpu.memref_slice %arg11[%dma_start3A_118, %dma_start3A_119] : memref<10112x128xf32, #tpu.memory_space<vmem_shared>> -> memref<10112x128xf32, #tpu.memory_space<vmem_shared>>
        tpu.enqueue_indirect_dma source(%arg7 : memref<80x128xf32, #tpu.memory_space<vmem>>) target(%dma_start3A_120 : memref<10112x128xf32, #tpu.memory_space<vmem_shared>>) offsets(%dma_start3A_117 : memref<80xi32, #tpu.memory_space<vmem>>) semaphore(%arg16 : memref<!tpu.dma_semaphore, #tpu.memory_space<semaphore_mem>>) {add = true}
        %mul3A_121 = arith.constant 4 : i32
        %mul3A_122 = arith.muli %scan3A_104, %mul3A_121 : i32
        %add3A_123 = arith.constant 1 : i32
        %add3A_124 = arith.addi %mul3A_122, %add3A_123 : i32
        %dma_wait3A_125 = arith.constant 0 : i32
        %dma_wait3A_126 = tpu.memref_slice %arg5[%add3A_124, %dma_wait3A_125] : memref<25x80xi32, #tpu.memory_space<vmem>> -> memref<1x80xi32, #tpu.memory_space<vmem>>
        %dma_wait3A_127 = tpu.memref_squeeze %dma_wait3A_126 : memref<1x80xi32, #tpu.memory_space<vmem>> -> memref<80xi32, #tpu.memory_space<vmem>>
        %dma_wait3A_128 = arith.constant 0 : i32
        %dma_wait3A_129 = arith.constant 0 : i32
        %dma_wait3A_130 = tpu.memref_slice %arg2[%dma_wait3A_128, %dma_wait3A_129] : memref<10240x128xf32, #tpu.memory_space<hbm>> -> memref<10240x128xf32, #tpu.memory_space<hbm>>
        tpu.wait_indirect_dma semaphore(%arg13 : memref<!tpu.dma_semaphore, #tpu.memory_space<semaphore_mem>>) src(%dma_wait3A_130 : memref<10240x128xf32, #tpu.memory_space<hbm>>) dst(%arg8 : memref<80x128xf32, #tpu.memory_space<vmem>>)
        %dma_start3A_131 = arith.constant 0 : i32
        %dma_start3A_132 = tpu.memref_slice %arg6[%add3A_124, %dma_start3A_131] : memref<25x80xi32, #tpu.memory_space<vmem>> -> memref<1x80xi32, #tpu.memory_space<vmem>>
        %dma_start3A_133 = tpu.memref_squeeze %dma_start3A_132 : memref<1x80xi32, #tpu.memory_space<vmem>> -> memref<80xi32, #tpu.memory_space<vmem>>
        %dma_start3A_134 = arith.constant 0 : i32
        %dma_start3A_135 = arith.constant 0 : i32
        %dma_start3A_136 = tpu.memref_slice %arg11[%dma_start3A_134, %dma_start3A_135] : memref<10112x128xf32, #tpu.memory_space<vmem_shared>> -> memref<10112x128xf32, #tpu.memory_space<vmem_shared>>
        tpu.enqueue_indirect_dma source(%arg8 : memref<80x128xf32, #tpu.memory_space<vmem>>) target(%dma_start3A_136 : memref<10112x128xf32, #tpu.memory_space<vmem_shared>>) offsets(%dma_start3A_133 : memref<80xi32, #tpu.memory_space<vmem>>) semaphore(%arg17 : memref<!tpu.dma_semaphore, #tpu.memory_space<semaphore_mem>>) {add = true}
        %mul3A_137 = arith.constant 4 : i32
        %mul3A_138 = arith.muli %scan3A_104, %mul3A_137 : i32
        %add3A_139 = arith.constant 2 : i32
        %add3A_140 = arith.addi %mul3A_138, %add3A_139 : i32
        %dma_wait3A_141 = arith.constant 0 : i32
        %dma_wait3A_142 = tpu.memref_slice %arg5[%add3A_140, %dma_wait3A_141] : memref<25x80xi32, #tpu.memory_space<vmem>> -> memref<1x80xi32, #tpu.memory_space<vmem>>
        %dma_wait3A_143 = tpu.memref_squeeze %dma_wait3A_142 : memref<1x80xi32, #tpu.memory_space<vmem>> -> memref<80xi32, #tpu.memory_space<vmem>>
        %dma_wait3A_144 = arith.constant 0 : i32
        %dma_wait3A_145 = arith.constant 0 : i32
        %dma_wait3A_146 = tpu.memref_slice %arg2[%dma_wait3A_144, %dma_wait3A_145] : memref<10240x128xf32, #tpu.memory_space<hbm>> -> memref<10240x128xf32, #tpu.memory_space<hbm>>
        tpu.wait_indirect_dma semaphore(%arg14 : memref<!tpu.dma_semaphore, #tpu.memory_space<semaphore_mem>>) src(%dma_wait3A_146 : memref<10240x128xf32, #tpu.memory_space<hbm>>) dst(%arg9 : memref<80x128xf32, #tpu.memory_space<vmem>>)
        %dma_start3A_147 = arith.constant 0 : i32
        %dma_start3A_148 = tpu.memref_slice %arg6[%add3A_140, %dma_start3A_147] : memref<25x80xi32, #tpu.memory_space<vmem>> -> memref<1x80xi32, #tpu.memory_space<vmem>>
        %dma_start3A_149 = tpu.memref_squeeze %dma_start3A_148 : memref<1x80xi32, #tpu.memory_space<vmem>> -> memref<80xi32, #tpu.memory_space<vmem>>
        %dma_start3A_150 = arith.constant 0 : i32
        %dma_start3A_151 = arith.constant 0 : i32
        %dma_start3A_152 = tpu.memref_slice %arg11[%dma_start3A_150, %dma_start3A_151] : memref<10112x128xf32, #tpu.memory_space<vmem_shared>> -> memref<10112x128xf32, #tpu.memory_space<vmem_shared>>
        tpu.enqueue_indirect_dma source(%arg9 : memref<80x128xf32, #tpu.memory_space<vmem>>) target(%dma_start3A_152 : memref<10112x128xf32, #tpu.memory_space<vmem_shared>>) offsets(%dma_start3A_149 : memref<80xi32, #tpu.memory_space<vmem>>) semaphore(%arg18 : memref<!tpu.dma_semaphore, #tpu.memory_space<semaphore_mem>>) {add = true}
        %mul3A_153 = arith.constant 4 : i32
        %mul3A_154 = arith.muli %scan3A_104, %mul3A_153 : i32
        %add3A_155 = arith.constant 3 : i32
        %add3A_156 = arith.addi %mul3A_154, %add3A_155 : i32
        %dma_wait3A_157 = arith.constant 0 : i32
        %dma_wait3A_158 = tpu.memref_slice %arg5[%add3A_156, %dma_wait3A_157] : memref<25x80xi32, #tpu.memory_space<vmem>> -> memref<1x80xi32, #tpu.memory_space<vmem>>
        %dma_wait3A_159 = tpu.memref_squeeze %dma_wait3A_158 : memref<1x80xi32, #tpu.memory_space<vmem>> -> memref<80xi32, #tpu.memory_space<vmem>>
        %dma_wait3A_160 = arith.constant 0 : i32
        %dma_wait3A_161 = arith.constant 0 : i32
        %dma_wait3A_162 = tpu.memref_slice %arg2[%dma_wait3A_160, %dma_wait3A_161] : memref<10240x128xf32, #tpu.memory_space<hbm>> -> memref<10240x128xf32, #tpu.memory_space<hbm>>
        tpu.wait_indirect_dma semaphore(%arg15 : memref<!tpu.dma_semaphore, #tpu.memory_space<semaphore_mem>>) src(%dma_wait3A_162 : memref<10240x128xf32, #tpu.memory_space<hbm>>) dst(%arg10 : memref<80x128xf32, #tpu.memory_space<vmem>>)
        %dma_start3A_163 = arith.constant 0 : i32
        %dma_start3A_164 = tpu.memref_slice %arg6[%add3A_156, %dma_start3A_163] : memref<25x80xi32, #tpu.memory_space<vmem>> -> memref<1x80xi32, #tpu.memory_space<vmem>>
        %dma_start3A_165 = tpu.memref_squeeze %dma_start3A_164 : memref<1x80xi32, #tpu.memory_space<vmem>> -> memref<80xi32, #tpu.memory_space<vmem>>
        %dma_start3A_166 = arith.constant 0 : i32
        %dma_start3A_167 = arith.constant 0 : i32
        %dma_start3A_168 = tpu.memref_slice %arg11[%dma_start3A_166, %dma_start3A_167] : memref<10112x128xf32, #tpu.memory_space<vmem_shared>> -> memref<10112x128xf32, #tpu.memory_space<vmem_shared>>
        tpu.enqueue_indirect_dma source(%arg10 : memref<80x128xf32, #tpu.memory_space<vmem>>) target(%dma_start3A_168 : memref<10112x128xf32, #tpu.memory_space<vmem_shared>>) offsets(%dma_start3A_165 : memref<80xi32, #tpu.memory_space<vmem>>) semaphore(%arg19 : memref<!tpu.dma_semaphore, #tpu.memory_space<semaphore_mem>>) {add = true}
        %mul3A_169 = arith.constant 4 : i32
        %mul3A_170 = arith.muli %scan3A_104, %mul3A_169 : i32
        %add3A_171 = arith.constant 0 : i32
        %add3A_172 = arith.addi %mul3A_170, %add3A_171 : i32
        %dma_wait3A_173 = arith.constant 0 : i32
        %dma_wait3A_174 = tpu.memref_slice %arg6[%add3A_172, %dma_wait3A_173] : memref<25x80xi32, #tpu.memory_space<vmem>> -> memref<1x80xi32, #tpu.memory_space<vmem>>
        %dma_wait3A_175 = tpu.memref_squeeze %dma_wait3A_174 : memref<1x80xi32, #tpu.memory_space<vmem>> -> memref<80xi32, #tpu.memory_space<vmem>>
        %dma_wait3A_176 = arith.constant 0 : i32
        %dma_wait3A_177 = arith.constant 0 : i32
        %dma_wait3A_178 = tpu.memref_slice %arg11[%dma_wait3A_176, %dma_wait3A_177] : memref<10112x128xf32, #tpu.memory_space<vmem_shared>> -> memref<10112x128xf32, #tpu.memory_space<vmem_shared>>
        tpu.wait_indirect_dma semaphore(%arg16 : memref<!tpu.dma_semaphore, #tpu.memory_space<semaphore_mem>>) src(%arg7 : memref<80x128xf32, #tpu.memory_space<vmem>>) dst(%dma_wait3A_178 : memref<10112x128xf32, #tpu.memory_space<vmem_shared>>)
        %eq3A = arith.constant 5 : i32
        %eq3A_179 = arith.cmpi eq, %scan3A_104, %eq3A : i32
        %convert_element_type3A = arith.extui %eq3A_179 : i1 to i32
        %cond3A = arith.constant 0 : i32
        %cond3A_180 = arith.cmpi ne, %convert_element_type3A, %cond3A : i32
        scf.if %cond3A_180 {
          %dma_start3A_230 = arith.constant 24 : i32
          %dma_start3A_231 = arith.constant 0 : i32
          %dma_start3A_232 = tpu.memref_slice %arg5[%dma_start3A_230, %dma_start3A_231] : memref<25x80xi32, #tpu.memory_space<vmem>> -> memref<1x80xi32, #tpu.memory_space<vmem>>
          %dma_start3A_233 = tpu.memref_squeeze %dma_start3A_232 : memref<1x80xi32, #tpu.memory_space<vmem>> -> memref<80xi32, #tpu.memory_space<vmem>>
          %dma_start3A_234 = arith.constant 0 : i32
          %dma_start3A_235 = arith.constant 0 : i32
          %dma_start3A_236 = tpu.memref_slice %arg2[%dma_start3A_234, %dma_start3A_235] : memref<10240x128xf32, #tpu.memory_space<hbm>> -> memref<10240x128xf32, #tpu.memory_space<hbm>>
          tpu.enqueue_indirect_dma source(%dma_start3A_236 : memref<10240x128xf32, #tpu.memory_space<hbm>>) target(%arg7 : memref<80x128xf32, #tpu.memory_space<vmem>>) offsets(%dma_start3A_233 : memref<80xi32, #tpu.memory_space<vmem>>) semaphore(%arg12 : memref<!tpu.dma_semaphore, #tpu.memory_space<semaphore_mem>>)
        } else {
        }
        %lt3A = arith.constant 5 : i32
        %lt3A_181 = arith.cmpi slt, %scan3A_104, %lt3A : i32
        %convert_element_type3A_182 = arith.extui %lt3A_181 : i1 to i32
        %cond3A_183 = arith.constant 0 : i32
        %cond3A_184 = arith.cmpi ne, %convert_element_type3A_182, %cond3A_183 : i32
        scf.if %cond3A_184 {
          %add3A_230 = arith.constant 4 : i32
          %add3A_231 = arith.addi %add3A_172, %add3A_230 : i32
          %dma_start3A_232 = arith.constant 0 : i32
          %dma_start3A_233 = tpu.memref_slice %arg5[%add3A_231, %dma_start3A_232] : memref<25x80xi32, #tpu.memory_space<vmem>> -> memref<1x80xi32, #tpu.memory_space<vmem>>
          %dma_start3A_234 = tpu.memref_squeeze %dma_start3A_233 : memref<1x80xi32, #tpu.memory_space<vmem>> -> memref<80xi32, #tpu.memory_space<vmem>>
          %dma_start3A_235 = arith.constant 0 : i32
          %dma_start3A_236 = arith.constant 0 : i32
          %dma_start3A_237 = tpu.memref_slice %arg2[%dma_start3A_235, %dma_start3A_236] : memref<10240x128xf32, #tpu.memory_space<hbm>> -> memref<10240x128xf32, #tpu.memory_space<hbm>>
          tpu.enqueue_indirect_dma source(%dma_start3A_237 : memref<10240x128xf32, #tpu.memory_space<hbm>>) target(%arg7 : memref<80x128xf32, #tpu.memory_space<vmem>>) offsets(%dma_start3A_234 : memref<80xi32, #tpu.memory_space<vmem>>) semaphore(%arg12 : memref<!tpu.dma_semaphore, #tpu.memory_space<semaphore_mem>>)
        } else {
        }
        %mul3A_185 = arith.constant 4 : i32
        %mul3A_186 = arith.muli %scan3A_104, %mul3A_185 : i32
        %add3A_187 = arith.constant 1 : i32
        %add3A_188 = arith.addi %mul3A_186, %add3A_187 : i32
        %dma_wait3A_189 = arith.constant 0 : i32
        %dma_wait3A_190 = tpu.memref_slice %arg6[%add3A_188, %dma_wait3A_189] : memref<25x80xi32, #tpu.memory_space<vmem>> -> memref<1x80xi32, #tpu.memory_space<vmem>>
        %dma_wait3A_191 = tpu.memref_squeeze %dma_wait3A_190 : memref<1x80xi32, #tpu.memory_space<vmem>> -> memref<80xi32, #tpu.memory_space<vmem>>
        %dma_wait3A_192 = arith.constant 0 : i32
        %dma_wait3A_193 = arith.constant 0 : i32
        %dma_wait3A_194 = tpu.memref_slice %arg11[%dma_wait3A_192, %dma_wait3A_193] : memref<10112x128xf32, #tpu.memory_space<vmem_shared>> -> memref<10112x128xf32, #tpu.memory_space<vmem_shared>>
        tpu.wait_indirect_dma semaphore(%arg17 : memref<!tpu.dma_semaphore, #tpu.memory_space<semaphore_mem>>) src(%arg8 : memref<80x128xf32, #tpu.memory_space<vmem>>) dst(%dma_wait3A_194 : memref<10112x128xf32, #tpu.memory_space<vmem_shared>>)
        %lt3A_195 = arith.constant 5 : i32
        %lt3A_196 = arith.cmpi slt, %scan3A_104, %lt3A_195 : i32
        %convert_element_type3A_197 = arith.extui %lt3A_196 : i1 to i32
        %cond3A_198 = arith.constant 0 : i32
        %cond3A_199 = arith.cmpi ne, %convert_element_type3A_197, %cond3A_198 : i32
        scf.if %cond3A_199 {
          %add3A_230 = arith.constant 4 : i32
          %add3A_231 = arith.addi %add3A_188, %add3A_230 : i32
          %dma_start3A_232 = arith.constant 0 : i32
          %dma_start3A_233 = tpu.memref_slice %arg5[%add3A_231, %dma_start3A_232] : memref<25x80xi32, #tpu.memory_space<vmem>> -> memref<1x80xi32, #tpu.memory_space<vmem>>
          %dma_start3A_234 = tpu.memref_squeeze %dma_start3A_233 : memref<1x80xi32, #tpu.memory_space<vmem>> -> memref<80xi32, #tpu.memory_space<vmem>>
          %dma_start3A_235 = arith.constant 0 : i32
          %dma_start3A_236 = arith.constant 0 : i32
          %dma_start3A_237 = tpu.memref_slice %arg2[%dma_start3A_235, %dma_start3A_236] : memref<10240x128xf32, #tpu.memory_space<hbm>> -> memref<10240x128xf32, #tpu.memory_space<hbm>>
          tpu.enqueue_indirect_dma source(%dma_start3A_237 : memref<10240x128xf32, #tpu.memory_space<hbm>>) target(%arg8 : memref<80x128xf32, #tpu.memory_space<vmem>>) offsets(%dma_start3A_234 : memref<80xi32, #tpu.memory_space<vmem>>) semaphore(%arg13 : memref<!tpu.dma_semaphore, #tpu.memory_space<semaphore_mem>>)
        } else {
        }
        %mul3A_200 = arith.constant 4 : i32
        %mul3A_201 = arith.muli %scan3A_104, %mul3A_200 : i32
        %add3A_202 = arith.constant 2 : i32
        %add3A_203 = arith.addi %mul3A_201, %add3A_202 : i32
        %dma_wait3A_204 = arith.constant 0 : i32
        %dma_wait3A_205 = tpu.memref_slice %arg6[%add3A_203, %dma_wait3A_204] : memref<25x80xi32, #tpu.memory_space<vmem>> -> memref<1x80xi32, #tpu.memory_space<vmem>>
        %dma_wait3A_206 = tpu.memref_squeeze %dma_wait3A_205 : memref<1x80xi32, #tpu.memory_space<vmem>> -> memref<80xi32, #tpu.memory_space<vmem>>
        %dma_wait3A_207 = arith.constant 0 : i32
        %dma_wait3A_208 = arith.constant 0 : i32
        %dma_wait3A_209 = tpu.memref_slice %arg11[%dma_wait3A_207, %dma_wait3A_208] : memref<10112x128xf32, #tpu.memory_space<vmem_shared>> -> memref<10112x128xf32, #tpu.memory_space<vmem_shared>>
        tpu.wait_indirect_dma semaphore(%arg18 : memref<!tpu.dma_semaphore, #tpu.memory_space<semaphore_mem>>) src(%arg9 : memref<80x128xf32, #tpu.memory_space<vmem>>) dst(%dma_wait3A_209 : memref<10112x128xf32, #tpu.memory_space<vmem_shared>>)
        %lt3A_210 = arith.constant 5 : i32
        %lt3A_211 = arith.cmpi slt, %scan3A_104, %lt3A_210 : i32
        %convert_element_type3A_212 = arith.extui %lt3A_211 : i1 to i32
        %cond3A_213 = arith.constant 0 : i32
        %cond3A_214 = arith.cmpi ne, %convert_element_type3A_212, %cond3A_213 : i32
        scf.if %cond3A_214 {
          %add3A_230 = arith.constant 4 : i32
          %add3A_231 = arith.addi %add3A_203, %add3A_230 : i32
          %dma_start3A_232 = arith.constant 0 : i32
          %dma_start3A_233 = tpu.memref_slice %arg5[%add3A_231, %dma_start3A_232] : memref<25x80xi32, #tpu.memory_space<vmem>> -> memref<1x80xi32, #tpu.memory_space<vmem>>
          %dma_start3A_234 = tpu.memref_squeeze %dma_start3A_233 : memref<1x80xi32, #tpu.memory_space<vmem>> -> memref<80xi32, #tpu.memory_space<vmem>>
          %dma_start3A_235 = arith.constant 0 : i32
          %dma_start3A_236 = arith.constant 0 : i32
          %dma_start3A_237 = tpu.memref_slice %arg2[%dma_start3A_235, %dma_start3A_236] : memref<10240x128xf32, #tpu.memory_space<hbm>> -> memref<10240x128xf32, #tpu.memory_space<hbm>>
          tpu.enqueue_indirect_dma source(%dma_start3A_237 : memref<10240x128xf32, #tpu.memory_space<hbm>>) target(%arg9 : memref<80x128xf32, #tpu.memory_space<vmem>>) offsets(%dma_start3A_234 : memref<80xi32, #tpu.memory_space<vmem>>) semaphore(%arg14 : memref<!tpu.dma_semaphore, #tpu.memory_space<semaphore_mem>>)
        } else {
        }
        %mul3A_215 = arith.constant 4 : i32
        %mul3A_216 = arith.muli %scan3A_104, %mul3A_215 : i32
        %add3A_217 = arith.constant 3 : i32
        %add3A_218 = arith.addi %mul3A_216, %add3A_217 : i32
        %dma_wait3A_219 = arith.constant 0 : i32
        %dma_wait3A_220 = tpu.memref_slice %arg6[%add3A_218, %dma_wait3A_219] : memref<25x80xi32, #tpu.memory_space<vmem>> -> memref<1x80xi32, #tpu.memory_space<vmem>>
        %dma_wait3A_221 = tpu.memref_squeeze %dma_wait3A_220 : memref<1x80xi32, #tpu.memory_space<vmem>> -> memref<80xi32, #tpu.memory_space<vmem>>
        %dma_wait3A_222 = arith.constant 0 : i32
        %dma_wait3A_223 = arith.constant 0 : i32
        %dma_wait3A_224 = tpu.memref_slice %arg11[%dma_wait3A_222, %dma_wait3A_223] : memref<10112x128xf32, #tpu.memory_space<vmem_shared>> -> memref<10112x128xf32, #tpu.memory_space<vmem_shared>>
        tpu.wait_indirect_dma semaphore(%arg19 : memref<!tpu.dma_semaphore, #tpu.memory_space<semaphore_mem>>) src(%arg10 : memref<80x128xf32, #tpu.memory_space<vmem>>) dst(%dma_wait3A_224 : memref<10112x128xf32, #tpu.memory_space<vmem_shared>>)
        %lt3A_225 = arith.constant 5 : i32
        %lt3A_226 = arith.cmpi slt, %scan3A_104, %lt3A_225 : i32
        %convert_element_type3A_227 = arith.extui %lt3A_226 : i1 to i32
        %cond3A_228 = arith.constant 0 : i32
        %cond3A_229 = arith.cmpi ne, %convert_element_type3A_227, %cond3A_228 : i32
        scf.if %cond3A_229 {
          %add3A_230 = arith.constant 4 : i32
          %add3A_231 = arith.addi %add3A_218, %add3A_230 : i32
          %dma_start3A_232 = arith.constant 0 : i32
          %dma_start3A_233 = tpu.memref_slice %arg5[%add3A_231, %dma_start3A_232] : memref<25x80xi32, #tpu.memory_space<vmem>> -> memref<1x80xi32, #tpu.memory_space<vmem>>
          %dma_start3A_234 = tpu.memref_squeeze %dma_start3A_233 : memref<1x80xi32, #tpu.memory_space<vmem>> -> memref<80xi32, #tpu.memory_space<vmem>>
          %dma_start3A_235 = arith.constant 0 : i32
          %dma_start3A_236 = arith.constant 0 : i32
          %dma_start3A_237 = tpu.memref_slice %arg2[%dma_start3A_235, %dma_start3A_236] : memref<10240x128xf32, #tpu.memory_space<hbm>> -> memref<10240x128xf32, #tpu.memory_space<hbm>>
          tpu.enqueue_indirect_dma source(%dma_start3A_237 : memref<10240x128xf32, #tpu.memory_space<hbm>>) target(%arg10 : memref<80x128xf32, #tpu.memory_space<vmem>>) offsets(%dma_start3A_234 : memref<80xi32, #tpu.memory_space<vmem>>) semaphore(%arg15 : memref<!tpu.dma_semaphore, #tpu.memory_space<semaphore_mem>>)
        } else {
        }
      }
      %scan3A_83 = arith.constant 6 : i32
      %dma_wait3A = arith.constant 24 : i32
      %dma_wait3A_84 = arith.constant 0 : i32
      %dma_wait3A_85 = tpu.memref_slice %arg5[%dma_wait3A, %dma_wait3A_84] : memref<25x80xi32, #tpu.memory_space<vmem>> -> memref<1x80xi32, #tpu.memory_space<vmem>>
      %dma_wait3A_86 = tpu.memref_squeeze %dma_wait3A_85 : memref<1x80xi32, #tpu.memory_space<vmem>> -> memref<80xi32, #tpu.memory_space<vmem>>
      %dma_wait3A_87 = arith.constant 0 : i32
      %dma_wait3A_88 = arith.constant 0 : i32
      %dma_wait3A_89 = tpu.memref_slice %arg2[%dma_wait3A_87, %dma_wait3A_88] : memref<10240x128xf32, #tpu.memory_space<hbm>> -> memref<10240x128xf32, #tpu.memory_space<hbm>>
      tpu.wait_indirect_dma semaphore(%arg12 : memref<!tpu.dma_semaphore, #tpu.memory_space<semaphore_mem>>) src(%dma_wait3A_89 : memref<10240x128xf32, #tpu.memory_space<hbm>>) dst(%arg7 : memref<80x128xf32, #tpu.memory_space<vmem>>)
      %dma_start3A_90 = arith.constant 24 : i32
      %dma_start3A_91 = arith.constant 0 : i32
      %dma_start3A_92 = tpu.memref_slice %arg6[%dma_start3A_90, %dma_start3A_91] : memref<25x80xi32, #tpu.memory_space<vmem>> -> memref<1x80xi32, #tpu.memory_space<vmem>>
      %dma_start3A_93 = tpu.memref_squeeze %dma_start3A_92 : memref<1x80xi32, #tpu.memory_space<vmem>> -> memref<80xi32, #tpu.memory_space<vmem>>
      %dma_start3A_94 = arith.constant 0 : i32
      %dma_start3A_95 = arith.constant 0 : i32
      %dma_start3A_96 = tpu.memref_slice %arg11[%dma_start3A_94, %dma_start3A_95] : memref<10112x128xf32, #tpu.memory_space<vmem_shared>> -> memref<10112x128xf32, #tpu.memory_space<vmem_shared>>
      tpu.enqueue_indirect_dma source(%arg7 : memref<80x128xf32, #tpu.memory_space<vmem>>) target(%dma_start3A_96 : memref<10112x128xf32, #tpu.memory_space<vmem_shared>>) offsets(%dma_start3A_93 : memref<80xi32, #tpu.memory_space<vmem>>) semaphore(%arg16 : memref<!tpu.dma_semaphore, #tpu.memory_space<semaphore_mem>>) {add = true}
      %dma_wait3A_97 = arith.constant 24 : i32
      %dma_wait3A_98 = arith.constant 0 : i32
      %dma_wait3A_99 = tpu.memref_slice %arg6[%dma_wait3A_97, %dma_wait3A_98] : memref<25x80xi32, #tpu.memory_space<vmem>> -> memref<1x80xi32, #tpu.memory_space<vmem>>
      %dma_wait3A_100 = tpu.memref_squeeze %dma_wait3A_99 : memref<1x80xi32, #tpu.memory_space<vmem>> -> memref<80xi32, #tpu.memory_space<vmem>>
      %dma_wait3A_101 = arith.constant 0 : i32
      %dma_wait3A_102 = arith.constant 0 : i32
      %dma_wait3A_103 = tpu.memref_slice %arg11[%dma_wait3A_101, %dma_wait3A_102] : memref<10112x128xf32, #tpu.memory_space<vmem_shared>> -> memref<10112x128xf32, #tpu.memory_space<vmem_shared>>
      tpu.wait_indirect_dma semaphore(%arg16 : memref<!tpu.dma_semaphore, #tpu.memory_space<semaphore_mem>>) src(%arg7 : memref<80x128xf32, #tpu.memory_space<vmem>>) dst(%dma_wait3A_103 : memref<10112x128xf32, #tpu.memory_space<vmem_shared>>)
    }
    %scan3A_43 = arith.constant 5 : i32
    %barrier3A_44 = arith.constant 0 : index
    tpu.barrier barrier_id(%barrier3A_44)
    %mul3A_45 = arith.constant 632 : i32
    %mul3A_46 = arith.muli %arg1, %mul3A_45 : i32
    %mul3A_47 = arith.constant 632 : i32
    %mul3A_48 = arith.muli %arg1, %mul3A_47 : i32
    "tpu.region"() ({
      %run_scoped3A = tpu.sem_alloc : memref<!tpu.dma_semaphore, #tpu.memory_space<semaphore_mem>>
      %dma_start3A = arith.constant 0 : i32
      %dma_start3A_49 = tpu.memref_slice %arg4[%arg0, %mul3A_48, %dma_start3A] : memref<2x10112x128xf32, #tpu.memory_space<hbm>> -> memref<1x632x128xf32, #tpu.memory_space<hbm>>
      %dma_start3A_50 = tpu.memref_squeeze %dma_start3A_49 : memref<1x632x128xf32, #tpu.memory_space<hbm>> -> memref<632x128xf32, #tpu.memory_space<hbm>>
      %dma_start3A_51 = arith.constant 0 : i32
      %dma_start3A_52 = tpu.memref_slice %arg11[%mul3A_46, %dma_start3A_51] : memref<10112x128xf32, #tpu.memory_space<vmem_shared>> -> memref<632x128xf32, #tpu.memory_space<vmem_shared>>
      tpu.enqueue_dma source(%dma_start3A_52 : memref<632x128xf32, #tpu.memory_space<vmem_shared>>) target(%dma_start3A_50 : memref<632x128xf32, #tpu.memory_space<hbm>>) target_semaphore(%run_scoped3A : memref<!tpu.dma_semaphore, #tpu.memory_space<semaphore_mem>>)
      %dma_wait3A = arith.constant 0 : i32
      %dma_wait3A_53 = tpu.memref_slice %arg4[%arg0, %mul3A_48, %dma_wait3A] : memref<2x10112x128xf32, #tpu.memory_space<hbm>> -> memref<1x632x128xf32, #tpu.memory_space<hbm>>
      %dma_wait3A_54 = tpu.memref_squeeze %dma_wait3A_53 : memref<1x632x128xf32, #tpu.memory_space<hbm>> -> memref<632x128xf32, #tpu.memory_space<hbm>>
      %dma_wait3A_55 = arith.constant 0 : i32
      %dma_wait3A_56 = tpu.memref_slice %arg11[%mul3A_46, %dma_wait3A_55] : memref<10112x128xf32, #tpu.memory_space<vmem_shared>> -> memref<632x128xf32, #tpu.memory_space<vmem_shared>>
      tpu.wait_dma2 semaphore(%run_scoped3A : memref<!tpu.dma_semaphore, #tpu.memory_space<semaphore_mem>>) src(%dma_wait3A_56 : memref<632x128xf32, #tpu.memory_space<vmem_shared>>) dst(%dma_wait3A_54 : memref<632x128xf32, #tpu.memory_space<hbm>>)
      tpu.yield
    }) : () -> ()
    return
  }
}

module attributes {stable_mosaic.version = 14 : i64} {
  func.func @_final_body(%arg0: i32, %arg1: memref<2x1024x128xf32, #tpu.memory_space<vmem>>, %arg2: memref<2x2x1024xf32, #tpu.memory_space<vmem>>, %arg3: memref<1024x128xf32, #tpu.memory_space<vmem>>, %arg4: memref<1x128xf32, #tpu.memory_space<vmem>>, %arg5: memref<1024x128xf32, #tpu.memory_space<vmem>>) attributes {dimension_semantics = [#tpu.dimension_semantics<arbitrary>], iteration_bounds = array<i64: 10>, scalar_prefetch = 0 : i64, scratch_operands = 0 : i64, tpu.core_type = #tpu.core_type<tc>, window_params = [{transform_indices = @transform_0, window_bounds = array<i64: 2, 1024, 128>}, {transform_indices = @transform_1, window_bounds = array<i64: 2, 2, 1024>}, {transform_indices = @transform_2, window_bounds = array<i64: 1024, 128>}, {pipeline_mode = #tpu.pipeline_mode<synchronous>, transform_indices = @transform_3, window_bounds = array<i64: 1, 128>}, {transform_indices = @transform_4, window_bounds = array<i64: 1024, 128>}]} {
    %get3A = arith.constant 0 : index
    %get3A_0 = arith.constant 0 : index
    %get3A_1 = arith.constant 0 : index
    %get3A_2 = vector.load %arg1[%get3A, %get3A_0, %get3A_1] : memref<2x1024x128xf32, #tpu.memory_space<vmem>>, vector<1x1024x128xf32>
    %get3A_3 = vector.shape_cast %get3A_2 : vector<1x1024x128xf32> to vector<1024x128xf32>
    %get3A_4 = arith.constant 1 : index
    %get3A_5 = arith.constant 0 : index
    %get3A_6 = arith.constant 0 : index
    %get3A_7 = vector.load %arg1[%get3A_4, %get3A_5, %get3A_6] : memref<2x1024x128xf32, #tpu.memory_space<vmem>>, vector<1x1024x128xf32>
    %get3A_8 = vector.shape_cast %get3A_7 : vector<1x1024x128xf32> to vector<1024x128xf32>
    %add3A = arith.addf %get3A_3, %get3A_8 : vector<1024x128xf32>
    %get3A_9 = arith.constant 0 : index
    %get3A_10 = arith.constant 1 : index
    %get3A_11 = arith.constant 0 : index
    %get3A_12 = vector.load %arg2[%get3A_9, %get3A_10, %get3A_11] : memref<2x2x1024xf32, #tpu.memory_space<vmem>>, vector<1x1x1024xf32>
    %get3A_13 = vector.shape_cast %get3A_12 : vector<1x1x1024xf32> to vector<1024xf32>
    %get3A_14 = arith.constant 1 : index
    %get3A_15 = arith.constant 1 : index
    %get3A_16 = arith.constant 0 : index
    %get3A_17 = vector.load %arg2[%get3A_14, %get3A_15, %get3A_16] : memref<2x2x1024xf32, #tpu.memory_space<vmem>>, vector<1x1x1024xf32>
    %get3A_18 = vector.shape_cast %get3A_17 : vector<1x1x1024xf32> to vector<1024xf32>
    %add3A_19 = arith.addf %get3A_13, %get3A_18 : vector<1024xf32>
    %max3A = arith.constant 1.000000e+00 : f32
    %max3A_20 = vector.broadcast %max3A : f32 to vector<1024xf32>
    %max3A_21 = arith.maximumf %add3A_19, %max3A_20 : vector<1024xf32>
    %rsqrt3A = math.rsqrt %max3A_21 : vector<1024xf32>
    %broadcast_in_dim3A = vector.shape_cast %rsqrt3A : vector<1024xf32> to vector<1024x1xf32>
    %get3A_22 = arith.constant 0 : index
    %get3A_23 = arith.constant 0 : index
    %get3A_24 = vector.load %arg4[%get3A_22, %get3A_23] : memref<1x128xf32, #tpu.memory_space<vmem>>, vector<1x128xf32>
    %add3A_25 = vector.broadcast %get3A_24 : vector<1x128xf32> to vector<1024x128xf32>
    %add3A_26 = arith.addf %add3A, %add3A_25 : vector<1024x128xf32>
    %mul3A = vector.broadcast %broadcast_in_dim3A : vector<1024x1xf32> to vector<1024x128xf32>
    %mul3A_27 = arith.mulf %add3A_26, %mul3A : vector<1024x128xf32>
    %get3A_28 = arith.constant 0 : index
    %get3A_29 = arith.constant 0 : index
    %get3A_30 = vector.load %arg3[%get3A_28, %get3A_29] : memref<1024x128xf32, #tpu.memory_space<vmem>>, vector<1024x128xf32>
    %add3A_31 = arith.addf %mul3A_27, %get3A_30 : vector<1024x128xf32>
    %swap3A = arith.constant 0 : index
    %swap3A_32 = arith.constant 0 : index
    %swap3A_33 = vector.load %arg5[%swap3A, %swap3A_32] : memref<1024x128xf32, #tpu.memory_space<vmem>>, vector<1024x128xf32>
    tpu.vector_store %arg5[%swap3A, %swap3A_32], %add3A_31 {strides = array<i32>} : memref<1024x128xf32, #tpu.memory_space<vmem>>, vector<1024x128xf32>,
    return
  }
  func.func @transform_0(%arg0: i32) -> (i32, i32, i32) {
    %c0_i32 = arith.constant 0 : i32
    %c0_i32_0 = arith.constant 0 : i32
    %c0_i32_1 = arith.constant 0 : i32
    return %c0_i32, %arg0, %c0_i32_0 : i32, i32, i32
  }
  func.func @transform_1(%arg0: i32) -> (i32, i32, i32) {
    %c0_i32 = arith.constant 0 : i32
    %c0_i32_0 = arith.constant 0 : i32
    %c0_i32_1 = arith.constant 0 : i32
    return %c0_i32, %c0_i32_0, %arg0 : i32, i32, i32
  }
  func.func @transform_2(%arg0: i32) -> (i32, i32) {
    %c0_i32 = arith.constant 0 : i32
    %c0_i32_0 = arith.constant 0 : i32
    return %arg0, %c0_i32 : i32, i32
  }
  func.func @transform_3(%arg0: i32) -> (i32, i32) {
    %c0_i32 = arith.constant 0 : i32
    %c0_i32_0 = arith.constant 0 : i32
    %c0_i32_1 = arith.constant 0 : i32
    return %c0_i32, %c0_i32_0 : i32, i32
  }
  func.func @transform_4(%arg0: i32) -> (i32, i32) {
    %c0_i32 = arith.constant 0 : i32
    %c0_i32_0 = arith.constant 0 : i32
    return %arg0, %c0_i32 : i32, i32
  }
}

module attributes {stable_mosaic.version = 14 : i64} {
  func.func @_scale_body(%arg0: i32, %arg1: memref<2x2x1024xf32, #tpu.memory_space<vmem>>, %arg2: memref<1024x128xf32, #tpu.memory_space<vmem>>, %arg3: memref<128x128xf32, #tpu.memory_space<vmem>>, %arg4: memref<1024x128xf32, #tpu.memory_space<vmem>>) attributes {dimension_semantics = [#tpu.dimension_semantics<arbitrary>], iteration_bounds = array<i64: 10>, scalar_prefetch = 0 : i64, scratch_operands = 0 : i64, tpu.core_type = #tpu.core_type<tc>, window_params = [{transform_indices = @transform_0, window_bounds = array<i64: 2, 2, 1024>}, {transform_indices = @transform_1, window_bounds = array<i64: 1024, 128>}, {pipeline_mode = #tpu.pipeline_mode<synchronous>, transform_indices = @transform_2, window_bounds = array<i64: 128, 128>}, {transform_indices = @transform_3, window_bounds = array<i64: 1024, 128>}]} {
    %get3A = arith.constant 0 : index
    %get3A_0 = arith.constant 0 : index
    %get3A_1 = arith.constant 0 : index
    %get3A_2 = vector.load %arg1[%get3A, %get3A_0, %get3A_1] : memref<2x2x1024xf32, #tpu.memory_space<vmem>>, vector<1x1x1024xf32>
    %get3A_3 = vector.shape_cast %get3A_2 : vector<1x1x1024xf32> to vector<1024xf32>
    %get3A_4 = arith.constant 1 : index
    %get3A_5 = arith.constant 0 : index
    %get3A_6 = arith.constant 0 : index
    %get3A_7 = vector.load %arg1[%get3A_4, %get3A_5, %get3A_6] : memref<2x2x1024xf32, #tpu.memory_space<vmem>>, vector<1x1x1024xf32>
    %get3A_8 = vector.shape_cast %get3A_7 : vector<1x1x1024xf32> to vector<1024xf32>
    %add3A = arith.addf %get3A_3, %get3A_8 : vector<1024xf32>
    %max3A = arith.constant 1.000000e+00 : f32
    %max3A_9 = vector.broadcast %max3A : f32 to vector<1024xf32>
    %max3A_10 = arith.maximumf %add3A, %max3A_9 : vector<1024xf32>
    %rsqrt3A = math.rsqrt %max3A_10 : vector<1024xf32>
    %get3A_11 = arith.constant 0 : index
    %get3A_12 = arith.constant 0 : index
    %get3A_13 = vector.load %arg2[%get3A_11, %get3A_12] : memref<1024x128xf32, #tpu.memory_space<vmem>>, vector<1024x128xf32>
    %get3A_14 = arith.constant 0 : index
    %get3A_15 = arith.constant 0 : index
    %get3A_16 = vector.load %arg3[%get3A_14, %get3A_15] : memref<128x128xf32, #tpu.memory_space<vmem>>, vector<128x128xf32>
    %dot_general3A = arith.constant dense<0.000000e+00> : vector<1024x128xf32>
    %dot_general3A_17 = tpu.matmul %get3A_13, %get3A_16, %dot_general3A {dimension_numbers = #tpu.dot_dimension_numbers<[1], [0], [0], [1], [0, 0, 1, 1], [], []>, transpose_lhs_hint = false} : vector<1024x128xf32>, vector<128x128xf32>, vector<1024x128xf32> -> vector<1024x128xf32>
    %broadcast_in_dim3A = vector.shape_cast %rsqrt3A : vector<1024xf32> to vector<1024x1xf32>
    %mul3A = vector.broadcast %broadcast_in_dim3A : vector<1024x1xf32> to vector<1024x128xf32>
    %mul3A_18 = arith.mulf %dot_general3A_17, %mul3A : vector<1024x128xf32>
    %swap3A = arith.constant 0 : index
    %swap3A_19 = arith.constant 0 : index
    %swap3A_20 = vector.load %arg4[%swap3A, %swap3A_19] : memref<1024x128xf32, #tpu.memory_space<vmem>>, vector<1024x128xf32>
    tpu.vector_store %arg4[%swap3A, %swap3A_19], %mul3A_18 {strides = array<i32>} : memref<1024x128xf32, #tpu.memory_space<vmem>>, vector<1024x128xf32>,
    return
  }
  func.func @transform_0(%arg0: i32) -> (i32, i32, i32) {
    %c0_i32 = arith.constant 0 : i32
    %c0_i32_0 = arith.constant 0 : i32
    %c0_i32_1 = arith.constant 0 : i32
    return %c0_i32, %c0_i32_0, %arg0 : i32, i32, i32
  }
  func.func @transform_1(%arg0: i32) -> (i32, i32) {
    %c0_i32 = arith.constant 0 : i32
    %c0_i32_0 = arith.constant 0 : i32
    return %arg0, %c0_i32 : i32, i32
  }
  func.func @transform_2(%arg0: i32) -> (i32, i32) {
    %c0_i32 = arith.constant 0 : i32
    %c0_i32_0 = arith.constant 0 : i32
    %c0_i32_1 = arith.constant 0 : i32
    return %c0_i32, %c0_i32_0 : i32, i32
  }
  func.func @transform_3(%arg0: i32) -> (i32, i32) {
    %c0_i32 = arith.constant 0 : i32
    %c0_i32_0 = arith.constant 0 : i32
    return %arg0, %c0_i32 : i32, i32
  }
}

</mosaic_0001>

<sc_bundles>
// kernel: kernel.6.cloned.1.call-start
scs
__scs_entry_jumppad:
0x0: {  	(pc) =	sbr.rel $0x88, $3  }
0x1: {  	(tag) =	ssettag $0x0;
	lr =	simm.s32 $0x1  }
0x2: {  	[smem:$0x3F9D] =	sst lr;
	_ =	strace $0xD0000000  }
0x3: {  	_ = 	snop  }
0x4: {  	_ = 	snop  }
0x5: {  	_ = 	snop  }
0x6: {  	_ = 	snop  }
0x7: {  	_ = 	snop  }
__scs_overlays_trampoline_lowered:
0x8: {  	[smem:$0x3FAC] =	sst s0  }
0x9: {  	[smem:$0x3FAD] =	sst s1  }
0xa: {  	[smem:$0x3FAE] =	sst s2  }
0xb: {  	[smem:$0x3FAF] =	sst s3  }
0xc: {  	[smem:$0x3FB0] =	sst s4  }
0xd: {  	[smem:$0x3FB1] =	sst s5  }
0xe: {  	[smem:$0x3FB2] =	sst s6  }
0xf: {  	[smem:$0x3FB3] =	sst s7  }
0x10: {  	[smem:$0x3FB4] =	sst s8  }
0x11: {  	[smem:$0x3FB5] =	sst s9;
	s0 =	simm.s32 @!p0 $0x0  }
0x12: {  	s1 =	sld [smem:$0x3F9B];
	s0 =	simm.s32 @p0 $0x1  }
0x13: {  	[smem:$0x3FB6] =	sst s0;
	s0 =	simm.s32 @!p1 $0x0  }
0x14: {  	s2 =	sld [smem:$0x3F9A];
	s0 =	simm.s32 @p1 $0x1  }
0x15: {  	[smem:$0x3FB7] =	sst s0;
	s0 =	simm.s32 @!p2 $0x0  }
0x16: {  	s3 =	sld [smem:$0x3FDB];
	s0 =	simm.s32 @p2 $0x1  }
0x17: {  	s4 =	simm.s32 $0x1BF5;
	[smem:$0x3FB9] =	sst s0  }
0x18: {  	s0 =	sld [smem:$0x3F9C];
	_ =	swait.ge [sflag:s4], $0x0  }
0x19: {  	s7 =	sld [smem:$0x3F9D]  }
0x1a: {  	s8 =	sadd.s32 $0xFFFFE003, lr  }
0x1b: {  	s9 =	sadd.s32 $0xFFFFFEF7, lr;
	s5 =	simm.s32 $0xFFFFFFFF;
	p2 =	slt.u32 s8, $0xFFFFF086  }
0x1c: {  	p1 =	slt.u32 s9, $0xF7A;
	s5 =	simm.s32 @!p2 $0x0  }
0x1d: {  	s5 =	simm.s32 @p1 $0x1;
	p0 =	seq.s32 s7, s2  }
0x1e: {  	s7 =	smul.u32 @!p0 $0xF7A, s2;
	p2 =	seq.s32 @!p0 s5, $0x0  }
0x1f: {  	s9 =	smul.u32 $0xF7A, s1;
	s8 =	simm.s32 @!p0 $0x1BF5;
	p2 =	por !p2, p0  }
0x20: {  	[sflag:s8] =	ssyncset.s32 @!p0 $0xFFFFF086;
	s6 =	sadd.s32 @!p0 s3, s7;
	s7 =	simm.s32 @!p0 $0x108  }
0x21: {  	s3 =	sadd.s32 s3, s9;
	s6 =	sadd.s32 @!p0 $0x88, s6;
	s7 =	simm.s32 @p2 $0x1082  }
0x22: {  	[simem:s7], [sflag:s8] =	dma.local @!p0 [hbm:s6], $0xF7A  }
0x23: {  	s9 =	sor.u32 $0xD0000000, s2;
	s6 =	simm.s32 $0x108;
	_ =	swait.ge @!p0 [sflag:s8], $0x0  }
0x24: {  	s3 =	sadd.s32 $0x88, s3;
	s6 =	simm.s32 @!p1 $0x1082;
	[sflag:s4] =	ssyncset.s32 $0xFFFFF086  }
0x25: {  	[simem:s6], [sflag:s4] =	dma.local [hbm:s3], $0xF7A  }
0x26: {  	[smem:$0x3F9D] =	sst s1;
	(tag) =	ssettag s2;
	_ =	strace s9  }
0x27: {  	s1 =	sld [smem:$0x3FAD]  }
0x28: {  	s2 =	sld [smem:$0x3FAE]  }
0x29: {  	s4 =	sld [smem:$0x3FB0]  }
0x2a: {  	p0 =	seq.s32 s5, $0x0;
	s5 =	sld [smem:$0x3FB1]  }
0x2b: {  	s6 =	sld [smem:$0x3FB2]  }
0x2c: {  	s7 =	sld [smem:$0x3FB3]  }
0x2d: {  	s3 =	simm.s32 $0x108;
	s8 =	sld [smem:$0x3FB4]  }
0x2e: {  	s3 =	simm.s32 @!p0 $0x1082;
	s9 =	sld [smem:$0x3FB5]  }
0x2f: {  	lr =	sadd.s32 s0, s3;
	s0 =	sld [smem:$0x3FAC]  }
0x30: {  	s3 =	sld [smem:$0x3FAF]  }
0x31: {  	[smem:$0x3FB8] =	sst s10  }
0x32: {  	s10 =	sld [smem:$0x3FB6];
	_ =	sdelay $0x3  }
0x33: {  	p0 =	seq.s32 s10, $0x1;
	s10 =	sld [smem:$0x3FB8];
	_ =	sdelay $0x3  }
0x34: {  	[smem:$0x3FB8] =	sst s10  }
0x35: {  	s10 =	sld [smem:$0x3FB7];
	_ =	sdelay $0x3  }
0x36: {  	p1 =	seq.s32 s10, $0x1;
	s10 =	sld [smem:$0x3FB8];
	_ =	sdelay $0x3  }
0x37: {  	[smem:$0x3FB8] =	sst s10  }
0x38: {  	s10 =	sld [smem:$0x3FB9]  }
0x39: {  	_ = 	snop;
	(pc) =	sbr.ind lr, $3  }
0x3a: {  	_ = 	snop  }
0x3b: {  	_ = 	snop  }
0x3c: {  	p2 =	seq.s32 s10, $0x1;
	s10 =	sld [smem:$0x3FB8]  }
0x3d: {  	_ =	shalt  }
0x3e: {  	_ =	shalt  }
0x3f: {  	_ =	shalt  }
0x40: {  	_ =	shalt  }
0x41: {  	_ =	shalt  }
0x42: {  	_ =	shalt  }
0x43: {  	_ =	shalt  }
0x44: {  	_ =	shalt  }
0x45: {  	_ =	shalt  }
0x46: {  	_ =	shalt  }
0x47: {  	_ =	shalt  }
0x48: {  	_ =	shalt  }
0x49: {  	_ =	shalt  }
0x4a: {  	_ =	shalt  }
0x4b: {  	_ =	shalt  }
0x4c: {  	_ =	shalt  }
0x4d: {  	_ =	shalt  }
0x4e: {  	_ =	shalt  }
0x4f: {  	_ =	shalt  }
0x50: {  	_ =	shalt  }
0x51: {  	_ =	shalt  }
0x52: {  	_ =	shalt  }
0x53: {  	_ =	shalt  }
0x54: {  	_ =	shalt  }
0x55: {  	_ =	shalt  }
0x56: {  	_ =	shalt  }
0x57: {  	_ =	shalt  }
0x58: {  	_ =	shalt  }
0x59: {  	_ =	shalt  }
0x5a: {  	_ =	shalt  }
0x5b: {  	_ =	shalt  }
0x5c: {  	_ =	shalt  }
0x5d: {  	_ =	shalt  }
0x5e: {  	_ =	shalt  }
0x5f: {  	_ =	shalt  }
0x60: {  	_ =	shalt  }
0x61: {  	_ =	shalt  }
0x62: {  	_ =	shalt  }
0x63: {  	_ =	shalt  }
0x64: {  	_ =	shalt  }
0x65: {  	_ =	shalt  }
0x66: {  	_ =	shalt  }
0x67: {  	_ =	shalt  }
0x68: {  	_ =	shalt  }
0x69: {  	_ =	shalt  }
0x6a: {  	_ =	shalt  }
0x6b: {  	_ =	shalt  }
0x6c: {  	_ =	shalt  }
0x6d: {  	_ =	shalt  }
0x6e: {  	_ =	shalt  }
0x6f: {  	_ =	shalt  }
0x70: {  	_ =	shalt  }
0x71: {  	_ =	shalt  }
0x72: {  	_ =	shalt  }
0x73: {  	_ =	shalt  }
0x74: {  	_ =	shalt  }
0x75: {  	_ =	shalt  }
0x76: {  	_ =	shalt  }
0x77: {  	_ =	shalt  }
0x78: {  	_ =	shalt  }
0x79: {  	_ =	shalt  }
0x7a: {  	_ =	shalt  }
0x7b: {  	_ =	shalt  }
0x7c: {  	_ =	shalt  }
0x7d: {  	_ =	shalt  }
0x7e: {  	_ =	shalt  }
0x7f: {  	_ =	shalt  }
0x80: {  	_ =	shalt  }
0x81: {  	_ =	shalt  }
0x82: {  	_ =	shalt  }
0x83: {  	_ =	shalt  }
0x84: {  	_ =	shalt  }
0x85: {  	_ =	shalt  }
0x86: {  	_ =	shalt  }
0x87: {  	_ =	shalt  }
.Lfunc_end0:
.L_simem_size_0:
called_computation_lowered:
.L_overlay_start_0:
0x88: {  	s2 =	sld [smem:$0x3FD9]  }
0x89: {  	s3 =	sld [smem:$0x3FFE];
	_ =	sdelay $0x1  }
0x8a: {  	s1 =	srdreg.scid  }
0x8b: {  	s0 =	sand.u32 $0x1, s1  }
0x8c: {  	s17 =	sshll.u32 s0, $0xA;
	s2 =	sadd.s32 s3, s2  }
0x8d: {  	s2 =	sadd.s32 s2, s17  }
0x8e: {  	[smem:$0x3FC4] =	sst s2  }
0x8f: {  	_ = 	snop  }
0x90: {  	s2 =	sld [smem:$0x3FD0];
	(tm) =	ssettm $0x1  }
0x91: {  	s18 =	sld [smem:$0x3FFB];
	_ =	sdelay $0x3  }
0x92: {  	_ =	strace s18  }
0x93: {  	s3 =	sld [smem:$0x3FFC];
	_ =	sdelay $0x3  }
0x94: {  	_ =	strace s3  }
0x95: {  	s3 =	sld [smem:$0x3FFD];
	_ =	sdelay $0x3  }
0x96: {  	_ =	strace s3  }
0x97: {  	_ =	strace $0x8FFFFFFF  }
0x98: {  	s19 =	sld [smem:$0x3FDB];
	_ =	sdelay $0x1  }
0x99: {  	s4 =	simm.s32 $_scs_section_size  }
0x9a: {  	s5 =	simm.s32 $_size__tile_overlayer_lowered;
	s6 =	simm.s32 $_tile_overlayer_lowered  }
0x9b: {  	s22 =	simm.s32 $0x1BFF;
	s21 =	sshll.u32 s6, $0x1;
	s3 =	sadd.s32 s4, s19  }
0x9c: {  	s7 =	simm.s32 $0x0;
	s20 =	sshll.u32 s5, $0x1;
	s5 =	sadd.s32 s21, s3  }
0x9d: {  	[timem:s7], [sflag:s22] =	dma.local [hbm:s5], s20  }
0x9e: {  	_ =	swait.ge [sflag:s22], s20  }
0x9f: {  	s4 =	ssub.s32 $0x0, s20;
	[sflag:s22] =	ssyncset.done $0x0  }
0xa0: {  	[sflag:s22] =	ssyncadd.s32 s4;
	_ =	sdelay $0x1  }
0xa1: {  	s23 =	simm.s32 $0x1B8B  }
0xa2: {  	_ =	swait.ge [sflag:s23], $0x1  }
0xa3: {  	[sflag:s23] =	ssyncset.done $0x0  }
0xa4: {  	s25 =	simm.s32 $0x1B8E;
	s24 =	sld [smem:$0x3FFE];
	[sflag:s23] =	ssyncadd.s32 $0xFFFFFFFF  }
0xa5: {  	s26 =	simm.s32 $execute0_lowered;
	[smem:$0x3FD2] =	sst s25  }
0xa6: {  	s5 =	sshll.u32 s26, $0x1;
	_ =	strace $0x80000046;
	[dreg:$0x1] =	wrdreg $0xFFFFFFFF  }
0xa7: {  	s28 =	simm.s32 $_size_execute0_lowered;
	s3 =	sadd.s32 s3, s5;
	[dreg:$0x0] =	wrdreg $0x0  }
0xa8: {  	s5 =	sshll.u32 s28, $0x1;
	[dreg:$0x2] =	wrdreg s3  }
0xa9: {  	[dreg:$0x3] =	wrdreg s5  }
0xaa: {  	[dreg:$0x4] =	wrdreg $0xC0  }
0xab: {  	_ =	task [dreg:s7], $0x5FFFF  }
0xac: {  	[dreg:$0x1] =	wrdreg $0xFFFFFFFF  }
0xad: {  	[dreg:$0x0] =	wrdreg $0x60  }
0xae: {  	[dreg:$0x2] =	wrdreg s24  }
0xaf: {  	[dreg:$0x3] =	wrdreg s2  }
0xb0: {  	[dreg:$0x4] =	wrdreg $0xA1000  }
0xb1: {  	[dreg:$0x5] =	wrdreg $0xA3800  }
0xb2: {  	[dreg:$0x6] =	wrdreg $0x9  }
0xb3: {  	_ =	task.clear_ibuf [dreg:s7], $0x7FFFF;
	_ =	strace $0x90000046  }
0xb4: {  	s29 =	simm.s32 $0x9;
	_ =	strace $0x80000048  }
0xb5: {  	_ =	swait.ge [sflag:s29], $0x1  }
0xb6: {  	[sflag:s29] =	ssyncadd.s32 $0xFFFFFFFF  }
0xb7: {  	_ =	strace $0x90000048  }
0xb8: {  	_ =	sfence  }
0xb9: {  	s30 =	sld [smem:$0x0];
	_ =	sdelay $0x2  }
0xba: {  	s31 =	sshll.u32 s1, $0xD;
	s1 =	sshrl.u32 s1, $0x2  }
0xbb: {  	s3 =	sand.u32 $0x4000, s31;
	s1 =	sadd.s32 s1, s30  }
0xbc: {  	s0 =	sor.u32 s3, s0;
	s1 =	sshll.u32 s1, $0x11  }
0xbd: {  	s0 =	sor.u32 s1, s0  }
0xbe: {  	s0 =	sadd.s32 $0x8F2B, s0  }
0xbf: {  	[sflag:s0] =	ssyncadd.remote.s32 $0x1  }
0xc0: {  	_ =	sfence.sel $0xFFFF  }
0xc1: {  	[dreg:$0x0] =	wrdreg $0xFFFFFFFF;
	(pc) =	sbr.abs _section_cstart, $3  }
0xc2: {  	[dreg:$0x1] =	wrdreg $0xFFFFFFFF  }
0xc3: {  	_ =	task.clear_ibuf [dreg:s7], $0x2FFFF;
	_ =	strace $0x9FFFFFFF  }
0xc4: {  	(tm) =	ssettm $0x7FFFFFFF  }
0xc5: {  	_ =	shalt  }
tec
execute0_lowered:
.L_overlay_start_1:
0x0: {  	(tag) =	ssettag $0x1  }
0x1: {  	s1 =	rddreg [dreg:$0x0]  }
0x2: {  	s0 =	srdreg.scid;
	s6 =	rddreg [dreg:$0x1]  }
0x3: {  	s9 =	stileid.u32;
	s2 =	rddreg [dreg:$0x2]  }
0x4: {  	s18 =	simm.s32 $0xA000;
	s19 =	simm.s32 $0x3;
	s21 =	simm.s32 $0x2  }
0x5: {  	s23 =	simm.s32 $0x20;
	s0 =	sand.u32 $0x1, s0;
	s8 =	smul.u32 $0x500, s9  }
0x6: {  	s24 =	simm.s32 $0x10;
	s16 =	smul.u32 $0x280, s9;
	s3 =	sshll.u32 s0, $0x4  }
0x7: {  	s7 =	smul.u32 $0x5000, s0;
	s0 =	ssub.s32 $0x2, s0;
	s4 =	sor.u32 s9, s3  }
0x8: {  	s3 =	rddreg [dreg:$0x3];
	s26 =	sshrl.u32 s0, $0x1;
	s29 =	sadd.s32 $0xA0, s16  }
0x9: {  	s30 =	sadd.s32 $0x140, s16;
	s31 =	sadd.s32 $0x1E0, s16;
	s5 =	smul.u32 $0x5000, s4  }
0xa: {  	s4 =	simm.s32 $0x0;
	s25 =	sadd.s32 s8, s7;
	s0 =	ssub.s32 s0, s26  }
0xb: {  	s10 =	sadd.s32 s16, s3;
	s12 =	sadd.s32 s29, s2;
	s13 =	sadd.s32 s29, s3  }
0xc: {  	s14 =	sadd.s32 s30, s2;
	s15 =	sadd.s32 s30, s3;
	s17 =	sadd.s32 s31, s3  }
0xd: {  	[smem:$0x7FF] =	sst s4;
	s8 =	sshrl.u32 s25, $0x3;
	s11 =	smax.u32 s0, $0x1  }
0xe: {  	s0 =	simm.s32 $0x1;
	s25 =	simm.s32 $0x0;
	_ =	strace $0x80000047  }
0xf: {  	s5 =	sshrl.u32 s5, $0x3;
	s6 =	sadd.s32 s6, s8;
	s8 =	sadd.s32 s16, s2  }
0x10: {  	s16 =	sadd.s32 s31, s2;
	s1 =	sadd.s32 s5, s1;
	s28 =	sadd.s32 $0x10, s6  }
0x11: {  	s5 =	sadd.s32 $0x1A00, s1;
	s7 =	sadd.s32 $0x15A00, s1;
	[dreg:$0x5] =	wrdreg s28  }
0x12: {  	v0 =	vimm.f32 $0.0e+00;
	v1 =	vimm.f32 $1.000000000e+00;
	s1 =	simm.s32 $0x50;
	s20 =	sadd.s32 $0x200, s5;
	s22 =	sadd.s32 $0x400, s5  }
.LBB2_1:
0x13: {  	[tilespmem:$0xA000] =	vst v0  }
0x14: {  	[tilespmem:$0xA010] =	vst v0  }
0x15: {  	[tilespmem:$0xA020] =	vst v0  }
0x16: {  	[tilespmem:$0xA030] =	vst v0  }
0x17: {  	[tilespmem:$0xA040] =	vst v0  }
0x18: {  	[tilespmem:$0xA050] =	vst v0  }
0x19: {  	[tilespmem:$0xA060] =	vst v0  }
0x1a: {  	[tilespmem:$0xA070] =	vst v0  }
0x1b: {  	[tilespmem:$0xA080] =	vst v0  }
0x1c: {  	[tilespmem:$0xA090] =	vst v0  }
0x1d: {  	[spmem:s8] =	stream.linear.scatter [tilespmem:s18], [sflag:$0x3], $0xA0, $0x38;
	[tilespmem:$0xA600] =	vst v63  }
0x1e: {  	_ =	swait.ge [sflag:s19], $0xA0  }
0x1f: {  	[sflag:s19] =	ssyncset.done $0x0  }
0x20: {  	[sflag:s19] =	ssyncadd.s32 $0xFFFFFF60  }
0x21: {  	[spmem:s10] =	stream.linear.scatter [tilespmem:s18], [sflag:$0x3], $0xA0, $0x38;
	[tilespmem:$0xA600] =	vst v63  }
0x22: {  	_ =	swait.ge [sflag:s19], $0xA0  }
0x23: {  	[sflag:s19] =	ssyncset.done $0x0  }
0x24: {  	[sflag:s19] =	ssyncadd.s32 $0xFFFFFF60  }
0x25: {  	[spmem:s12] =	stream.linear.scatter [tilespmem:s18], [sflag:$0x3], $0xA0, $0x38;
	[tilespmem:$0xA600] =	vst v63  }
0x26: {  	_ =	swait.ge [sflag:s19], $0xA0  }
0x27: {  	[sflag:s19] =	ssyncset.done $0x0  }
0x28: {  	[sflag:s19] =	ssyncadd.s32 $0xFFFFFF60  }
0x29: {  	[spmem:s13] =	stream.linear.scatter [tilespmem:s18], [sflag:$0x3], $0xA0, $0x38;
	[tilespmem:$0xA600] =	vst v63  }
0x2a: {  	_ =	swait.ge [sflag:s19], $0xA0  }
0x2b: {  	[sflag:s19] =	ssyncset.done $0x0  }
0x2c: {  	[sflag:s19] =	ssyncadd.s32 $0xFFFFFF60  }
0x2d: {  	[spmem:s14] =	stream.linear.scatter [tilespmem:s18], [sflag:$0x3], $0xA0, $0x38;
	[tilespmem:$0xA600] =	vst v63  }
0x2e: {  	_ =	swait.ge [sflag:s19], $0xA0  }
0x2f: {  	[sflag:s19] =	ssyncset.done $0x0  }
0x30: {  	[sflag:s19] =	ssyncadd.s32 $0xFFFFFF60  }
0x31: {  	[spmem:s15] =	stream.linear.scatter [tilespmem:s18], [sflag:$0x3], $0xA0, $0x38;
	[tilespmem:$0xA600] =	vst v63  }
0x32: {  	_ =	swait.ge [sflag:s19], $0xA0  }
0x33: {  	[sflag:s19] =	ssyncset.done $0x0  }
0x34: {  	[sflag:s19] =	ssyncadd.s32 $0xFFFFFF60  }
0x35: {  	[spmem:s16] =	stream.linear.scatter [tilespmem:s18], [sflag:$0x3], $0xA0, $0x38;
	[tilespmem:$0xA600] =	vst v63  }
0x36: {  	_ =	swait.ge [sflag:s19], $0xA0  }
0x37: {  	[sflag:s19] =	ssyncset.done $0x0  }
0x38: {  	[sflag:s19] =	ssyncadd.s32 $0xFFFFFF60  }
0x39: {  	[spmem:s17] =	stream.linear.scatter [tilespmem:s18], [sflag:$0x3], $0xA0, $0x38;
	[tilespmem:$0xA600] =	vst v63  }
0x3a: {  	_ =	swait.ge [sflag:s19], $0xA0  }
0x3b: {  	[sflag:s19] =	ssyncset.done $0x0  }
0x3c: {  	[sflag:s19] =	ssyncadd.s32 $0xFFFFFF60  }
0x3d: {  	[tilespmem:$0xA000] =	vst v1  }
0x3e: {  	[tilespmem:$0xA010] =	vst v1  }
0x3f: {  	[tilespmem:$0xA020] =	vst v1  }
0x40: {  	[tilespmem:$0xA030] =	vst v1  }
0x41: {  	[tilespmem:$0xA040] =	vst v1  }
0x42: {  	[tilespmem:s4], [sflag:$0x3] =	stream.linear.gather [hbm4b:s5+s4], $0xC80, $0x38;
	[tilespmem:$0xA600] =	vst v63  }
0x43: {  	s9 =	simm.s32 $0x1000  }
0x44: {  	[tilespmem:s9], [sflag:$0x3] =	stream.linear.gather [hbm4b:s20+s4], $0xC80, $0x38;
	[tilespmem:$0xA600] =	vst v63  }
0x45: {  	s26 =	simm.s32 $0x2000  }
0x46: {  	[tilespmem:s26], [sflag:$0x3] =	stream.linear.gather [hbm4b:s22+s4], $0xC80, $0x38;
	[tilespmem:$0xA600] =	vst v63  }
0x47: {  	s9 =	simm.s32 $0x3000;
	s26 =	sadd.s32 $0x600, s5  }
0x48: {  	[tilespmem:s9], [sflag:$0x3] =	stream.linear.gather [hbm4b:s26+s4], $0xC80, $0x38;
	[tilespmem:$0xA600] =	vst v63  }
0x49: {  	s26 =	sadd.s32 $0x800, s5;
	s9 =	simm.s32 $0x4000  }
0x4a: {  	[tilespmem:s9], [sflag:$0x3] =	stream.linear.gather [hbm4b:s26+s4], $0xC80, $0x38;
	[tilespmem:$0xA600] =	vst v63  }
0x4b: {  	_ =	swait.ge [sflag:s19], $0x3E80  }
0x4c: {  	[sflag:s19] =	ssyncset.done $0x0  }
0x4d: {  	s26 =	simm.s32 $0x5000;
	[sflag:s19] =	ssyncadd.s32 $0xFFFFC180  }
0x4e: {  	[tilespmem:s26], [sflag:$0x3] =	stream.linear.gather [hbm4b:s7+s4], $0xC80, $0x38;
	[tilespmem:$0xA600] =	vst v63  }
0x4f: {  	s9 =	simm.s32 $0x6000;
	s26 =	sadd.s32 $0x200, s7  }
0x50: {  	[tilespmem:s9], [sflag:$0x3] =	stream.linear.gather [hbm4b:s26+s4], $0xC80, $0x38;
	[tilespmem:$0xA600] =	vst v63  }
0x51: {  	s26 =	sadd.s32 $0x400, s7;
	s9 =	simm.s32 $0x7000  }
0x52: {  	[tilespmem:s9], [sflag:$0x3] =	stream.linear.gather [hbm4b:s26+s4], $0xC80, $0x38;
	[tilespmem:$0xA600] =	vst v63  }
0x53: {  	s28 =	smul.u32 $0x29, s4;
	s26 =	sadd.s32 $0x600, s7;
	s9 =	simm.s32 $0x8000  }
0x54: {  	[tilespmem:s9], [sflag:$0x3] =	stream.linear.gather [hbm4b:s26+s4], $0xC80, $0x38;
	[tilespmem:$0xA600] =	vst v63  }
0x55: {  	s9 =	sshrl.u32 s28, $0xA  }
0x56: {  	s26 =	sand.u32 $0x3F, s9  }
0x57: {  	s29 =	sadd.s32 $0x800, s7;
	s9 =	simm.s32 $0x9000;
	s26 =	smul.u32 $0x19, s26  }
0x58: {  	[tilespmem:s9], [sflag:$0x3] =	stream.linear.gather [hbm4b:s29+s4], $0xC80, $0x38;
	[tilespmem:$0xA600] =	vst v63  }
0x59: {  	_ =	swait.ge [sflag:s19], $0x3E80;
	s26 =	ssub.s32 $0x0, s26  }
0x5a: {  	s28 =	sshll.u32 s28, $0x2;
	[sflag:s19] =	ssyncset.done $0x0;
	s26 =	sand.u32 $0xFF, s26  }
0x5b: {  	s28 =	sand.u32 $0x3F000, s28;
	[sflag:s19] =	ssyncadd.s32 $0xFFFFC180;
	s29 =	sshll.u32 s26, $0x7  }
0x5c: {  	[bflag:$0x0] =	sbarrier.arrive $0xFFFF;
	s26 =	simm.s32 $0x1;
	s28 =	sor.u32 s29, s28  }
0x5d: {  	[spmem:s2] =	stream.indirect.scatter.add.f32 [tilespmem:s18], [sflag:$0x1], $0x1, s28, s1, $0xb8;
	[tilespmem:$0xA600] =	vst v63  }
0x5e: {  	p0 =	por $0x1, $0x1;
	s29 =	smul.u32 $0x29, s26;
	s28 =	sadd.s32 $0x5000, s28  }
0x5f: {  	[spmem:s3] =	stream.indirect.scatter.add.f32 [tilespmem:s18], [sflag:$0x2], $0x1, s28, s1, $0xb8;
	[tilespmem:$0xA600] =	vst v63  }
0x60: {  	s30 =	simm.s32 @!p0 $0x1;
	s28 =	sshrl.u32 s29, $0xA  }
0x61: {  	s28 =	sand.u32 $0x3F, s28;
	_ =	swait.ge @!p0 [sflag:s30], $0x50  }
0x62: {  	s31 =	smul.u32 $0x19, s28;
	[sflag:s30] =	ssyncset.done @!p0 $0x0  }
0x63: {  	s29 =	sshll.u32 s29, $0x2;
	[sflag:s30] =	ssyncadd.s32 @!p0 $0xFFFFFFB0;
	s30 =	simm.s32 @!p0 $0x2  }
0x64: {  	s28 =	simm.s32 $0x2;
	s31 =	ssub.s32 $0x1, s31;
	_ =	swait.ge @!p0 [sflag:s30], $0x50  }
.LBB2_2:
0x65: {  	s31 =	sand.u32 $0xFF, s31  }
0x66: {  	[sflag:s30] =	ssyncset.done @!p0 $0x0;
	s9 =	smov.u32 s28;
	s28 =	sadd.s32 $0x1, s28  }
0x67: {  	s29 =	sand.u32 $0x3F000, s29;
	s31 =	sshll.u32 s31, $0x7;
	[sflag:s30] =	ssyncadd.s32 @!p0 $0xFFFFFFB0  }
0x68: {  	p1 =	sne.s32 s28, $0x7D;
	p0 =	seq.s32 s26, $0x0;
	s29 =	sor.u32 s31, s29  }
0x69: {  	[spmem:s2] =	stream.indirect.scatter.add.f32 [tilespmem:s18], [sflag:$0x1], $0x1, s29, s1, $0xb8;
	[tilespmem:$0xA600] =	vst v63  }
0x6a: {  	s30 =	smul.u32 $0x29, s9;
	s31 =	simm.s32 @!p0 $0x1;
	s26 =	sadd.s32 $0x5000, s29  }
0x6b: {  	[spmem:s3] =	stream.indirect.scatter.add.f32 [tilespmem:s18], [sflag:$0x2], $0x1, s26, s1, $0xb8;
	[tilespmem:$0xA600] =	vst v63  }
.Ltmp0:
0x6c: {  	s29 =	sshll.u32 s30, $0x2;
	s26 =	sshrl.u32 s30, $0xA;
	(pc) =	sbr.rel @p1 .LBB2_2-.Ltmp0, $4  }
0x6d: {  	s30 =	sand.u32 $0x3F, s26;
	s26 =	smov.u32 s9;
	_ =	swait.ge @!p0 [sflag:s31], $0x50  }
0x6e: {  	s9 =	smul.u32 $0x19, s30;
	s30 =	simm.s32 @!p0 $0x2;
	[sflag:s31] =	ssyncset.done @!p0 $0x0  }
0x6f: {  	[sflag:s31] =	ssyncadd.s32 @!p0 $0xFFFFFFB0  }
0x70: {  	s31 =	ssub.s32 s26, s9;
	_ =	swait.ge @!p0 [sflag:s30], $0x50  }
0x71: {  	s9 =	sand.u32 $0xFF, s31  }
0x72: {  	[sflag:s30] =	ssyncset.done @!p0 $0x0;
	s28 =	sand.u32 $0x3F000, s29;
	s9 =	sshll.u32 s9, $0x7  }
0x73: {  	[sflag:s30] =	ssyncadd.s32 @!p0 $0xFFFFFFB0;
	s9 =	sor.u32 s9, s28  }
0x74: {  	[spmem:s2] =	stream.indirect.scatter.add.f32 [tilespmem:s18], [sflag:$0x1], $0x1, s9, s1, $0xb8;
	[tilespmem:$0xA600] =	vst v63  }
0x75: {  	p0 =	seq.s32 s26, $0x0;
	s9 =	sadd.s32 $0x5000, s9  }
0x76: {  	[spmem:s3] =	stream.indirect.scatter.add.f32 [tilespmem:s18], [sflag:$0x2], $0x1, s9, s1, $0xb8;
	[tilespmem:$0xA600] =	vst v63  }
0x77: {  	s9 =	simm.s32 @!p0 $0x1  }
0x78: {  	_ =	swait.ge @!p0 [sflag:s9], $0x50  }
0x79: {  	[sflag:s9] =	ssyncset.done @!p0 $0x0  }
0x7a: {  	s26 =	simm.s32 @!p0 $0x2;
	[sflag:s9] =	ssyncadd.s32 @!p0 $0xFFFFFFB0  }
0x7b: {  	_ =	swait.ge @!p0 [sflag:s26], $0x50  }
0x7c: {  	[sflag:s26] =	ssyncset.done @!p0 $0x0  }
0x7d: {  	[sflag:s26] =	ssyncadd.s32 @!p0 $0xFFFFFFB0  }
0x7e: {  	_ =	swait.ge [sflag:s0], $0x50  }
0x7f: {  	[sflag:s0] =	ssyncset.done $0x0  }
0x80: {  	[sflag:s0] =	ssyncadd.s32 $0xFFFFFFB0  }
0x81: {  	_ =	swait.ge [sflag:s21], $0x50  }
0x82: {  	s28 =	stileid.u32;
	[sflag:s21] =	ssyncset.done $0x0  }
0x83: {  	s9 =	sshll.u32 s28, $0x6;
	[sflag:s21] =	ssyncadd.s32 $0xFFFFFFB0  }
0x84: {  	s29 =	sshrl.u32 s8, $0x3;
	s9 =	sor.u32 $0x1C03, s9;
	[bflag:$0x0] =	sbarrier.arrive $0xFFFF  }
0x85: {  	[hbm:s6@s23], [sflag:s9] =	dma.strided [spmem:s29@s24], $0x50, s0, $0x10   }
0x86: {  	s25 =	sadd.s32 $0x1, s25;
	_ =	swait.ge [sflag:s19], $0x50  }
0x87: {  	s30 =	sshrl.u32 s10, $0x3;
	p0 =	sne.s32 s25, s11;
	[sflag:s19] =	ssyncset.done $0x0  }
.Ltmp1:
0x88: {  	s31 =	rddreg [dreg:$0x5];
	[sflag:s19] =	ssyncadd.s32 $0xFFFFFFB0;
	(pc) =	sbr.rel @p0 .LBB2_1-.Ltmp1, $4  }
0x89: {  	[hbm:s31@s23], [sflag:s9] =	dma.strided [spmem:s30@s24], $0x50, s0, $0x10   }
0x8a: {  	_ =	swait.ge [sflag:s19], $0x50  }
0x8b: {  	[sflag:s19] =	ssyncset.done $0x0  }
0x8c: {  	[sflag:s19] =	ssyncadd.s32 $0xFFFFFFB0  }
0x8d: {  	_ =	sfence.sel $0x180000  }
0x8e: {  	[bflag:$0x0] =	sbarrier.arrive $0xFFFF  }
0x8f: {  	_ =	strace $0x90000047  }
0x90: {  	s0 =	stileid.u32;
	[bflag:$0x2] =	sbarrier.arrive $0xFFFF  }
0x91: {  	p0 =	sne.s32 s0, $0x0;
	s0 =	rddreg [dreg:$0x4]  }
0x92: {  	s0 =	sadd.s32 @!p0 $0x100000, s0  }
0x93: {  	[sflag:s0] =	ssyncadd.tile.s32 @!p0 $0x1;
	_ =	shalt  }
.Lfunc_end2:
_tile_overlayer_lowered:
.L_overlay_start_2:
0x94: {  	(tag) =	ssettag $0x2  }
0x95: {  	s0 =	rddreg [dreg:$0x0];
	s2 =	stileid.u32  }
0x96: {  	s1 =	rddreg [dreg:$0x1];
	p0 =	sne.s32 s2, $0x0  }
0x97: {  	s3 =	rddreg [dreg:$0x2];
	[bflag:$0x3] =	sbarrier.arrive $0xFFFF;
	s2 =	simm.s32 @!p0 $0x1C03  }
0x98: {  	[timem:s3], [sflag:s2] =	dma.local @!p0 [hbm:s0], s1  }
0x99: {  	s0 =	simm.s32 @!p0 $0x3  }
0x9a: {  	_ =	swait.ge @!p0 [sflag:s0], s1  }
0x9b: {  	s1 =	ssub.s32 @!p0 $0x0, s1;
	[sflag:s0] =	ssyncset.done @!p0 $0x0  }
0x9c: {  	[sflag:s0] =	ssyncadd.s32 @!p0 s1  }
0x9d: {  	[bflag:$0x3] =	sbarrier.arrive $0xFFFF  }
0x9e: {  	_ =	shalt  }

// kernel: kernel.9.cloned.1.call-start
scs
__scs_entry_jumppad:
0x0: {  	(pc) =	sbr.rel $0x88, $3  }
0x1: {  	(tag) =	ssettag $0x0;
	lr =	simm.s32 $0x1  }
0x2: {  	[smem:$0x3F9D] =	sst lr;
	_ =	strace $0xD0000000  }
0x3: {  	_ = 	snop  }
0x4: {  	_ = 	snop  }
0x5: {  	_ = 	snop  }
0x6: {  	_ = 	snop  }
0x7: {  	_ = 	snop  }
__scs_overlays_trampoline_lowered:
0x8: {  	[smem:$0x3FAC] =	sst s0  }
0x9: {  	[smem:$0x3FAD] =	sst s1  }
0xa: {  	[smem:$0x3FAE] =	sst s2  }
0xb: {  	[smem:$0x3FAF] =	sst s3  }
0xc: {  	[smem:$0x3FB0] =	sst s4  }
0xd: {  	[smem:$0x3FB1] =	sst s5  }
0xe: {  	[smem:$0x3FB2] =	sst s6  }
0xf: {  	[smem:$0x3FB3] =	sst s7  }
0x10: {  	[smem:$0x3FB4] =	sst s8  }
0x11: {  	[smem:$0x3FB5] =	sst s9;
	s0 =	simm.s32 @!p0 $0x0  }
0x12: {  	s1 =	sld [smem:$0x3F9B];
	s0 =	simm.s32 @p0 $0x1  }
0x13: {  	[smem:$0x3FB6] =	sst s0;
	s0 =	simm.s32 @!p1 $0x0  }
0x14: {  	s2 =	sld [smem:$0x3F9A];
	s0 =	simm.s32 @p1 $0x1  }
0x15: {  	[smem:$0x3FB7] =	sst s0;
	s0 =	simm.s32 @!p2 $0x0  }
0x16: {  	s3 =	sld [smem:$0x3FDB];
	s0 =	simm.s32 @p2 $0x1  }
0x17: {  	s4 =	simm.s32 $0x1BF5;
	[smem:$0x3FB9] =	sst s0  }
0x18: {  	s0 =	sld [smem:$0x3F9C];
	_ =	swait.ge [sflag:s4], $0x0  }
0x19: {  	s7 =	sld [smem:$0x3F9D]  }
0x1a: {  	s8 =	sadd.s32 $0xFFFFE003, lr  }
0x1b: {  	s9 =	sadd.s32 $0xFFFFFEF7, lr;
	s5 =	simm.s32 $0xFFFFFFFF;
	p2 =	slt.u32 s8, $0xFFFFF086  }
0x1c: {  	p1 =	slt.u32 s9, $0xF7A;
	s5 =	simm.s32 @!p2 $0x0  }
0x1d: {  	s5 =	simm.s32 @p1 $0x1;
	p0 =	seq.s32 s7, s2  }
0x1e: {  	s7 =	smul.u32 @!p0 $0xF7A, s2;
	p2 =	seq.s32 @!p0 s5, $0x0  }
0x1f: {  	s9 =	smul.u32 $0xF7A, s1;
	s8 =	simm.s32 @!p0 $0x1BF5;
	p2 =	por !p2, p0  }
0x20: {  	[sflag:s8] =	ssyncset.s32 @!p0 $0xFFFFF086;
	s6 =	sadd.s32 @!p0 s3, s7;
	s7 =	simm.s32 @!p0 $0x108  }
0x21: {  	s3 =	sadd.s32 s3, s9;
	s6 =	sadd.s32 @!p0 $0x88, s6;
	s7 =	simm.s32 @p2 $0x1082  }
0x22: {  	[simem:s7], [sflag:s8] =	dma.local @!p0 [hbm:s6], $0xF7A  }
0x23: {  	s9 =	sor.u32 $0xD0000000, s2;
	s6 =	simm.s32 $0x108;
	_ =	swait.ge @!p0 [sflag:s8], $0x0  }
0x24: {  	s3 =	sadd.s32 $0x88, s3;
	s6 =	simm.s32 @!p1 $0x1082;
	[sflag:s4] =	ssyncset.s32 $0xFFFFF086  }
0x25: {  	[simem:s6], [sflag:s4] =	dma.local [hbm:s3], $0xF7A  }
0x26: {  	[smem:$0x3F9D] =	sst s1;
	(tag) =	ssettag s2;
	_ =	strace s9  }
0x27: {  	s1 =	sld [smem:$0x3FAD]  }
0x28: {  	s2 =	sld [smem:$0x3FAE]  }
0x29: {  	s4 =	sld [smem:$0x3FB0]  }
0x2a: {  	p0 =	seq.s32 s5, $0x0;
	s5 =	sld [smem:$0x3FB1]  }
0x2b: {  	s6 =	sld [smem:$0x3FB2]  }
0x2c: {  	s7 =	sld [smem:$0x3FB3]  }
0x2d: {  	s3 =	simm.s32 $0x108;
	s8 =	sld [smem:$0x3FB4]  }
0x2e: {  	s3 =	simm.s32 @!p0 $0x1082;
	s9 =	sld [smem:$0x3FB5]  }
0x2f: {  	lr =	sadd.s32 s0, s3;
	s0 =	sld [smem:$0x3FAC]  }
0x30: {  	s3 =	sld [smem:$0x3FAF]  }
0x31: {  	[smem:$0x3FB8] =	sst s10  }
0x32: {  	s10 =	sld [smem:$0x3FB6];
	_ =	sdelay $0x3  }
0x33: {  	p0 =	seq.s32 s10, $0x1;
	s10 =	sld [smem:$0x3FB8];
	_ =	sdelay $0x3  }
0x34: {  	[smem:$0x3FB8] =	sst s10  }
0x35: {  	s10 =	sld [smem:$0x3FB7];
	_ =	sdelay $0x3  }
0x36: {  	p1 =	seq.s32 s10, $0x1;
	s10 =	sld [smem:$0x3FB8];
	_ =	sdelay $0x3  }
0x37: {  	[smem:$0x3FB8] =	sst s10  }
0x38: {  	s10 =	sld [smem:$0x3FB9]  }
0x39: {  	_ = 	snop;
	(pc) =	sbr.ind lr, $3  }
0x3a: {  	_ = 	snop  }
0x3b: {  	_ = 	snop  }
0x3c: {  	p2 =	seq.s32 s10, $0x1;
	s10 =	sld [smem:$0x3FB8]  }
0x3d: {  	_ =	shalt  }
0x3e: {  	_ =	shalt  }
0x3f: {  	_ =	shalt  }
0x40: {  	_ =	shalt  }
0x41: {  	_ =	shalt  }
0x42: {  	_ =	shalt  }
0x43: {  	_ =	shalt  }
0x44: {  	_ =	shalt  }
0x45: {  	_ =	shalt  }
0x46: {  	_ =	shalt  }
0x47: {  	_ =	shalt  }
0x48: {  	_ =	shalt  }
0x49: {  	_ =	shalt  }
0x4a: {  	_ =	shalt  }
0x4b: {  	_ =	shalt  }
0x4c: {  	_ =	shalt  }
0x4d: {  	_ =	shalt  }
0x4e: {  	_ =	shalt  }
0x4f: {  	_ =	shalt  }
0x50: {  	_ =	shalt  }
0x51: {  	_ =	shalt  }
0x52: {  	_ =	shalt  }
0x53: {  	_ =	shalt  }
0x54: {  	_ =	shalt  }
0x55: {  	_ =	shalt  }
0x56: {  	_ =	shalt  }
0x57: {  	_ =	shalt  }
0x58: {  	_ =	shalt  }
0x59: {  	_ =	shalt  }
0x5a: {  	_ =	shalt  }
0x5b: {  	_ =	shalt  }
0x5c: {  	_ =	shalt  }
0x5d: {  	_ =	shalt  }
0x5e: {  	_ =	shalt  }
0x5f: {  	_ =	shalt  }
0x60: {  	_ =	shalt  }
0x61: {  	_ =	shalt  }
0x62: {  	_ =	shalt  }
0x63: {  	_ =	shalt  }
0x64: {  	_ =	shalt  }
0x65: {  	_ =	shalt  }
0x66: {  	_ =	shalt  }
0x67: {  	_ =	shalt  }
0x68: {  	_ =	shalt  }
0x69: {  	_ =	shalt  }
0x6a: {  	_ =	shalt  }
0x6b: {  	_ =	shalt  }
0x6c: {  	_ =	shalt  }
0x6d: {  	_ =	shalt  }
0x6e: {  	_ =	shalt  }
0x6f: {  	_ =	shalt  }
0x70: {  	_ =	shalt  }
0x71: {  	_ =	shalt  }
0x72: {  	_ =	shalt  }
0x73: {  	_ =	shalt  }
0x74: {  	_ =	shalt  }
0x75: {  	_ =	shalt  }
0x76: {  	_ =	shalt  }
0x77: {  	_ =	shalt  }
0x78: {  	_ =	shalt  }
0x79: {  	_ =	shalt  }
0x7a: {  	_ =	shalt  }
0x7b: {  	_ =	shalt  }
0x7c: {  	_ =	shalt  }
0x7d: {  	_ =	shalt  }
0x7e: {  	_ =	shalt  }
0x7f: {  	_ =	shalt  }
0x80: {  	_ =	shalt  }
0x81: {  	_ =	shalt  }
0x82: {  	_ =	shalt  }
0x83: {  	_ =	shalt  }
0x84: {  	_ =	shalt  }
0x85: {  	_ =	shalt  }
0x86: {  	_ =	shalt  }
0x87: {  	_ =	shalt  }
.Lfunc_end0:
.L_simem_size_0:
called_computation.1_lowered:
.L_overlay_start_0:
0x88: {  	s2 =	sld [smem:$0x3FD9]  }
0x89: {  	s3 =	sld [smem:$0x3FFE];
	_ =	sdelay $0x1  }
0x8a: {  	s1 =	srdreg.scid  }
0x8b: {  	s0 =	sand.u32 $0x1, s1  }
0x8c: {  	s16 =	sshll.u32 s0, $0xA;
	s2 =	sadd.s32 s3, s2  }
0x8d: {  	s2 =	sadd.s32 s2, s16  }
0x8e: {  	[smem:$0x3FC4] =	sst s2  }
0x8f: {  	_ = 	snop  }
0x90: {  	(tm) =	ssettm $0x1  }
0x91: {  	s17 =	sld [smem:$0x3FFB];
	_ =	sdelay $0x3  }
0x92: {  	_ =	strace s17  }
0x93: {  	s2 =	sld [smem:$0x3FFC];
	_ =	sdelay $0x3  }
0x94: {  	_ =	strace s2  }
0x95: {  	s2 =	sld [smem:$0x3FFD];
	_ =	sdelay $0x3  }
0x96: {  	_ =	strace s2  }
0x97: {  	_ =	strace $0x8FFFFFFF  }
0x98: {  	s18 =	sld [smem:$0x3FDB];
	_ =	sdelay $0x1  }
0x99: {  	s19 =	simm.s32 $_scs_section_size  }
0x9a: {  	s4 =	simm.s32 $_size__tile_overlayer_lowered;
	s5 =	simm.s32 $_tile_overlayer_lowered  }
0x9b: {  	s22 =	simm.s32 $0x1BFF;
	s21 =	sshll.u32 s5, $0x1;
	s2 =	sadd.s32 s19, s18  }
0x9c: {  	s6 =	simm.s32 $0x0;
	s20 =	sshll.u32 s4, $0x1;
	s4 =	sadd.s32 s21, s2  }
0x9d: {  	[timem:s6], [sflag:s22] =	dma.local [hbm:s4], s20  }
0x9e: {  	_ =	swait.ge [sflag:s22], s20  }
0x9f: {  	s3 =	ssub.s32 $0x0, s20;
	[sflag:s22] =	ssyncset.done $0x0  }
0xa0: {  	[sflag:s22] =	ssyncadd.s32 s3;
	_ =	sdelay $0x1  }
0xa1: {  	s23 =	simm.s32 $0x1B8B  }
0xa2: {  	_ =	swait.ge [sflag:s23], $0x1  }
0xa3: {  	[sflag:s23] =	ssyncset.done $0x0  }
0xa4: {  	s25 =	simm.s32 $0x1B8E;
	s24 =	sld [smem:$0x3FFE];
	[sflag:s23] =	ssyncadd.s32 $0xFFFFFFFF  }
0xa5: {  	s26 =	simm.s32 $execute0_lowered;
	[smem:$0x3FD2] =	sst s25  }
0xa6: {  	s4 =	sshll.u32 s26, $0x1;
	_ =	strace $0x80000049;
	[dreg:$0x1] =	wrdreg $0xFFFFFFFF  }
0xa7: {  	s28 =	simm.s32 $_size_execute0_lowered;
	s2 =	sadd.s32 s2, s4;
	[dreg:$0x0] =	wrdreg $0x0  }
0xa8: {  	s4 =	sshll.u32 s28, $0x1;
	[dreg:$0x2] =	wrdreg s2  }
0xa9: {  	[dreg:$0x3] =	wrdreg s4  }
0xaa: {  	[dreg:$0x4] =	wrdreg $0xC0  }
0xab: {  	_ =	task [dreg:s6], $0x5FFFF  }
0xac: {  	[dreg:$0x1] =	wrdreg $0xFFFFFFFF  }
0xad: {  	[dreg:$0x0] =	wrdreg $0x60  }
0xae: {  	[dreg:$0x2] =	wrdreg s24  }
0xaf: {  	[dreg:$0x3] =	wrdreg $0xC0000  }
0xb0: {  	[dreg:$0x4] =	wrdreg $0x9  }
0xb1: {  	_ =	task.clear_ibuf [dreg:s6], $0x5FFFF;
	_ =	strace $0x90000049  }
0xb2: {  	s29 =	simm.s32 $0x9;
	_ =	strace $0x8000004B  }
0xb3: {  	_ =	swait.ge [sflag:s29], $0x1  }
0xb4: {  	[sflag:s29] =	ssyncadd.s32 $0xFFFFFFFF  }
0xb5: {  	_ =	strace $0x9000004B  }
0xb6: {  	_ =	sfence  }
0xb7: {  	s30 =	sld [smem:$0x0];
	_ =	sdelay $0x2  }
0xb8: {  	s31 =	sshll.u32 s1, $0xD;
	s1 =	sshrl.u32 s1, $0x2  }
0xb9: {  	s3 =	sand.u32 $0x4000, s31;
	s1 =	sadd.s32 s1, s30  }
0xba: {  	s0 =	sor.u32 s3, s0;
	s1 =	sshll.u32 s1, $0x11  }
0xbb: {  	s0 =	sor.u32 s1, s0  }
0xbc: {  	s0 =	sadd.s32 $0x8F2B, s0  }
0xbd: {  	[sflag:s0] =	ssyncadd.remote.s32 $0x1  }
0xbe: {  	_ =	sfence.sel $0xFFFF  }
0xbf: {  	[dreg:$0x0] =	wrdreg $0xFFFFFFFF;
	(pc) =	sbr.abs _section_cstart, $3  }
0xc0: {  	[dreg:$0x1] =	wrdreg $0xFFFFFFFF  }
0xc1: {  	_ =	task.clear_ibuf [dreg:s6], $0x2FFFF;
	_ =	strace $0x9FFFFFFF  }
0xc2: {  	(tm) =	ssettm $0x7FFFFFFF  }
0xc3: {  	_ =	shalt  }
tec
execute0_lowered:
.L_overlay_start_1:
0x0: {  	(tag) =	ssettag $0x1  }
0x1: {  	s0 =	srdreg.scid;
	s8 =	stileid.u32  }
0x2: {  	s0 =	sand.u32 $0x1, s0;
	s3 =	smul.u32 $0x5000, s8  }
0x3: {  	s1 =	smul.u32 $0x50000, s0  }
0x4: {  	s5 =	rddreg [dreg:$0x0]  }
0x5: {  	s2 =	rddreg [dreg:$0x1];
	s1 =	sadd.s32 s3, s1;
	s3 =	simm.s32 $0x0  }
0x6: {  	s16 =	simm.s32 $0x80;
	[smem:$0x7FF] =	sst s3  }
0x7: {  	s17 =	simm.s32 $0x100;
	_ =	strace $0x8000004A;
	[dreg:$0x5] =	wrdreg s16  }
0x8: {  	s18 =	simm.s32 $0x180;
	[dreg:$0x6] =	wrdreg s17  }
0x9: {  	s19 =	simm.s32 $0x1080;
	[dreg:$0x7] =	wrdreg s18  }
0xa: {  	s20 =	simm.s32 $0x1100;
	[dreg:$0x8] =	wrdreg s19  }
0xb: {  	s21 =	simm.s32 $0x1180;
	[dreg:$0x9] =	wrdreg s20  }
0xc: {  	s22 =	simm.s32 $0x200;
	[dreg:$0xa] =	wrdreg s21  }
0xd: {  	s23 =	simm.s32 $0x280;
	[dreg:$0xb] =	wrdreg s22  }
0xe: {  	s24 =	simm.s32 $0x300;
	[dreg:$0xc] =	wrdreg s23  }
0xf: {  	s25 =	simm.s32 $0x380;
	[dreg:$0xd] =	wrdreg s24  }
0x10: {  	s9 =	simm.s32 $0x1280;
	[dreg:$0xe] =	wrdreg s25  }
0x11: {  	s10 =	simm.s32 $0x1300;
	s11 =	simm.s32 $0x1380;
	[dreg:$0x10] =	wrdreg s9  }
0x12: {  	s12 =	simm.s32 $0x400;
	s13 =	simm.s32 $0x480;
	[dreg:$0x11] =	wrdreg s10  }
0x13: {  	s26 =	smul.u32 $0x13C000, s0;
	s0 =	ssub.s32 $0x2, s0;
	[dreg:$0x12] =	wrdreg s11  }
0x14: {  	s14 =	simm.s32 $0x500;
	s15 =	sshrl.u32 s0, $0x1;
	[dreg:$0x13] =	wrdreg s12  }
0x15: {  	s6 =	sadd.s32 $0x1A00, s5;
	s0 =	ssub.s32 s0, s15;
	[dreg:$0x14] =	wrdreg s13  }
0x16: {  	s15 =	simm.s32 $0x1680;
	s4 =	sadd.s32 $0xA0000, s1;
	[dreg:$0x15] =	wrdreg s14  }
0x17: {  	s1 =	sshrl.u32 s1, $0x3;
	s0 =	smax.u32 s0, $0x1;
	[smem:$0x7F0] =	sst s15  }
0x18: {  	s1 =	sadd.s32 s1, s6;
	[smem:$0x7F3] =	sst s0  }
0x19: {  	s16 =	simm.s32 $0x580;
	[dreg:$0x4] =	wrdreg s1  }
0x1a: {  	s18 =	simm.s32 $0x1400;
	[dreg:$0x16] =	wrdreg s16  }
0x1b: {  	s19 =	simm.s32 $0x1480;
	[dreg:$0x17] =	wrdreg s18  }
0x1c: {  	s21 =	simm.s32 $0x1500;
	[dreg:$0x18] =	wrdreg s19  }
0x1d: {  	s28 =	simm.s32 $0x6;
	s22 =	simm.s32 $0x1580;
	[dreg:$0x19] =	wrdreg s21  }
0x1e: {  	s29 =	simm.s32 $0x7;
	s24 =	simm.s32 $0x600;
	[dreg:$0x1a] =	wrdreg s22  }
0x1f: {  	s30 =	simm.s32 $0x8;
	s9 =	simm.s32 $0x700;
	[dreg:$0x1b] =	wrdreg s24  }
0x20: {  	s7 =	smul.u32 $0x13C00, s8;
	s11 =	simm.s32 $0x780;
	[dreg:$0x1d] =	wrdreg s9  }
0x21: {  	s4 =	sshrl.u32 s4, $0x3;
	s13 =	simm.s32 $0x1600;
	[dreg:$0x1e] =	wrdreg s11  }
0x22: {  	s31 =	simm.s32 $0xA80;
	s4 =	sadd.s32 s4, s6;
	[dreg:$0x1f] =	wrdreg s13  }
0x23: {  	s6 =	sadd.s32 s7, s26;
	s26 =	simm.s32 $0x680;
	[dreg:$0x3] =	wrdreg s4  }
0x24: {  	s17 =	smul.u32 $0x4F000, s8;
	s16 =	simm.s32 $0x1700;
	[dreg:$0x1c] =	wrdreg s26  }
0x25: {  	s15 =	simm.s32 $0x2000;
	s18 =	simm.s32 $0x800;
	[smem:$0x7F2] =	sst s16  }
0x26: {  	s0 =	simm.s32 $0xB80;
	s19 =	simm.s32 $0x880;
	[smem:$0x7F5] =	sst s18  }
0x27: {  	s21 =	simm.s32 $0x980;
	s22 =	simm.s32 $0x1800;
	[smem:$0x7F6] =	sst s19  }
0x28: {  	s24 =	simm.s32 $0x1900;
	s1 =	simm.s32 $0xB00;
	[smem:$0x7F8] =	sst s21  }
0x29: {  	s7 =	simm.s32 $0x1A80;
	s9 =	simm.s32 $0x1B80;
	[smem:$0x7F9] =	sst s22  }
0x2a: {  	s4 =	simm.s32 $0x1200;
	s6 =	sshrl.u32 s6, $0x3;
	[smem:$0x7FB] =	sst s24  }
0x2b: {  	s20 =	sshrl.u32 s17, $0x2;
	s17 =	simm.s32 $0x1780;
	[dreg:$0xf] =	wrdreg s4  }
0x2c: {  	s26 =	simm.s32 $0xA00;
	s4 =	sadd.s32 $0x29A00, s5;
	[smem:$0x7F4] =	sst s17  }
0x2d: {  	s5 =	sadd.s32 s6, s5;
	s6 =	sadd.s32 s20, s2;
	[smem:$0x7FD] =	sst s26  }
0x2e: {  	s11 =	simm.s32 $0x1C00;
	s20 =	simm.s32 $0x900;
	[smem:$0x7EE] =	sst s6  }
0x2f: {  	s16 =	simm.s32 $0x9;
	s23 =	sadd.s32 $0x2800, s6;
	[smem:$0x7F7] =	sst s20  }
0x30: {  	s18 =	simm.s32 $0x50;
	s25 =	sadd.s32 $0x5000, s6;
	[smem:$0x7E8] =	sst s23  }
0x31: {  	s19 =	simm.s32 $0x4800;
	s8 =	sadd.s32 $0x7800, s6;
	[smem:$0x7E9] =	sst s25  }
0x32: {  	s21 =	simm.s32 $0x9800;
	s10 =	sadd.s32 $0xA000, s6;
	[smem:$0x7EA] =	sst s8  }
0x33: {  	s22 =	simm.s32 $0x1;
	s12 =	sadd.s32 $0xC800, s6;
	[smem:$0x7EB] =	sst s10  }
0x34: {  	s24 =	simm.s32 $0x3;
	s14 =	sadd.s32 $0xF000, s6;
	[smem:$0x7EC] =	sst s12  }
0x35: {  	s17 =	simm.s32 $0x1000;
	s6 =	sadd.s32 $0x11800, s6;
	[smem:$0x7ED] =	sst s14  }
0x36: {  	s26 =	simm.s32 $0x5;
	s5 =	sadd.s32 $0x51A00, s5;
	[smem:$0x7EF] =	sst s6  }
0x37: {  	s20 =	simm.s32 $0x7000;
	[smem:$0x7F1] =	sst s5;
	s23 =	simm.s32 $0x1880  }
0x38: {  	s25 =	simm.s32 $0x1980;
	s6 =	simm.s32 $0x1A00;
	s8 =	simm.s32 $0x1B00  }
0x39: {  	s10 =	simm.s32 $0xC00;
	s12 =	simm.s32 $0x0;
	[smem:$0x7FA] =	sst s23  }
0x3a: {  	v0 =	vimm.f32 $0.0e+00;
	[smem:$0x7FC] =	sst s25;
	s23 =	simm.s32 $0x2;
	s25 =	simm.s32 $0x4  }
.LBB2_1:
0x3b: {  	s13 =	simm.s32 $0x0;
	s14 =	simm.s32 $0x200  }
.LBB2_2:
0x3c: {  	p0 =	sne.s32 s14, $0x9E00;
	[tilespmem:s13+$0x2070] =	vst v0  }
0x3d: {  	[tilespmem:s13+$0x2000] =	vst v0  }
0x3e: {  	[tilespmem:s13+$0x2010] =	vst v0  }
.Ltmp0:
0x3f: {  	[tilespmem:s13+$0x2020] =	vst v0;
	(pc) =	sbr.rel @p0 .LBB2_2-.Ltmp0, $4  }
0x40: {  	[tilespmem:s13+$0x2030] =	vst v0  }
0x41: {  	[tilespmem:s13+$0x2040] =	vst v0  }
0x42: {  	[tilespmem:s13+$0x2050] =	vst v0  }
0x43: {  	[tilespmem:s13+$0x2060] =	vst v0;
	s13 =	sshra.s32 s14, $0x2;
	s14 =	sadd.s32 $0x200, s14  }
0x44: {  	[tilespmem:s13+$0x2070] =	vst v0  }
0x45: {  	[tilespmem:s13+$0x2000] =	vst v0  }
0x46: {  	[tilespmem:s13+$0x2010] =	vst v0  }
0x47: {  	[tilespmem:s13+$0x2020] =	vst v0  }
0x48: {  	[tilespmem:s13+$0x2030] =	vst v0  }
0x49: {  	[tilespmem:s13+$0x2040] =	vst v0;
	s5 =	sld [smem:$0x7EE]  }
0x4a: {  	[tilespmem:s13+$0x2050] =	vst v0  }
0x4b: {  	[smem:$0x7E7] =	sst s12;
	[tilespmem:s13+$0x2060] =	vst v0  }
0x4c: {  	[spmem:s5] =	stream.linear.scatter [tilespmem:s15], [sflag:$0x9], $0x2800, $0x38;
	[tilespmem:$0x1FC00] =	vst v63  }
0x4d: {  	_ =	swait.ge [sflag:s16], $0x2800  }
0x4e: {  	s14 =	sld [smem:$0x7E8]  }
0x4f: {  	[sflag:s16] =	ssyncset.done $0x0  }
0x50: {  	[sflag:s16] =	ssyncadd.s32 $0xFFFFD800  }
0x51: {  	[spmem:s14] =	stream.linear.scatter [tilespmem:s15], [sflag:$0x9], $0x2800, $0x38;
	[tilespmem:$0x1FC00] =	vst v63  }
0x52: {  	_ =	swait.ge [sflag:s16], $0x2800  }
0x53: {  	s12 =	sld [smem:$0x7E9]  }
0x54: {  	[sflag:s16] =	ssyncset.done $0x0  }
0x55: {  	[sflag:s16] =	ssyncadd.s32 $0xFFFFD800  }
0x56: {  	[spmem:s12] =	stream.linear.scatter [tilespmem:s15], [sflag:$0x9], $0x2800, $0x38;
	[tilespmem:$0x1FC00] =	vst v63  }
0x57: {  	_ =	swait.ge [sflag:s16], $0x2800  }
0x58: {  	s13 =	sld [smem:$0x7EA]  }
0x59: {  	[sflag:s16] =	ssyncset.done $0x0  }
0x5a: {  	[sflag:s16] =	ssyncadd.s32 $0xFFFFD800  }
0x5b: {  	[spmem:s13] =	stream.linear.scatter [tilespmem:s15], [sflag:$0x9], $0x2800, $0x38;
	[tilespmem:$0x1FC00] =	vst v63  }
0x5c: {  	_ =	swait.ge [sflag:s16], $0x2800  }
0x5d: {  	s14 =	sld [smem:$0x7EB]  }
0x5e: {  	[sflag:s16] =	ssyncset.done $0x0  }
0x5f: {  	[sflag:s16] =	ssyncadd.s32 $0xFFFFD800  }
0x60: {  	[spmem:s14] =	stream.linear.scatter [tilespmem:s15], [sflag:$0x9], $0x2800, $0x38;
	[tilespmem:$0x1FC00] =	vst v63  }
0x61: {  	_ =	swait.ge [sflag:s16], $0x2800  }
0x62: {  	s12 =	sld [smem:$0x7EC]  }
0x63: {  	[sflag:s16] =	ssyncset.done $0x0  }
0x64: {  	[sflag:s16] =	ssyncadd.s32 $0xFFFFD800  }
0x65: {  	[spmem:s12] =	stream.linear.scatter [tilespmem:s15], [sflag:$0x9], $0x2800, $0x38;
	[tilespmem:$0x1FC00] =	vst v63  }
0x66: {  	_ =	swait.ge [sflag:s16], $0x2800  }
0x67: {  	s13 =	sld [smem:$0x7ED]  }
0x68: {  	[sflag:s16] =	ssyncset.done $0x0  }
0x69: {  	[sflag:s16] =	ssyncadd.s32 $0xFFFFD800  }
0x6a: {  	[spmem:s13] =	stream.linear.scatter [tilespmem:s15], [sflag:$0x9], $0x2800, $0x38;
	[tilespmem:$0x1FC00] =	vst v63  }
0x6b: {  	_ =	swait.ge [sflag:s16], $0x2800  }
0x6c: {  	s14 =	sld [smem:$0x7EF]  }
0x6d: {  	[sflag:s16] =	ssyncset.done $0x0  }
0x6e: {  	[sflag:s16] =	ssyncadd.s32 $0xFFFFD800  }
0x6f: {  	[spmem:s14] =	stream.linear.scatter [tilespmem:s15], [sflag:$0x9], $0x2400, $0x38;
	[tilespmem:$0x1FC00] =	vst v63  }
0x70: {  	_ =	swait.ge [sflag:s16], $0x2400  }
0x71: {  	[sflag:s16] =	ssyncset.done $0x0  }
0x72: {  	[sflag:s16] =	ssyncadd.s32 $0xFFFFDC00  }
0x73: {  	[bflag:$0x0] =	sbarrier.arrive $0xFFFF  }
0x74: {  	s12 =	rddreg [dreg:$0x4]  }
0x75: {  	s5 =	sadd.s32 $0x0, s12  }
0x76: {  	[tilespmem:s3], [sflag:$0x9] =	stream.linear.gather [hbm4b:s5+s3], $0xC80, $0x38;
	[tilespmem:$0x1FC00] =	vst v63  }
0x77: {  	_ =	swait.ge [sflag:s16], $0xC80  }
0x78: {  	s13 =	rddreg [dreg:$0x3];
	[sflag:s16] =	ssyncset.done $0x0  }
0x79: {  	[sflag:s16] =	ssyncadd.s32 $0xFFFFF380;
	s5 =	sadd.s32 $0x0, s13  }
0x7a: {  	[tilespmem:s17], [sflag:$0x9] =	stream.linear.gather [hbm4b:s5+s3], $0xC80, $0x38;
	[tilespmem:$0x1FC00] =	vst v63  }
0x7b: {  	_ =	swait.ge [sflag:s16], $0xC80  }
0x7c: {  	[sflag:s16] =	ssyncset.done $0x0  }
0x7d: {  	[sflag:s16] =	ssyncadd.s32 $0xFFFFF380  }
0x7e: {  	[tilespmem:s15], [sflag:$0x1] =	stream.indirect.gather [hbm4b:s4+s18], $0x80, s3, s18, $0xb8;
	[tilespmem:$0x1FC00] =	vst v63  }
0x7f: {  	s14 =	rddreg [dreg:$0x5]  }
0x80: {  	[tilespmem:s19], [sflag:$0x2] =	stream.indirect.gather [hbm4b:s4+s18], $0x80, s14, s18, $0xb8;
	[tilespmem:$0x1FC00] =	vst v63  }
0x81: {  	s12 =	rddreg [dreg:$0x6]  }
0x82: {  	[tilespmem:s20], [sflag:$0x3] =	stream.indirect.gather [hbm4b:s4+s18], $0x80, s12, s18, $0xb8;
	[tilespmem:$0x1FC00] =	vst v63  }
0x83: {  	s14 =	rddreg [dreg:$0x7]  }
0x84: {  	[tilespmem:s21], [sflag:$0x4] =	stream.indirect.gather [hbm4b:s4+s18], $0x80, s14, s18, $0xb8;
	[tilespmem:$0x1FC00] =	vst v63  }
0x85: {  	_ =	swait.ge [sflag:s22], $0x2800  }
0x86: {  	[sflag:s22] =	ssyncset.done $0x0  }
0x87: {  	[sflag:s22] =	ssyncadd.s32 $0xFFFFD800  }
0x88: {  	[spmem:s2] =	stream.indirect.scatter.add.f32 [tilespmem:s15], [sflag:$0x5], $0x80, s17, s18, $0xb8;
	[tilespmem:$0x1FC00] =	vst v63  }
0x89: {  	_ =	swait.ge [sflag:s23], $0x2800  }
0x8a: {  	[sflag:s23] =	ssyncset.done $0x0  }
0x8b: {  	s12 =	rddreg [dreg:$0x8];
	[sflag:s23] =	ssyncadd.s32 $0xFFFFD800  }
0x8c: {  	[spmem:s2] =	stream.indirect.scatter.add.f32 [tilespmem:s19], [sflag:$0x6], $0x80, s12, s18, $0xb8;
	[tilespmem:$0x1FC00] =	vst v63  }
0x8d: {  	_ =	swait.ge [sflag:s24], $0x2800  }
0x8e: {  	[sflag:s24] =	ssyncset.done $0x0  }
0x8f: {  	s13 =	rddreg [dreg:$0x9];
	[sflag:s24] =	ssyncadd.s32 $0xFFFFD800  }
0x90: {  	[spmem:s2] =	stream.indirect.scatter.add.f32 [tilespmem:s20], [sflag:$0x7], $0x80, s13, s18, $0xb8;
	[tilespmem:$0x1FC00] =	vst v63  }
0x91: {  	_ =	swait.ge [sflag:s25], $0x2800  }
0x92: {  	[sflag:s25] =	ssyncset.done $0x0  }
0x93: {  	s14 =	rddreg [dreg:$0xa];
	[sflag:s25] =	ssyncadd.s32 $0xFFFFD800  }
0x94: {  	[spmem:s2] =	stream.indirect.scatter.add.f32 [tilespmem:s21], [sflag:$0x8], $0x80, s14, s18, $0xb8;
	[tilespmem:$0x1FC00] =	vst v63  }
0x95: {  	_ =	swait.ge [sflag:s26], $0x2800  }
0x96: {  	[sflag:s26] =	ssyncset.done $0x0  }
0x97: {  	s12 =	rddreg [dreg:$0xb];
	[sflag:s26] =	ssyncadd.s32 $0xFFFFD800  }
0x98: {  	[tilespmem:s15], [sflag:$0x1] =	stream.indirect.gather [hbm4b:s4+s18], $0x80, s12, s18, $0xb8;
	[tilespmem:$0x1FC00] =	vst v63  }
0x99: {  	_ =	swait.ge [sflag:s28], $0x2800  }
0x9a: {  	[sflag:s28] =	ssyncset.done $0x0  }
0x9b: {  	s13 =	rddreg [dreg:$0xc];
	[sflag:s28] =	ssyncadd.s32 $0xFFFFD800  }
0x9c: {  	[tilespmem:s19], [sflag:$0x2] =	stream.indirect.gather [hbm4b:s4+s18], $0x80, s13, s18, $0xb8;
	[tilespmem:$0x1FC00] =	vst v63  }
0x9d: {  	_ =	swait.ge [sflag:s29], $0x2800  }
0x9e: {  	[sflag:s29] =	ssyncset.done $0x0  }
0x9f: {  	s14 =	rddreg [dreg:$0xd];
	[sflag:s29] =	ssyncadd.s32 $0xFFFFD800  }
0xa0: {  	[tilespmem:s20], [sflag:$0x3] =	stream.indirect.gather [hbm4b:s4+s18], $0x80, s14, s18, $0xb8;
	[tilespmem:$0x1FC00] =	vst v63  }
0xa1: {  	_ =	swait.ge [sflag:s30], $0x2800  }
0xa2: {  	[sflag:s30] =	ssyncset.done $0x0  }
0xa3: {  	s12 =	rddreg [dreg:$0xe];
	[sflag:s30] =	ssyncadd.s32 $0xFFFFD800  }
0xa4: {  	[tilespmem:s21], [sflag:$0x4] =	stream.indirect.gather [hbm4b:s4+s18], $0x80, s12, s18, $0xb8;
	[tilespmem:$0x1FC00] =	vst v63  }
0xa5: {  	_ =	swait.ge [sflag:s22], $0x2800  }
0xa6: {  	[sflag:s22] =	ssyncset.done $0x0  }
0xa7: {  	s13 =	rddreg [dreg:$0xf];
	[sflag:s22] =	ssyncadd.s32 $0xFFFFD800  }
0xa8: {  	[spmem:s2] =	stream.indirect.scatter.add.f32 [tilespmem:s15], [sflag:$0x5], $0x80, s13, s18, $0xb8;
	[tilespmem:$0x1FC00] =	vst v63  }
0xa9: {  	_ =	swait.ge [sflag:s23], $0x2800  }
0xaa: {  	[sflag:s23] =	ssyncset.done $0x0  }
0xab: {  	s14 =	rddreg [dreg:$0x10];
	[sflag:s23] =	ssyncadd.s32 $0xFFFFD800  }
0xac: {  	[spmem:s2] =	stream.indirect.scatter.add.f32 [tilespmem:s19], [sflag:$0x6], $0x80, s14, s18, $0xb8;
	[tilespmem:$0x1FC00] =	vst v63  }
0xad: {  	_ =	swait.ge [sflag:s24], $0x2800  }
0xae: {  	[sflag:s24] =	ssyncset.done $0x0  }
0xaf: {  	s12 =	rddreg [dreg:$0x11];
	[sflag:s24] =	ssyncadd.s32 $0xFFFFD800  }
0xb0: {  	[spmem:s2] =	stream.indirect.scatter.add.f32 [tilespmem:s20], [sflag:$0x7], $0x80, s12, s18, $0xb8;
	[tilespmem:$0x1FC00] =	vst v63  }
0xb1: {  	_ =	swait.ge [sflag:s25], $0x2800  }
0xb2: {  	[sflag:s25] =	ssyncset.done $0x0  }
0xb3: {  	s13 =	rddreg [dreg:$0x12];
	[sflag:s25] =	ssyncadd.s32 $0xFFFFD800  }
0xb4: {  	[spmem:s2] =	stream.indirect.scatter.add.f32 [tilespmem:s21], [sflag:$0x8], $0x80, s13, s18, $0xb8;
	[tilespmem:$0x1FC00] =	vst v63  }
0xb5: {  	_ =	swait.ge [sflag:s26], $0x2800  }
0xb6: {  	[sflag:s26] =	ssyncset.done $0x0  }
0xb7: {  	s14 =	rddreg [dreg:$0x13];
	[sflag:s26] =	ssyncadd.s32 $0xFFFFD800  }
0xb8: {  	[tilespmem:s15], [sflag:$0x1] =	stream.indirect.gather [hbm4b:s4+s18], $0x80, s14, s18, $0xb8;
	[tilespmem:$0x1FC00] =	vst v63  }
0xb9: {  	_ =	swait.ge [sflag:s28], $0x2800  }
0xba: {  	[sflag:s28] =	ssyncset.done $0x0  }
0xbb: {  	s12 =	rddreg [dreg:$0x14];
	[sflag:s28] =	ssyncadd.s32 $0xFFFFD800  }
0xbc: {  	[tilespmem:s19], [sflag:$0x2] =	stream.indirect.gather [hbm4b:s4+s18], $0x80, s12, s18, $0xb8;
	[tilespmem:$0x1FC00] =	vst v63  }
0xbd: {  	_ =	swait.ge [sflag:s29], $0x2800  }
0xbe: {  	[sflag:s29] =	ssyncset.done $0x0  }
0xbf: {  	s13 =	rddreg [dreg:$0x15];
	[sflag:s29] =	ssyncadd.s32 $0xFFFFD800  }
0xc0: {  	[tilespmem:s20], [sflag:$0x3] =	stream.indirect.gather [hbm4b:s4+s18], $0x80, s13, s18, $0xb8;
	[tilespmem:$0x1FC00] =	vst v63  }
0xc1: {  	_ =	swait.ge [sflag:s30], $0x2800  }
0xc2: {  	[sflag:s30] =	ssyncset.done $0x0  }
0xc3: {  	s14 =	rddreg [dreg:$0x16];
	[sflag:s30] =	ssyncadd.s32 $0xFFFFD800  }
0xc4: {  	[tilespmem:s21], [sflag:$0x4] =	stream.indirect.gather [hbm4b:s4+s18], $0x80, s14, s18, $0xb8;
	[tilespmem:$0x1FC00] =	vst v63  }
0xc5: {  	_ =	swait.ge [sflag:s22], $0x2800  }
0xc6: {  	[sflag:s22] =	ssyncset.done $0x0  }
0xc7: {  	s12 =	rddreg [dreg:$0x17];
	[sflag:s22] =	ssyncadd.s32 $0xFFFFD800  }
0xc8: {  	[spmem:s2] =	stream.indirect.scatter.add.f32 [tilespmem:s15], [sflag:$0x5], $0x80, s12, s18, $0xb8;
	[tilespmem:$0x1FC00] =	vst v63  }
0xc9: {  	_ =	swait.ge [sflag:s23], $0x2800  }
0xca: {  	[sflag:s23] =	ssyncset.done $0x0  }
0xcb: {  	s13 =	rddreg [dreg:$0x18];
	[sflag:s23] =	ssyncadd.s32 $0xFFFFD800  }
0xcc: {  	[spmem:s2] =	stream.indirect.scatter.add.f32 [tilespmem:s19], [sflag:$0x6], $0x80, s13, s18, $0xb8;
	[tilespmem:$0x1FC00] =	vst v63  }
0xcd: {  	_ =	swait.ge [sflag:s24], $0x2800  }
0xce: {  	[sflag:s24] =	ssyncset.done $0x0  }
0xcf: {  	s14 =	rddreg [dreg:$0x19];
	[sflag:s24] =	ssyncadd.s32 $0xFFFFD800  }
0xd0: {  	[spmem:s2] =	stream.indirect.scatter.add.f32 [tilespmem:s20], [sflag:$0x7], $0x80, s14, s18, $0xb8;
	[tilespmem:$0x1FC00] =	vst v63  }
0xd1: {  	_ =	swait.ge [sflag:s25], $0x2800  }
0xd2: {  	[sflag:s25] =	ssyncset.done $0x0  }
0xd3: {  	s12 =	rddreg [dreg:$0x1a];
	[sflag:s25] =	ssyncadd.s32 $0xFFFFD800  }
0xd4: {  	[spmem:s2] =	stream.indirect.scatter.add.f32 [tilespmem:s21], [sflag:$0x8], $0x80, s12, s18, $0xb8;
	[tilespmem:$0x1FC00] =	vst v63  }
0xd5: {  	_ =	swait.ge [sflag:s26], $0x2800  }
0xd6: {  	[sflag:s26] =	ssyncset.done $0x0  }
0xd7: {  	s13 =	rddreg [dreg:$0x1b];
	[sflag:s26] =	ssyncadd.s32 $0xFFFFD800  }
0xd8: {  	[tilespmem:s15], [sflag:$0x1] =	stream.indirect.gather [hbm4b:s4+s18], $0x80, s13, s18, $0xb8;
	[tilespmem:$0x1FC00] =	vst v63  }
0xd9: {  	_ =	swait.ge [sflag:s28], $0x2800  }
0xda: {  	[sflag:s28] =	ssyncset.done $0x0  }
0xdb: {  	s14 =	rddreg [dreg:$0x1c];
	[sflag:s28] =	ssyncadd.s32 $0xFFFFD800  }
0xdc: {  	[tilespmem:s19], [sflag:$0x2] =	stream.indirect.gather [hbm4b:s4+s18], $0x80, s14, s18, $0xb8;
	[tilespmem:$0x1FC00] =	vst v63  }
0xdd: {  	_ =	swait.ge [sflag:s29], $0x2800  }
0xde: {  	[sflag:s29] =	ssyncset.done $0x0  }
0xdf: {  	s12 =	rddreg [dreg:$0x1d];
	[sflag:s29] =	ssyncadd.s32 $0xFFFFD800  }
0xe0: {  	[tilespmem:s20], [sflag:$0x3] =	stream.indirect.gather [hbm4b:s4+s18], $0x80, s12, s18, $0xb8;
	[tilespmem:$0x1FC00] =	vst v63  }
0xe1: {  	_ =	swait.ge [sflag:s30], $0x2800  }
0xe2: {  	[sflag:s30] =	ssyncset.done $0x0  }
0xe3: {  	s13 =	rddreg [dreg:$0x1e];
	[sflag:s30] =	ssyncadd.s32 $0xFFFFD800  }
0xe4: {  	[tilespmem:s21], [sflag:$0x4] =	stream.indirect.gather [hbm4b:s4+s18], $0x80, s13, s18, $0xb8;
	[tilespmem:$0x1FC00] =	vst v63  }
0xe5: {  	_ =	swait.ge [sflag:s22], $0x2800  }
0xe6: {  	[sflag:s22] =	ssyncset.done $0x0  }
0xe7: {  	s14 =	rddreg [dreg:$0x1f];
	[sflag:s22] =	ssyncadd.s32 $0xFFFFD800  }
0xe8: {  	[spmem:s2] =	stream.indirect.scatter.add.f32 [tilespmem:s15], [sflag:$0x5], $0x80, s14, s18, $0xb8;
	[tilespmem:$0x1FC00] =	vst v63  }
0xe9: {  	_ =	swait.ge [sflag:s23], $0x2800  }
0xea: {  	s12 =	sld [smem:$0x7F0]  }
0xeb: {  	[sflag:s23] =	ssyncset.done $0x0  }
0xec: {  	[sflag:s23] =	ssyncadd.s32 $0xFFFFD800  }
0xed: {  	[spmem:s2] =	stream.indirect.scatter.add.f32 [tilespmem:s19], [sflag:$0x6], $0x80, s12, s18, $0xb8;
	[tilespmem:$0x1FC00] =	vst v63  }
0xee: {  	_ =	swait.ge [sflag:s24], $0x2800  }
0xef: {  	s13 =	sld [smem:$0x7F2]  }
0xf0: {  	[sflag:s24] =	ssyncset.done $0x0  }
0xf1: {  	[sflag:s24] =	ssyncadd.s32 $0xFFFFD800  }
0xf2: {  	[spmem:s2] =	stream.indirect.scatter.add.f32 [tilespmem:s20], [sflag:$0x7], $0x80, s13, s18, $0xb8;
	[tilespmem:$0x1FC00] =	vst v63  }
0xf3: {  	_ =	swait.ge [sflag:s25], $0x2800  }
0xf4: {  	s14 =	sld [smem:$0x7F4]  }
0xf5: {  	[sflag:s25] =	ssyncset.done $0x0  }
0xf6: {  	[sflag:s25] =	ssyncadd.s32 $0xFFFFD800  }
0xf7: {  	[spmem:s2] =	stream.indirect.scatter.add.f32 [tilespmem:s21], [sflag:$0x8], $0x80, s14, s18, $0xb8;
	[tilespmem:$0x1FC00] =	vst v63  }
0xf8: {  	_ =	swait.ge [sflag:s26], $0x2800  }
0xf9: {  	s12 =	sld [smem:$0x7F5]  }
0xfa: {  	[sflag:s26] =	ssyncset.done $0x0  }
0xfb: {  	[sflag:s26] =	ssyncadd.s32 $0xFFFFD800  }
0xfc: {  	[tilespmem:s15], [sflag:$0x1] =	stream.indirect.gather [hbm4b:s4+s18], $0x80, s12, s18, $0xb8;
	[tilespmem:$0x1FC00] =	vst v63  }
0xfd: {  	_ =	swait.ge [sflag:s28], $0x2800  }
0xfe: {  	s13 =	sld [smem:$0x7F6]  }
0xff: {  	[sflag:s28] =	ssyncset.done $0x0  }
0x100: {  	[sflag:s28] =	ssyncadd.s32 $0xFFFFD800  }
0x101: {  	[tilespmem:s19], [sflag:$0x2] =	stream.indirect.gather [hbm4b:s4+s18], $0x80, s13, s18, $0xb8;
	[tilespmem:$0x1FC00] =	vst v63  }
0x102: {  	_ =	swait.ge [sflag:s29], $0x2800  }
0x103: {  	s14 =	sld [smem:$0x7F7]  }
0x104: {  	[sflag:s29] =	ssyncset.done $0x0  }
0x105: {  	[sflag:s29] =	ssyncadd.s32 $0xFFFFD800  }
0x106: {  	[tilespmem:s20], [sflag:$0x3] =	stream.indirect.gather [hbm4b:s4+s18], $0x80, s14, s18, $0xb8;
	[tilespmem:$0x1FC00] =	vst v63  }
0x107: {  	_ =	swait.ge [sflag:s30], $0x2800  }
0x108: {  	s12 =	sld [smem:$0x7F8]  }
0x109: {  	[sflag:s30] =	ssyncset.done $0x0  }
0x10a: {  	[sflag:s30] =	ssyncadd.s32 $0xFFFFD800  }
0x10b: {  	[tilespmem:s21], [sflag:$0x4] =	stream.indirect.gather [hbm4b:s4+s18], $0x80, s12, s18, $0xb8;
	[tilespmem:$0x1FC00] =	vst v63  }
0x10c: {  	_ =	swait.ge [sflag:s22], $0x2800  }
0x10d: {  	s13 =	sld [smem:$0x7F9]  }
0x10e: {  	[sflag:s22] =	ssyncset.done $0x0  }
0x10f: {  	[sflag:s22] =	ssyncadd.s32 $0xFFFFD800  }
0x110: {  	[spmem:s2] =	stream.indirect.scatter.add.f32 [tilespmem:s15], [sflag:$0x5], $0x80, s13, s18, $0xb8;
	[tilespmem:$0x1FC00] =	vst v63  }
0x111: {  	_ =	swait.ge [sflag:s23], $0x2800  }
0x112: {  	s14 =	sld [smem:$0x7FA]  }
0x113: {  	[sflag:s23] =	ssyncset.done $0x0  }
0x114: {  	[sflag:s23] =	ssyncadd.s32 $0xFFFFD800  }
0x115: {  	[spmem:s2] =	stream.indirect.scatter.add.f32 [tilespmem:s19], [sflag:$0x6], $0x80, s14, s18, $0xb8;
	[tilespmem:$0x1FC00] =	vst v63  }
0x116: {  	_ =	swait.ge [sflag:s24], $0x2800  }
0x117: {  	s12 =	sld [smem:$0x7FB]  }
0x118: {  	[sflag:s24] =	ssyncset.done $0x0  }
0x119: {  	[sflag:s24] =	ssyncadd.s32 $0xFFFFD800  }
0x11a: {  	[spmem:s2] =	stream.indirect.scatter.add.f32 [tilespmem:s20], [sflag:$0x7], $0x80, s12, s18, $0xb8;
	[tilespmem:$0x1FC00] =	vst v63  }
0x11b: {  	_ =	swait.ge [sflag:s25], $0x2800  }
0x11c: {  	s13 =	sld [smem:$0x7FC]  }
0x11d: {  	[sflag:s25] =	ssyncset.done $0x0  }
0x11e: {  	[sflag:s25] =	ssyncadd.s32 $0xFFFFD800  }
0x11f: {  	[spmem:s2] =	stream.indirect.scatter.add.f32 [tilespmem:s21], [sflag:$0x8], $0x80, s13, s18, $0xb8;
	[tilespmem:$0x1FC00] =	vst v63  }
0x120: {  	_ =	swait.ge [sflag:s26], $0x2800  }
0x121: {  	s14 =	sld [smem:$0x7FD]  }
0x122: {  	[sflag:s26] =	ssyncset.done $0x0  }
0x123: {  	[sflag:s26] =	ssyncadd.s32 $0xFFFFD800  }
0x124: {  	[tilespmem:s15], [sflag:$0x1] =	stream.indirect.gather [hbm4b:s4+s18], $0x80, s14, s18, $0xb8;
	[tilespmem:$0x1FC00] =	vst v63  }
0x125: {  	_ =	swait.ge [sflag:s28], $0x2800  }
0x126: {  	[sflag:s28] =	ssyncset.done $0x0  }
0x127: {  	[sflag:s28] =	ssyncadd.s32 $0xFFFFD800  }
0x128: {  	[tilespmem:s19], [sflag:$0x2] =	stream.indirect.gather [hbm4b:s4+s18], $0x80, s31, s18, $0xb8;
	[tilespmem:$0x1FC00] =	vst v63  }
0x129: {  	_ =	swait.ge [sflag:s29], $0x2800  }
0x12a: {  	[sflag:s29] =	ssyncset.done $0x0  }
0x12b: {  	[sflag:s29] =	ssyncadd.s32 $0xFFFFD800  }
0x12c: {  	[tilespmem:s20], [sflag:$0x3] =	stream.indirect.gather [hbm4b:s4+s18], $0x80, s1, s18, $0xb8;
	[tilespmem:$0x1FC00] =	vst v63  }
0x12d: {  	_ =	swait.ge [sflag:s30], $0x2800  }
0x12e: {  	[sflag:s30] =	ssyncset.done $0x0  }
0x12f: {  	[sflag:s30] =	ssyncadd.s32 $0xFFFFD800  }
0x130: {  	[tilespmem:s21], [sflag:$0x4] =	stream.indirect.gather [hbm4b:s4+s18], $0x80, s0, s18, $0xb8;
	[tilespmem:$0x1FC00] =	vst v63  }
0x131: {  	_ =	swait.ge [sflag:s22], $0x2800  }
0x132: {  	[sflag:s22] =	ssyncset.done $0x0  }
0x133: {  	[sflag:s22] =	ssyncadd.s32 $0xFFFFD800  }
0x134: {  	[spmem:s2] =	stream.indirect.scatter.add.f32 [tilespmem:s15], [sflag:$0x5], $0x80, s6, s18, $0xb8;
	[tilespmem:$0x1FC00] =	vst v63  }
0x135: {  	_ =	swait.ge [sflag:s23], $0x2800  }
0x136: {  	[sflag:s23] =	ssyncset.done $0x0  }
0x137: {  	[sflag:s23] =	ssyncadd.s32 $0xFFFFD800  }
0x138: {  	[spmem:s2] =	stream.indirect.scatter.add.f32 [tilespmem:s19], [sflag:$0x6], $0x80, s7, s18, $0xb8;
	[tilespmem:$0x1FC00] =	vst v63  }
0x139: {  	_ =	swait.ge [sflag:s24], $0x2800  }
0x13a: {  	[sflag:s24] =	ssyncset.done $0x0  }
0x13b: {  	[sflag:s24] =	ssyncadd.s32 $0xFFFFD800  }
0x13c: {  	[spmem:s2] =	stream.indirect.scatter.add.f32 [tilespmem:s20], [sflag:$0x7], $0x80, s8, s18, $0xb8;
	[tilespmem:$0x1FC00] =	vst v63  }
0x13d: {  	_ =	swait.ge [sflag:s25], $0x2800  }
0x13e: {  	[sflag:s25] =	ssyncset.done $0x0  }
0x13f: {  	[sflag:s25] =	ssyncadd.s32 $0xFFFFD800  }
0x140: {  	[spmem:s2] =	stream.indirect.scatter.add.f32 [tilespmem:s21], [sflag:$0x8], $0x80, s9, s18, $0xb8;
	[tilespmem:$0x1FC00] =	vst v63  }
0x141: {  	_ =	swait.ge [sflag:s26], $0x2800  }
0x142: {  	[sflag:s26] =	ssyncset.done $0x0  }
0x143: {  	[sflag:s26] =	ssyncadd.s32 $0xFFFFD800  }
0x144: {  	[tilespmem:s15], [sflag:$0x1] =	stream.indirect.gather [hbm4b:s4+s18], $0x80, s10, s18, $0xb8;
	[tilespmem:$0x1FC00] =	vst v63  }
0x145: {  	_ =	swait.ge [sflag:s28], $0x2800  }
0x146: {  	[sflag:s28] =	ssyncset.done $0x0  }
0x147: {  	[sflag:s28] =	ssyncadd.s32 $0xFFFFD800  }
0x148: {  	_ =	swait.ge [sflag:s29], $0x2800  }
0x149: {  	[sflag:s29] =	ssyncset.done $0x0  }
0x14a: {  	[sflag:s29] =	ssyncadd.s32 $0xFFFFD800  }
0x14b: {  	_ =	swait.ge [sflag:s30], $0x2800  }
0x14c: {  	[sflag:s30] =	ssyncset.done $0x0  }
0x14d: {  	[sflag:s30] =	ssyncadd.s32 $0xFFFFD800  }
0x14e: {  	_ =	swait.ge [sflag:s22], $0x2800  }
0x14f: {  	[sflag:s22] =	ssyncset.done $0x0  }
0x150: {  	[sflag:s22] =	ssyncadd.s32 $0xFFFFD800  }
0x151: {  	[spmem:s2] =	stream.indirect.scatter.add.f32 [tilespmem:s15], [sflag:$0x5], $0x80, s11, s18, $0xb8;
	[tilespmem:$0x1FC00] =	vst v63  }
0x152: {  	s13 =	simm.s32 $0x200;
	_ =	swait.ge [sflag:s26], $0x2800  }
0x153: {  	s14 =	simm.s32 $0x400;
	s5 =	rddreg [dreg:$0x4];
	[sflag:s26] =	ssyncset.done $0x0  }
.LBB2_4:
0x154: {  	[sflag:s26] =	ssyncadd.s32 $0xFFFFD800;
	s5 =	sadd.s32 s13, s5  }
0x155: {  	[tilespmem:s3], [sflag:$0x9] =	stream.linear.gather [hbm4b:s5+s3], $0xC80, $0x38;
	[tilespmem:$0x1FC00] =	vst v63  }
0x156: {  	_ =	swait.ge [sflag:s16], $0xC80  }
0x157: {  	s5 =	rddreg [dreg:$0x3];
	[sflag:s16] =	ssyncset.done $0x0  }
0x158: {  	[sflag:s16] =	ssyncadd.s32 $0xFFFFF380;
	s5 =	sadd.s32 s13, s5  }
0x159: {  	[tilespmem:s17], [sflag:$0x9] =	stream.linear.gather [hbm4b:s5+s3], $0xC80, $0x38;
	[tilespmem:$0x1FC00] =	vst v63  }
0x15a: {  	_ =	swait.ge [sflag:s16], $0xC80  }
0x15b: {  	[sflag:s16] =	ssyncset.done $0x0  }
0x15c: {  	[sflag:s16] =	ssyncadd.s32 $0xFFFFF380  }
0x15d: {  	[tilespmem:s15], [sflag:$0x1] =	stream.indirect.gather [hbm4b:s4+s18], $0x80, s3, s18, $0xb8;
	[tilespmem:$0x1FC00] =	vst v63  }
0x15e: {  	s12 =	smov.u32 s14;
	s5 =	rddreg [dreg:$0x5]  }
0x15f: {  	[tilespmem:s19], [sflag:$0x2] =	stream.indirect.gather [hbm4b:s4+s18], $0x80, s5, s18, $0xb8;
	[tilespmem:$0x1FC00] =	vst v63  }
0x160: {  	s13 =	smov.u32 s12;
	s12 =	rddreg [dreg:$0x6]  }
0x161: {  	[tilespmem:s20], [sflag:$0x3] =	stream.indirect.gather [hbm4b:s4+s18], $0x80, s12, s18, $0xb8;
	[tilespmem:$0x1FC00] =	vst v63  }
0x162: {  	s5 =	rddreg [dreg:$0x7]  }
0x163: {  	[tilespmem:s21], [sflag:$0x4] =	stream.indirect.gather [hbm4b:s4+s18], $0x80, s5, s18, $0xb8;
	[tilespmem:$0x1FC00] =	vst v63  }
0x164: {  	_ =	swait.ge [sflag:s22], $0x2800  }
0x165: {  	[sflag:s22] =	ssyncset.done $0x0  }
0x166: {  	[sflag:s22] =	ssyncadd.s32 $0xFFFFD800  }
0x167: {  	[spmem:s2] =	stream.indirect.scatter.add.f32 [tilespmem:s15], [sflag:$0x5], $0x80, s17, s18, $0xb8;
	[tilespmem:$0x1FC00] =	vst v63  }
0x168: {  	_ =	swait.ge [sflag:s23], $0x2800  }
0x169: {  	[sflag:s23] =	ssyncset.done $0x0  }
0x16a: {  	s12 =	rddreg [dreg:$0x8];
	[sflag:s23] =	ssyncadd.s32 $0xFFFFD800  }
0x16b: {  	[spmem:s2] =	stream.indirect.scatter.add.f32 [tilespmem:s19], [sflag:$0x6], $0x80, s12, s18, $0xb8;
	[tilespmem:$0x1FC00] =	vst v63  }
0x16c: {  	_ =	swait.ge [sflag:s24], $0x2800  }
0x16d: {  	[sflag:s24] =	ssyncset.done $0x0  }
0x16e: {  	s12 =	rddreg [dreg:$0x9];
	[sflag:s24] =	ssyncadd.s32 $0xFFFFD800  }
0x16f: {  	[spmem:s2] =	stream.indirect.scatter.add.f32 [tilespmem:s20], [sflag:$0x7], $0x80, s12, s18, $0xb8;
	[tilespmem:$0x1FC00] =	vst v63  }
0x170: {  	_ =	swait.ge [sflag:s25], $0x2800  }
0x171: {  	[sflag:s25] =	ssyncset.done $0x0  }
0x172: {  	s12 =	rddreg [dreg:$0xa];
	[sflag:s25] =	ssyncadd.s32 $0xFFFFD800  }
0x173: {  	[spmem:s2] =	stream.indirect.scatter.add.f32 [tilespmem:s21], [sflag:$0x8], $0x80, s12, s18, $0xb8;
	[tilespmem:$0x1FC00] =	vst v63  }
0x174: {  	_ =	swait.ge [sflag:s26], $0x2800  }
0x175: {  	[sflag:s26] =	ssyncset.done $0x0  }
0x176: {  	s12 =	rddreg [dreg:$0xb];
	[sflag:s26] =	ssyncadd.s32 $0xFFFFD800  }
0x177: {  	[tilespmem:s15], [sflag:$0x1] =	stream.indirect.gather [hbm4b:s4+s18], $0x80, s12, s18, $0xb8;
	[tilespmem:$0x1FC00] =	vst v63  }
0x178: {  	_ =	swait.ge [sflag:s28], $0x2800  }
0x179: {  	[sflag:s28] =	ssyncset.done $0x0  }
0x17a: {  	s12 =	rddreg [dreg:$0xc];
	[sflag:s28] =	ssyncadd.s32 $0xFFFFD800  }
0x17b: {  	[tilespmem:s19], [sflag:$0x2] =	stream.indirect.gather [hbm4b:s4+s18], $0x80, s12, s18, $0xb8;
	[tilespmem:$0x1FC00] =	vst v63  }
0x17c: {  	_ =	swait.ge [sflag:s29], $0x2800  }
0x17d: {  	[sflag:s29] =	ssyncset.done $0x0  }
0x17e: {  	s12 =	rddreg [dreg:$0xd];
	[sflag:s29] =	ssyncadd.s32 $0xFFFFD800  }
0x17f: {  	[tilespmem:s20], [sflag:$0x3] =	stream.indirect.gather [hbm4b:s4+s18], $0x80, s12, s18, $0xb8;
	[tilespmem:$0x1FC00] =	vst v63  }
0x180: {  	_ =	swait.ge [sflag:s30], $0x2800  }
0x181: {  	[sflag:s30] =	ssyncset.done $0x0  }
0x182: {  	s12 =	rddreg [dreg:$0xe];
	[sflag:s30] =	ssyncadd.s32 $0xFFFFD800  }
0x183: {  	[tilespmem:s21], [sflag:$0x4] =	stream.indirect.gather [hbm4b:s4+s18], $0x80, s12, s18, $0xb8;
	[tilespmem:$0x1FC00] =	vst v63  }
0x184: {  	_ =	swait.ge [sflag:s22], $0x2800  }
0x185: {  	[sflag:s22] =	ssyncset.done $0x0  }
0x186: {  	s12 =	rddreg [dreg:$0xf];
	[sflag:s22] =	ssyncadd.s32 $0xFFFFD800  }
0x187: {  	[spmem:s2] =	stream.indirect.scatter.add.f32 [tilespmem:s15], [sflag:$0x5], $0x80, s12, s18, $0xb8;
	[tilespmem:$0x1FC00] =	vst v63  }
0x188: {  	_ =	swait.ge [sflag:s23], $0x2800  }
0x189: {  	[sflag:s23] =	ssyncset.done $0x0  }
0x18a: {  	s12 =	rddreg [dreg:$0x10];
	[sflag:s23] =	ssyncadd.s32 $0xFFFFD800  }
0x18b: {  	[spmem:s2] =	stream.indirect.scatter.add.f32 [tilespmem:s19], [sflag:$0x6], $0x80, s12, s18, $0xb8;
	[tilespmem:$0x1FC00] =	vst v63  }
0x18c: {  	_ =	swait.ge [sflag:s24], $0x2800  }
0x18d: {  	[sflag:s24] =	ssyncset.done $0x0  }
0x18e: {  	s12 =	rddreg [dreg:$0x11];
	[sflag:s24] =	ssyncadd.s32 $0xFFFFD800  }
0x18f: {  	[spmem:s2] =	stream.indirect.scatter.add.f32 [tilespmem:s20], [sflag:$0x7], $0x80, s12, s18, $0xb8;
	[tilespmem:$0x1FC00] =	vst v63  }
0x190: {  	_ =	swait.ge [sflag:s25], $0x2800  }
0x191: {  	[sflag:s25] =	ssyncset.done $0x0  }
0x192: {  	s12 =	rddreg [dreg:$0x12];
	[sflag:s25] =	ssyncadd.s32 $0xFFFFD800  }
0x193: {  	[spmem:s2] =	stream.indirect.scatter.add.f32 [tilespmem:s21], [sflag:$0x8], $0x80, s12, s18, $0xb8;
	[tilespmem:$0x1FC00] =	vst v63  }
0x194: {  	_ =	swait.ge [sflag:s26], $0x2800  }
0x195: {  	[sflag:s26] =	ssyncset.done $0x0  }
0x196: {  	s12 =	rddreg [dreg:$0x13];
	[sflag:s26] =	ssyncadd.s32 $0xFFFFD800  }
0x197: {  	[tilespmem:s15], [sflag:$0x1] =	stream.indirect.gather [hbm4b:s4+s18], $0x80, s12, s18, $0xb8;
	[tilespmem:$0x1FC00] =	vst v63  }
0x198: {  	_ =	swait.ge [sflag:s28], $0x2800  }
0x199: {  	[sflag:s28] =	ssyncset.done $0x0  }
0x19a: {  	s12 =	rddreg [dreg:$0x14];
	[sflag:s28] =	ssyncadd.s32 $0xFFFFD800  }
0x19b: {  	[tilespmem:s19], [sflag:$0x2] =	stream.indirect.gather [hbm4b:s4+s18], $0x80, s12, s18, $0xb8;
	[tilespmem:$0x1FC00] =	vst v63  }
0x19c: {  	_ =	swait.ge [sflag:s29], $0x2800  }
0x19d: {  	[sflag:s29] =	ssyncset.done $0x0  }
0x19e: {  	s12 =	rddreg [dreg:$0x15];
	[sflag:s29] =	ssyncadd.s32 $0xFFFFD800  }
0x19f: {  	[tilespmem:s20], [sflag:$0x3] =	stream.indirect.gather [hbm4b:s4+s18], $0x80, s12, s18, $0xb8;
	[tilespmem:$0x1FC00] =	vst v63  }
0x1a0: {  	_ =	swait.ge [sflag:s30], $0x2800  }
0x1a1: {  	[sflag:s30] =	ssyncset.done $0x0  }
0x1a2: {  	s12 =	rddreg [dreg:$0x16];
	[sflag:s30] =	ssyncadd.s32 $0xFFFFD800  }
0x1a3: {  	[tilespmem:s21], [sflag:$0x4] =	stream.indirect.gather [hbm4b:s4+s18], $0x80, s12, s18, $0xb8;
	[tilespmem:$0x1FC00] =	vst v63  }
0x1a4: {  	_ =	swait.ge [sflag:s22], $0x2800  }
0x1a5: {  	[sflag:s22] =	ssyncset.done $0x0  }
0x1a6: {  	s12 =	rddreg [dreg:$0x17];
	[sflag:s22] =	ssyncadd.s32 $0xFFFFD800  }
0x1a7: {  	[spmem:s2] =	stream.indirect.scatter.add.f32 [tilespmem:s15], [sflag:$0x5], $0x80, s12, s18, $0xb8;
	[tilespmem:$0x1FC00] =	vst v63  }
0x1a8: {  	_ =	swait.ge [sflag:s23], $0x2800  }
0x1a9: {  	[sflag:s23] =	ssyncset.done $0x0  }
0x1aa: {  	s12 =	rddreg [dreg:$0x18];
	[sflag:s23] =	ssyncadd.s32 $0xFFFFD800  }
0x1ab: {  	[spmem:s2] =	stream.indirect.scatter.add.f32 [tilespmem:s19], [sflag:$0x6], $0x80, s12, s18, $0xb8;
	[tilespmem:$0x1FC00] =	vst v63  }
0x1ac: {  	_ =	swait.ge [sflag:s24], $0x2800  }
0x1ad: {  	[sflag:s24] =	ssyncset.done $0x0  }
0x1ae: {  	s12 =	rddreg [dreg:$0x19];
	[sflag:s24] =	ssyncadd.s32 $0xFFFFD800  }
0x1af: {  	[spmem:s2] =	stream.indirect.scatter.add.f32 [tilespmem:s20], [sflag:$0x7], $0x80, s12, s18, $0xb8;
	[tilespmem:$0x1FC00] =	vst v63  }
0x1b0: {  	_ =	swait.ge [sflag:s25], $0x2800  }
0x1b1: {  	[sflag:s25] =	ssyncset.done $0x0  }
0x1b2: {  	s12 =	rddreg [dreg:$0x1a];
	[sflag:s25] =	ssyncadd.s32 $0xFFFFD800  }
0x1b3: {  	[spmem:s2] =	stream.indirect.scatter.add.f32 [tilespmem:s21], [sflag:$0x8], $0x80, s12, s18, $0xb8;
	[tilespmem:$0x1FC00] =	vst v63  }
0x1b4: {  	_ =	swait.ge [sflag:s26], $0x2800  }
0x1b5: {  	[sflag:s26] =	ssyncset.done $0x0  }
0x1b6: {  	s12 =	rddreg [dreg:$0x1b];
	[sflag:s26] =	ssyncadd.s32 $0xFFFFD800  }
0x1b7: {  	[tilespmem:s15], [sflag:$0x1] =	stream.indirect.gather [hbm4b:s4+s18], $0x80, s12, s18, $0xb8;
	[tilespmem:$0x1FC00] =	vst v63  }
0x1b8: {  	_ =	swait.ge [sflag:s28], $0x2800  }
0x1b9: {  	[sflag:s28] =	ssyncset.done $0x0  }
0x1ba: {  	s12 =	rddreg [dreg:$0x1c];
	[sflag:s28] =	ssyncadd.s32 $0xFFFFD800  }
0x1bb: {  	[tilespmem:s19], [sflag:$0x2] =	stream.indirect.gather [hbm4b:s4+s18], $0x80, s12, s18, $0xb8;
	[tilespmem:$0x1FC00] =	vst v63  }
0x1bc: {  	_ =	swait.ge [sflag:s29], $0x2800  }
0x1bd: {  	[sflag:s29] =	ssyncset.done $0x0  }
0x1be: {  	s12 =	rddreg [dreg:$0x1d];
	[sflag:s29] =	ssyncadd.s32 $0xFFFFD800  }
0x1bf: {  	[tilespmem:s20], [sflag:$0x3] =	stream.indirect.gather [hbm4b:s4+s18], $0x80, s12, s18, $0xb8;
	[tilespmem:$0x1FC00] =	vst v63  }
0x1c0: {  	_ =	swait.ge [sflag:s30], $0x2800  }
0x1c1: {  	[sflag:s30] =	ssyncset.done $0x0  }
0x1c2: {  	s12 =	rddreg [dreg:$0x1e];
	[sflag:s30] =	ssyncadd.s32 $0xFFFFD800  }
0x1c3: {  	[tilespmem:s21], [sflag:$0x4] =	stream.indirect.gather [hbm4b:s4+s18], $0x80, s12, s18, $0xb8;
	[tilespmem:$0x1FC00] =	vst v63  }
0x1c4: {  	_ =	swait.ge [sflag:s22], $0x2800  }
0x1c5: {  	[sflag:s22] =	ssyncset.done $0x0  }
0x1c6: {  	s12 =	rddreg [dreg:$0x1f];
	[sflag:s22] =	ssyncadd.s32 $0xFFFFD800  }
0x1c7: {  	[spmem:s2] =	stream.indirect.scatter.add.f32 [tilespmem:s15], [sflag:$0x5], $0x80, s12, s18, $0xb8;
	[tilespmem:$0x1FC00] =	vst v63  }
0x1c8: {  	_ =	swait.ge [sflag:s23], $0x2800  }
0x1c9: {  	s12 =	sld [smem:$0x7F0]  }
0x1ca: {  	[sflag:s23] =	ssyncset.done $0x0  }
0x1cb: {  	[sflag:s23] =	ssyncadd.s32 $0xFFFFD800  }
0x1cc: {  	[spmem:s2] =	stream.indirect.scatter.add.f32 [tilespmem:s19], [sflag:$0x6], $0x80, s12, s18, $0xb8;
	[tilespmem:$0x1FC00] =	vst v63  }
0x1cd: {  	_ =	swait.ge [sflag:s24], $0x2800  }
0x1ce: {  	s12 =	sld [smem:$0x7F2]  }
0x1cf: {  	[sflag:s24] =	ssyncset.done $0x0  }
0x1d0: {  	[sflag:s24] =	ssyncadd.s32 $0xFFFFD800  }
0x1d1: {  	[spmem:s2] =	stream.indirect.scatter.add.f32 [tilespmem:s20], [sflag:$0x7], $0x80, s12, s18, $0xb8;
	[tilespmem:$0x1FC00] =	vst v63  }
0x1d2: {  	_ =	swait.ge [sflag:s25], $0x2800  }
0x1d3: {  	s12 =	sld [smem:$0x7F4]  }
0x1d4: {  	[sflag:s25] =	ssyncset.done $0x0  }
0x1d5: {  	[sflag:s25] =	ssyncadd.s32 $0xFFFFD800  }
0x1d6: {  	[spmem:s2] =	stream.indirect.scatter.add.f32 [tilespmem:s21], [sflag:$0x8], $0x80, s12, s18, $0xb8;
	[tilespmem:$0x1FC00] =	vst v63  }
0x1d7: {  	_ =	swait.ge [sflag:s26], $0x2800  }
0x1d8: {  	s12 =	sld [smem:$0x7F5]  }
0x1d9: {  	[sflag:s26] =	ssyncset.done $0x0  }
0x1da: {  	[sflag:s26] =	ssyncadd.s32 $0xFFFFD800  }
0x1db: {  	[tilespmem:s15], [sflag:$0x1] =	stream.indirect.gather [hbm4b:s4+s18], $0x80, s12, s18, $0xb8;
	[tilespmem:$0x1FC00] =	vst v63  }
0x1dc: {  	_ =	swait.ge [sflag:s28], $0x2800  }
0x1dd: {  	s12 =	sld [smem:$0x7F6]  }
0x1de: {  	[sflag:s28] =	ssyncset.done $0x0  }
0x1df: {  	[sflag:s28] =	ssyncadd.s32 $0xFFFFD800  }
0x1e0: {  	[tilespmem:s19], [sflag:$0x2] =	stream.indirect.gather [hbm4b:s4+s18], $0x80, s12, s18, $0xb8;
	[tilespmem:$0x1FC00] =	vst v63  }
0x1e1: {  	_ =	swait.ge [sflag:s29], $0x2800  }
0x1e2: {  	s12 =	sld [smem:$0x7F7]  }
0x1e3: {  	[sflag:s29] =	ssyncset.done $0x0  }
0x1e4: {  	[sflag:s29] =	ssyncadd.s32 $0xFFFFD800  }
0x1e5: {  	[tilespmem:s20], [sflag:$0x3] =	stream.indirect.gather [hbm4b:s4+s18], $0x80, s12, s18, $0xb8;
	[tilespmem:$0x1FC00] =	vst v63  }
0x1e6: {  	_ =	swait.ge [sflag:s30], $0x2800  }
0x1e7: {  	s12 =	sld [smem:$0x7F8]  }
0x1e8: {  	[sflag:s30] =	ssyncset.done $0x0  }
0x1e9: {  	[sflag:s30] =	ssyncadd.s32 $0xFFFFD800  }
0x1ea: {  	[tilespmem:s21], [sflag:$0x4] =	stream.indirect.gather [hbm4b:s4+s18], $0x80, s12, s18, $0xb8;
	[tilespmem:$0x1FC00] =	vst v63  }
0x1eb: {  	_ =	swait.ge [sflag:s22], $0x2800  }
0x1ec: {  	s12 =	sld [smem:$0x7F9]  }
0x1ed: {  	[sflag:s22] =	ssyncset.done $0x0  }
0x1ee: {  	[sflag:s22] =	ssyncadd.s32 $0xFFFFD800  }
0x1ef: {  	[spmem:s2] =	stream.indirect.scatter.add.f32 [tilespmem:s15], [sflag:$0x5], $0x80, s12, s18, $0xb8;
	[tilespmem:$0x1FC00] =	vst v63  }
0x1f0: {  	_ =	swait.ge [sflag:s23], $0x2800  }
0x1f1: {  	s12 =	sld [smem:$0x7FA]  }
0x1f2: {  	[sflag:s23] =	ssyncset.done $0x0  }
0x1f3: {  	[sflag:s23] =	ssyncadd.s32 $0xFFFFD800  }
0x1f4: {  	[spmem:s2] =	stream.indirect.scatter.add.f32 [tilespmem:s19], [sflag:$0x6], $0x80, s12, s18, $0xb8;
	[tilespmem:$0x1FC00] =	vst v63  }
0x1f5: {  	_ =	swait.ge [sflag:s24], $0x2800  }
0x1f6: {  	s12 =	sld [smem:$0x7FB]  }
0x1f7: {  	[sflag:s24] =	ssyncset.done $0x0  }
0x1f8: {  	[sflag:s24] =	ssyncadd.s32 $0xFFFFD800  }
0x1f9: {  	[spmem:s2] =	stream.indirect.scatter.add.f32 [tilespmem:s20], [sflag:$0x7], $0x80, s12, s18, $0xb8;
	[tilespmem:$0x1FC00] =	vst v63  }
0x1fa: {  	_ =	swait.ge [sflag:s25], $0x2800  }
0x1fb: {  	s12 =	sld [smem:$0x7FC]  }
0x1fc: {  	[sflag:s25] =	ssyncset.done $0x0  }
0x1fd: {  	[sflag:s25] =	ssyncadd.s32 $0xFFFFD800  }
0x1fe: {  	[spmem:s2] =	stream.indirect.scatter.add.f32 [tilespmem:s21], [sflag:$0x8], $0x80, s12, s18, $0xb8;
	[tilespmem:$0x1FC00] =	vst v63  }
0x1ff: {  	_ =	swait.ge [sflag:s26], $0x2800  }
0x200: {  	s12 =	sld [smem:$0x7FD]  }
0x201: {  	[sflag:s26] =	ssyncset.done $0x0  }
0x202: {  	[sflag:s26] =	ssyncadd.s32 $0xFFFFD800  }
0x203: {  	[tilespmem:s15], [sflag:$0x1] =	stream.indirect.gather [hbm4b:s4+s18], $0x80, s12, s18, $0xb8;
	[tilespmem:$0x1FC00] =	vst v63  }
0x204: {  	_ =	swait.ge [sflag:s28], $0x2800  }
0x205: {  	[sflag:s28] =	ssyncset.done $0x0  }
0x206: {  	[sflag:s28] =	ssyncadd.s32 $0xFFFFD800  }
0x207: {  	[tilespmem:s19], [sflag:$0x2] =	stream.indirect.gather [hbm4b:s4+s18], $0x80, s31, s18, $0xb8;
	[tilespmem:$0x1FC00] =	vst v63  }
0x208: {  	_ =	swait.ge [sflag:s29], $0x2800  }
0x209: {  	[sflag:s29] =	ssyncset.done $0x0  }
0x20a: {  	[sflag:s29] =	ssyncadd.s32 $0xFFFFD800  }
0x20b: {  	[tilespmem:s20], [sflag:$0x3] =	stream.indirect.gather [hbm4b:s4+s18], $0x80, s1, s18, $0xb8;
	[tilespmem:$0x1FC00] =	vst v63  }
0x20c: {  	_ =	swait.ge [sflag:s30], $0x2800  }
0x20d: {  	[sflag:s30] =	ssyncset.done $0x0  }
0x20e: {  	[sflag:s30] =	ssyncadd.s32 $0xFFFFD800  }
0x20f: {  	[tilespmem:s21], [sflag:$0x4] =	stream.indirect.gather [hbm4b:s4+s18], $0x80, s0, s18, $0xb8;
	[tilespmem:$0x1FC00] =	vst v63  }
0x210: {  	_ =	swait.ge [sflag:s22], $0x2800  }
0x211: {  	[sflag:s22] =	ssyncset.done $0x0  }
0x212: {  	[sflag:s22] =	ssyncadd.s32 $0xFFFFD800  }
0x213: {  	[spmem:s2] =	stream.indirect.scatter.add.f32 [tilespmem:s15], [sflag:$0x5], $0x80, s6, s18, $0xb8;
	[tilespmem:$0x1FC00] =	vst v63  }
0x214: {  	_ =	swait.ge [sflag:s23], $0x2800  }
0x215: {  	[sflag:s23] =	ssyncset.done $0x0  }
0x216: {  	[sflag:s23] =	ssyncadd.s32 $0xFFFFD800  }
0x217: {  	[spmem:s2] =	stream.indirect.scatter.add.f32 [tilespmem:s19], [sflag:$0x6], $0x80, s7, s18, $0xb8;
	[tilespmem:$0x1FC00] =	vst v63  }
0x218: {  	_ =	swait.ge [sflag:s24], $0x2800  }
0x219: {  	[sflag:s24] =	ssyncset.done $0x0  }
0x21a: {  	[sflag:s24] =	ssyncadd.s32 $0xFFFFD800  }
0x21b: {  	[spmem:s2] =	stream.indirect.scatter.add.f32 [tilespmem:s20], [sflag:$0x7], $0x80, s8, s18, $0xb8;
	[tilespmem:$0x1FC00] =	vst v63  }
0x21c: {  	_ =	swait.ge [sflag:s25], $0x2800  }
0x21d: {  	[sflag:s25] =	ssyncset.done $0x0  }
0x21e: {  	[sflag:s25] =	ssyncadd.s32 $0xFFFFD800  }
0x21f: {  	[spmem:s2] =	stream.indirect.scatter.add.f32 [tilespmem:s21], [sflag:$0x8], $0x80, s9, s18, $0xb8;
	[tilespmem:$0x1FC00] =	vst v63  }
0x220: {  	_ =	swait.ge [sflag:s26], $0x2800  }
0x221: {  	[sflag:s26] =	ssyncset.done $0x0  }
0x222: {  	[sflag:s26] =	ssyncadd.s32 $0xFFFFD800  }
0x223: {  	[tilespmem:s15], [sflag:$0x1] =	stream.indirect.gather [hbm4b:s4+s18], $0x80, s10, s18, $0xb8;
	[tilespmem:$0x1FC00] =	vst v63  }
0x224: {  	_ =	swait.ge [sflag:s28], $0x2800  }
0x225: {  	[sflag:s28] =	ssyncset.done $0x0  }
0x226: {  	[sflag:s28] =	ssyncadd.s32 $0xFFFFD800  }
0x227: {  	_ =	swait.ge [sflag:s29], $0x2800  }
0x228: {  	[sflag:s29] =	ssyncset.done $0x0  }
0x229: {  	[sflag:s29] =	ssyncadd.s32 $0xFFFFD800  }
0x22a: {  	_ =	swait.ge [sflag:s30], $0x2800  }
0x22b: {  	[sflag:s30] =	ssyncset.done $0x0  }
0x22c: {  	[sflag:s30] =	ssyncadd.s32 $0xFFFFD800  }
0x22d: {  	p0 =	sne.s32 s14, $0x800;
	_ =	swait.ge [sflag:s22], $0x2800  }
.Ltmp1:
0x22e: {  	[sflag:s22] =	ssyncset.done $0x0;
	(pc) =	sbr.rel @p0 .LBB2_4-.Ltmp1, $4  }
0x22f: {  	[sflag:s22] =	ssyncadd.s32 $0xFFFFD800  }
0x230: {  	[spmem:s2] =	stream.indirect.scatter.add.f32 [tilespmem:s15], [sflag:$0x5], $0x80, s11, s18, $0xb8;
	[tilespmem:$0x1FC00] =	vst v63  }
0x231: {  	_ =	swait.ge [sflag:s26], $0x2800  }
0x232: {  	s14 =	sadd.s32 $0x200, s14;
	s5 =	rddreg [dreg:$0x4];
	[sflag:s26] =	ssyncset.done $0x0  }
0x233: {  	[sflag:s26] =	ssyncadd.s32 $0xFFFFD800;
	s5 =	sadd.s32 s13, s5  }
0x234: {  	[tilespmem:s3], [sflag:$0x9] =	stream.linear.gather [hbm4b:s5+s3], $0xC80, $0x38;
	[tilespmem:$0x1FC00] =	vst v63  }
0x235: {  	_ =	swait.ge [sflag:s16], $0xC80  }
0x236: {  	s12 =	rddreg [dreg:$0x3];
	[sflag:s16] =	ssyncset.done $0x0  }
0x237: {  	[sflag:s16] =	ssyncadd.s32 $0xFFFFF380;
	s5 =	sadd.s32 s13, s12  }
0x238: {  	[tilespmem:s17], [sflag:$0x9] =	stream.linear.gather [hbm4b:s5+s3], $0xC80, $0x38;
	[tilespmem:$0x1FC00] =	vst v63  }
0x239: {  	_ =	swait.ge [sflag:s16], $0xC80  }
0x23a: {  	[sflag:s16] =	ssyncset.done $0x0  }
0x23b: {  	[sflag:s16] =	ssyncadd.s32 $0xFFFFF380  }
0x23c: {  	[tilespmem:s15], [sflag:$0x1] =	stream.indirect.gather [hbm4b:s4+s18], $0x80, s3, s18, $0xb8;
	[tilespmem:$0x1FC00] =	vst v63  }
0x23d: {  	s13 =	rddreg [dreg:$0x5]  }
0x23e: {  	[tilespmem:s19], [sflag:$0x2] =	stream.indirect.gather [hbm4b:s4+s18], $0x80, s13, s18, $0xb8;
	[tilespmem:$0x1FC00] =	vst v63  }
0x23f: {  	s12 =	rddreg [dreg:$0x6]  }
0x240: {  	[tilespmem:s20], [sflag:$0x3] =	stream.indirect.gather [hbm4b:s4+s18], $0x80, s12, s18, $0xb8;
	[tilespmem:$0x1FC00] =	vst v63  }
0x241: {  	s14 =	rddreg [dreg:$0x7]  }
0x242: {  	[tilespmem:s21], [sflag:$0x4] =	stream.indirect.gather [hbm4b:s4+s18], $0x80, s14, s18, $0xb8;
	[tilespmem:$0x1FC00] =	vst v63  }
0x243: {  	_ =	swait.ge [sflag:s22], $0x2800  }
0x244: {  	[sflag:s22] =	ssyncset.done $0x0  }
0x245: {  	[sflag:s22] =	ssyncadd.s32 $0xFFFFD800  }
0x246: {  	[spmem:s2] =	stream.indirect.scatter.add.f32 [tilespmem:s15], [sflag:$0x5], $0x80, s17, s18, $0xb8;
	[tilespmem:$0x1FC00] =	vst v63  }
0x247: {  	_ =	swait.ge [sflag:s23], $0x2800  }
0x248: {  	[sflag:s23] =	ssyncset.done $0x0  }
0x249: {  	s12 =	rddreg [dreg:$0x8];
	[sflag:s23] =	ssyncadd.s32 $0xFFFFD800  }
0x24a: {  	[spmem:s2] =	stream.indirect.scatter.add.f32 [tilespmem:s19], [sflag:$0x6], $0x80, s12, s18, $0xb8;
	[tilespmem:$0x1FC00] =	vst v63  }
0x24b: {  	_ =	swait.ge [sflag:s24], $0x2800  }
0x24c: {  	[sflag:s24] =	ssyncset.done $0x0  }
0x24d: {  	s13 =	rddreg [dreg:$0x9];
	[sflag:s24] =	ssyncadd.s32 $0xFFFFD800  }
0x24e: {  	[spmem:s2] =	stream.indirect.scatter.add.f32 [tilespmem:s20], [sflag:$0x7], $0x80, s13, s18, $0xb8;
	[tilespmem:$0x1FC00] =	vst v63  }
0x24f: {  	_ =	swait.ge [sflag:s25], $0x2800  }
0x250: {  	[sflag:s25] =	ssyncset.done $0x0  }
0x251: {  	s14 =	rddreg [dreg:$0xa];
	[sflag:s25] =	ssyncadd.s32 $0xFFFFD800  }
0x252: {  	[spmem:s2] =	stream.indirect.scatter.add.f32 [tilespmem:s21], [sflag:$0x8], $0x80, s14, s18, $0xb8;
	[tilespmem:$0x1FC00] =	vst v63  }
0x253: {  	_ =	swait.ge [sflag:s26], $0x2800  }
0x254: {  	[sflag:s26] =	ssyncset.done $0x0  }
0x255: {  	s12 =	rddreg [dreg:$0xb];
	[sflag:s26] =	ssyncadd.s32 $0xFFFFD800  }
0x256: {  	[tilespmem:s15], [sflag:$0x1] =	stream.indirect.gather [hbm4b:s4+s18], $0x80, s12, s18, $0xb8;
	[tilespmem:$0x1FC00] =	vst v63  }
0x257: {  	_ =	swait.ge [sflag:s28], $0x2800  }
0x258: {  	[sflag:s28] =	ssyncset.done $0x0  }
0x259: {  	s13 =	rddreg [dreg:$0xc];
	[sflag:s28] =	ssyncadd.s32 $0xFFFFD800  }
0x25a: {  	[tilespmem:s19], [sflag:$0x2] =	stream.indirect.gather [hbm4b:s4+s18], $0x80, s13, s18, $0xb8;
	[tilespmem:$0x1FC00] =	vst v63  }
0x25b: {  	_ =	swait.ge [sflag:s29], $0x2800  }
0x25c: {  	[sflag:s29] =	ssyncset.done $0x0  }
0x25d: {  	s14 =	rddreg [dreg:$0xd];
	[sflag:s29] =	ssyncadd.s32 $0xFFFFD800  }
0x25e: {  	[tilespmem:s20], [sflag:$0x3] =	stream.indirect.gather [hbm4b:s4+s18], $0x80, s14, s18, $0xb8;
	[tilespmem:$0x1FC00] =	vst v63  }
0x25f: {  	_ =	swait.ge [sflag:s30], $0x2800  }
0x260: {  	[sflag:s30] =	ssyncset.done $0x0  }
0x261: {  	s12 =	rddreg [dreg:$0xe];
	[sflag:s30] =	ssyncadd.s32 $0xFFFFD800  }
0x262: {  	[tilespmem:s21], [sflag:$0x4] =	stream.indirect.gather [hbm4b:s4+s18], $0x80, s12, s18, $0xb8;
	[tilespmem:$0x1FC00] =	vst v63  }
0x263: {  	_ =	swait.ge [sflag:s22], $0x2800  }
0x264: {  	[sflag:s22] =	ssyncset.done $0x0  }
0x265: {  	s13 =	rddreg [dreg:$0xf];
	[sflag:s22] =	ssyncadd.s32 $0xFFFFD800  }
0x266: {  	[spmem:s2] =	stream.indirect.scatter.add.f32 [tilespmem:s15], [sflag:$0x5], $0x80, s13, s18, $0xb8;
	[tilespmem:$0x1FC00] =	vst v63  }
0x267: {  	_ =	swait.ge [sflag:s23], $0x2800  }
0x268: {  	[sflag:s23] =	ssyncset.done $0x0  }
0x269: {  	s14 =	rddreg [dreg:$0x10];
	[sflag:s23] =	ssyncadd.s32 $0xFFFFD800  }
0x26a: {  	[spmem:s2] =	stream.indirect.scatter.add.f32 [tilespmem:s19], [sflag:$0x6], $0x80, s14, s18, $0xb8;
	[tilespmem:$0x1FC00] =	vst v63  }
0x26b: {  	_ =	swait.ge [sflag:s24], $0x2800  }
0x26c: {  	[sflag:s24] =	ssyncset.done $0x0  }
0x26d: {  	s12 =	rddreg [dreg:$0x11];
	[sflag:s24] =	ssyncadd.s32 $0xFFFFD800  }
0x26e: {  	[spmem:s2] =	stream.indirect.scatter.add.f32 [tilespmem:s20], [sflag:$0x7], $0x80, s12, s18, $0xb8;
	[tilespmem:$0x1FC00] =	vst v63  }
0x26f: {  	_ =	swait.ge [sflag:s25], $0x2800  }
0x270: {  	[sflag:s25] =	ssyncset.done $0x0  }
0x271: {  	s13 =	rddreg [dreg:$0x12];
	[sflag:s25] =	ssyncadd.s32 $0xFFFFD800  }
0x272: {  	[spmem:s2] =	stream.indirect.scatter.add.f32 [tilespmem:s21], [sflag:$0x8], $0x80, s13, s18, $0xb8;
	[tilespmem:$0x1FC00] =	vst v63  }
0x273: {  	_ =	swait.ge [sflag:s26], $0x2800  }
0x274: {  	[sflag:s26] =	ssyncset.done $0x0  }
0x275: {  	s14 =	rddreg [dreg:$0x13];
	[sflag:s26] =	ssyncadd.s32 $0xFFFFD800  }
0x276: {  	[tilespmem:s15], [sflag:$0x1] =	stream.indirect.gather [hbm4b:s4+s18], $0x80, s14, s18, $0xb8;
	[tilespmem:$0x1FC00] =	vst v63  }
0x277: {  	_ =	swait.ge [sflag:s28], $0x2800  }
0x278: {  	[sflag:s28] =	ssyncset.done $0x0  }
0x279: {  	s12 =	rddreg [dreg:$0x14];
	[sflag:s28] =	ssyncadd.s32 $0xFFFFD800  }
0x27a: {  	[tilespmem:s19], [sflag:$0x2] =	stream.indirect.gather [hbm4b:s4+s18], $0x80, s12, s18, $0xb8;
	[tilespmem:$0x1FC00] =	vst v63  }
0x27b: {  	_ =	swait.ge [sflag:s29], $0x2800  }
0x27c: {  	[sflag:s29] =	ssyncset.done $0x0  }
0x27d: {  	s13 =	rddreg [dreg:$0x15];
	[sflag:s29] =	ssyncadd.s32 $0xFFFFD800  }
0x27e: {  	[tilespmem:s20], [sflag:$0x3] =	stream.indirect.gather [hbm4b:s4+s18], $0x80, s13, s18, $0xb8;
	[tilespmem:$0x1FC00] =	vst v63  }
0x27f: {  	_ =	swait.ge [sflag:s30], $0x2800  }
0x280: {  	[sflag:s30] =	ssyncset.done $0x0  }
0x281: {  	s14 =	rddreg [dreg:$0x16];
	[sflag:s30] =	ssyncadd.s32 $0xFFFFD800  }
0x282: {  	[tilespmem:s21], [sflag:$0x4] =	stream.indirect.gather [hbm4b:s4+s18], $0x80, s14, s18, $0xb8;
	[tilespmem:$0x1FC00] =	vst v63  }
0x283: {  	_ =	swait.ge [sflag:s22], $0x2800  }
0x284: {  	[sflag:s22] =	ssyncset.done $0x0  }
0x285: {  	s12 =	rddreg [dreg:$0x17];
	[sflag:s22] =	ssyncadd.s32 $0xFFFFD800  }
0x286: {  	[spmem:s2] =	stream.indirect.scatter.add.f32 [tilespmem:s15], [sflag:$0x5], $0x80, s12, s18, $0xb8;
	[tilespmem:$0x1FC00] =	vst v63  }
0x287: {  	_ =	swait.ge [sflag:s23], $0x2800  }
0x288: {  	[sflag:s23] =	ssyncset.done $0x0  }
0x289: {  	s13 =	rddreg [dreg:$0x18];
	[sflag:s23] =	ssyncadd.s32 $0xFFFFD800  }
0x28a: {  	[spmem:s2] =	stream.indirect.scatter.add.f32 [tilespmem:s19], [sflag:$0x6], $0x80, s13, s18, $0xb8;
	[tilespmem:$0x1FC00] =	vst v63  }
0x28b: {  	_ =	swait.ge [sflag:s24], $0x2800  }
0x28c: {  	[sflag:s24] =	ssyncset.done $0x0  }
0x28d: {  	s14 =	rddreg [dreg:$0x19];
	[sflag:s24] =	ssyncadd.s32 $0xFFFFD800  }
0x28e: {  	[spmem:s2] =	stream.indirect.scatter.add.f32 [tilespmem:s20], [sflag:$0x7], $0x80, s14, s18, $0xb8;
	[tilespmem:$0x1FC00] =	vst v63  }
0x28f: {  	_ =	swait.ge [sflag:s25], $0x2800  }
0x290: {  	[sflag:s25] =	ssyncset.done $0x0  }
0x291: {  	s12 =	rddreg [dreg:$0x1a];
	[sflag:s25] =	ssyncadd.s32 $0xFFFFD800  }
0x292: {  	[spmem:s2] =	stream.indirect.scatter.add.f32 [tilespmem:s21], [sflag:$0x8], $0x80, s12, s18, $0xb8;
	[tilespmem:$0x1FC00] =	vst v63  }
0x293: {  	_ =	swait.ge [sflag:s26], $0x2800  }
0x294: {  	[sflag:s26] =	ssyncset.done $0x0  }
0x295: {  	s13 =	rddreg [dreg:$0x1b];
	[sflag:s26] =	ssyncadd.s32 $0xFFFFD800  }
0x296: {  	[tilespmem:s15], [sflag:$0x1] =	stream.indirect.gather [hbm4b:s4+s18], $0x80, s13, s18, $0xb8;
	[tilespmem:$0x1FC00] =	vst v63  }
0x297: {  	_ =	swait.ge [sflag:s28], $0x2800  }
0x298: {  	[sflag:s28] =	ssyncset.done $0x0  }
0x299: {  	s14 =	rddreg [dreg:$0x1c];
	[sflag:s28] =	ssyncadd.s32 $0xFFFFD800  }
0x29a: {  	[tilespmem:s19], [sflag:$0x2] =	stream.indirect.gather [hbm4b:s4+s18], $0x80, s14, s18, $0xb8;
	[tilespmem:$0x1FC00] =	vst v63  }
0x29b: {  	_ =	swait.ge [sflag:s29], $0x2800  }
0x29c: {  	[sflag:s29] =	ssyncset.done $0x0  }
0x29d: {  	s12 =	rddreg [dreg:$0x1d];
	[sflag:s29] =	ssyncadd.s32 $0xFFFFD800  }
0x29e: {  	[tilespmem:s20], [sflag:$0x3] =	stream.indirect.gather [hbm4b:s4+s18], $0x80, s12, s18, $0xb8;
	[tilespmem:$0x1FC00] =	vst v63  }
0x29f: {  	_ =	swait.ge [sflag:s30], $0x2800  }
0x2a0: {  	[sflag:s30] =	ssyncset.done $0x0  }
0x2a1: {  	s13 =	rddreg [dreg:$0x1e];
	[sflag:s30] =	ssyncadd.s32 $0xFFFFD800  }
0x2a2: {  	[tilespmem:s21], [sflag:$0x4] =	stream.indirect.gather [hbm4b:s4+s18], $0x80, s13, s18, $0xb8;
	[tilespmem:$0x1FC00] =	vst v63  }
0x2a3: {  	_ =	swait.ge [sflag:s22], $0x2800  }
0x2a4: {  	[sflag:s22] =	ssyncset.done $0x0  }
0x2a5: {  	s14 =	rddreg [dreg:$0x1f];
	[sflag:s22] =	ssyncadd.s32 $0xFFFFD800  }
0x2a6: {  	[spmem:s2] =	stream.indirect.scatter.add.f32 [tilespmem:s15], [sflag:$0x5], $0x80, s14, s18, $0xb8;
	[tilespmem:$0x1FC00] =	vst v63  }
0x2a7: {  	_ =	swait.ge [sflag:s23], $0x2800  }
0x2a8: {  	s12 =	sld [smem:$0x7F0]  }
0x2a9: {  	[sflag:s23] =	ssyncset.done $0x0  }
0x2aa: {  	[sflag:s23] =	ssyncadd.s32 $0xFFFFD800  }
0x2ab: {  	[spmem:s2] =	stream.indirect.scatter.add.f32 [tilespmem:s19], [sflag:$0x6], $0x80, s12, s18, $0xb8;
	[tilespmem:$0x1FC00] =	vst v63  }
0x2ac: {  	_ =	swait.ge [sflag:s24], $0x2800  }
0x2ad: {  	s13 =	sld [smem:$0x7F2]  }
0x2ae: {  	[sflag:s24] =	ssyncset.done $0x0  }
0x2af: {  	[sflag:s24] =	ssyncadd.s32 $0xFFFFD800  }
0x2b0: {  	[spmem:s2] =	stream.indirect.scatter.add.f32 [tilespmem:s20], [sflag:$0x7], $0x80, s13, s18, $0xb8;
	[tilespmem:$0x1FC00] =	vst v63  }
0x2b1: {  	_ =	swait.ge [sflag:s25], $0x2800  }
0x2b2: {  	s14 =	sld [smem:$0x7F4]  }
0x2b3: {  	[sflag:s25] =	ssyncset.done $0x0  }
0x2b4: {  	[sflag:s25] =	ssyncadd.s32 $0xFFFFD800  }
0x2b5: {  	[spmem:s2] =	stream.indirect.scatter.add.f32 [tilespmem:s21], [sflag:$0x8], $0x80, s14, s18, $0xb8;
	[tilespmem:$0x1FC00] =	vst v63  }
0x2b6: {  	_ =	swait.ge [sflag:s26], $0x2800  }
0x2b7: {  	s12 =	sld [smem:$0x7F5]  }
0x2b8: {  	[sflag:s26] =	ssyncset.done $0x0  }
0x2b9: {  	[sflag:s26] =	ssyncadd.s32 $0xFFFFD800  }
0x2ba: {  	[tilespmem:s15], [sflag:$0x1] =	stream.indirect.gather [hbm4b:s4+s18], $0x80, s12, s18, $0xb8;
	[tilespmem:$0x1FC00] =	vst v63  }
0x2bb: {  	_ =	swait.ge [sflag:s28], $0x2800  }
0x2bc: {  	s13 =	sld [smem:$0x7F6]  }
0x2bd: {  	[sflag:s28] =	ssyncset.done $0x0  }
0x2be: {  	[sflag:s28] =	ssyncadd.s32 $0xFFFFD800  }
0x2bf: {  	[tilespmem:s19], [sflag:$0x2] =	stream.indirect.gather [hbm4b:s4+s18], $0x80, s13, s18, $0xb8;
	[tilespmem:$0x1FC00] =	vst v63  }
0x2c0: {  	_ =	swait.ge [sflag:s29], $0x2800  }
0x2c1: {  	s14 =	sld [smem:$0x7F7]  }
0x2c2: {  	[sflag:s29] =	ssyncset.done $0x0  }
0x2c3: {  	[sflag:s29] =	ssyncadd.s32 $0xFFFFD800  }
0x2c4: {  	[tilespmem:s20], [sflag:$0x3] =	stream.indirect.gather [hbm4b:s4+s18], $0x80, s14, s18, $0xb8;
	[tilespmem:$0x1FC00] =	vst v63  }
0x2c5: {  	_ =	swait.ge [sflag:s30], $0x2800  }
0x2c6: {  	s12 =	sld [smem:$0x7F8]  }
0x2c7: {  	[sflag:s30] =	ssyncset.done $0x0  }
0x2c8: {  	[sflag:s30] =	ssyncadd.s32 $0xFFFFD800  }
0x2c9: {  	[tilespmem:s21], [sflag:$0x4] =	stream.indirect.gather [hbm4b:s4+s18], $0x80, s12, s18, $0xb8;
	[tilespmem:$0x1FC00] =	vst v63  }
0x2ca: {  	_ =	swait.ge [sflag:s22], $0x2800  }
0x2cb: {  	s13 =	sld [smem:$0x7F9]  }
0x2cc: {  	[sflag:s22] =	ssyncset.done $0x0  }
0x2cd: {  	[sflag:s22] =	ssyncadd.s32 $0xFFFFD800  }
0x2ce: {  	[spmem:s2] =	stream.indirect.scatter.add.f32 [tilespmem:s15], [sflag:$0x5], $0x80, s13, s18, $0xb8;
	[tilespmem:$0x1FC00] =	vst v63  }
0x2cf: {  	_ =	swait.ge [sflag:s23], $0x2800  }
0x2d0: {  	s14 =	sld [smem:$0x7FA]  }
0x2d1: {  	[sflag:s23] =	ssyncset.done $0x0  }
0x2d2: {  	[sflag:s23] =	ssyncadd.s32 $0xFFFFD800  }
0x2d3: {  	[spmem:s2] =	stream.indirect.scatter.add.f32 [tilespmem:s19], [sflag:$0x6], $0x80, s14, s18, $0xb8;
	[tilespmem:$0x1FC00] =	vst v63  }
0x2d4: {  	_ =	swait.ge [sflag:s24], $0x2800  }
0x2d5: {  	s12 =	sld [smem:$0x7FB]  }
0x2d6: {  	[sflag:s24] =	ssyncset.done $0x0  }
0x2d7: {  	[sflag:s24] =	ssyncadd.s32 $0xFFFFD800  }
0x2d8: {  	[spmem:s2] =	stream.indirect.scatter.add.f32 [tilespmem:s20], [sflag:$0x7], $0x80, s12, s18, $0xb8;
	[tilespmem:$0x1FC00] =	vst v63  }
0x2d9: {  	_ =	swait.ge [sflag:s25], $0x2800  }
0x2da: {  	s13 =	sld [smem:$0x7FC]  }
0x2db: {  	[sflag:s25] =	ssyncset.done $0x0  }
0x2dc: {  	[sflag:s25] =	ssyncadd.s32 $0xFFFFD800  }
0x2dd: {  	[spmem:s2] =	stream.indirect.scatter.add.f32 [tilespmem:s21], [sflag:$0x8], $0x80, s13, s18, $0xb8;
	[tilespmem:$0x1FC00] =	vst v63  }
0x2de: {  	_ =	swait.ge [sflag:s26], $0x2800  }
0x2df: {  	s14 =	sld [smem:$0x7FD]  }
0x2e0: {  	[sflag:s26] =	ssyncset.done $0x0  }
0x2e1: {  	[sflag:s26] =	ssyncadd.s32 $0xFFFFD800  }
0x2e2: {  	[tilespmem:s15], [sflag:$0x1] =	stream.indirect.gather [hbm4b:s4+s18], $0x80, s14, s18, $0xb8;
	[tilespmem:$0x1FC00] =	vst v63  }
0x2e3: {  	_ =	swait.ge [sflag:s28], $0x2800  }
0x2e4: {  	[sflag:s28] =	ssyncset.done $0x0  }
0x2e5: {  	[sflag:s28] =	ssyncadd.s32 $0xFFFFD800  }
0x2e6: {  	[tilespmem:s19], [sflag:$0x2] =	stream.indirect.gather [hbm4b:s4+s18], $0x80, s31, s18, $0xb8;
	[tilespmem:$0x1FC00] =	vst v63  }
0x2e7: {  	_ =	swait.ge [sflag:s29], $0x2800  }
0x2e8: {  	[sflag:s29] =	ssyncset.done $0x0  }
0x2e9: {  	[sflag:s29] =	ssyncadd.s32 $0xFFFFD800  }
0x2ea: {  	[tilespmem:s20], [sflag:$0x3] =	stream.indirect.gather [hbm4b:s4+s18], $0x80, s1, s18, $0xb8;
	[tilespmem:$0x1FC00] =	vst v63  }
0x2eb: {  	_ =	swait.ge [sflag:s30], $0x2800  }
0x2ec: {  	[sflag:s30] =	ssyncset.done $0x0  }
0x2ed: {  	[sflag:s30] =	ssyncadd.s32 $0xFFFFD800  }
0x2ee: {  	[tilespmem:s21], [sflag:$0x4] =	stream.indirect.gather [hbm4b:s4+s18], $0x80, s0, s18, $0xb8;
	[tilespmem:$0x1FC00] =	vst v63  }
0x2ef: {  	_ =	swait.ge [sflag:s22], $0x2800  }
0x2f0: {  	[sflag:s22] =	ssyncset.done $0x0  }
0x2f1: {  	[sflag:s22] =	ssyncadd.s32 $0xFFFFD800  }
0x2f2: {  	[spmem:s2] =	stream.indirect.scatter.add.f32 [tilespmem:s15], [sflag:$0x5], $0x80, s6, s18, $0xb8;
	[tilespmem:$0x1FC00] =	vst v63  }
0x2f3: {  	_ =	swait.ge [sflag:s23], $0x2800  }
0x2f4: {  	[sflag:s23] =	ssyncset.done $0x0  }
0x2f5: {  	[sflag:s23] =	ssyncadd.s32 $0xFFFFD800  }
0x2f6: {  	[spmem:s2] =	stream.indirect.scatter.add.f32 [tilespmem:s19], [sflag:$0x6], $0x80, s7, s18, $0xb8;
	[tilespmem:$0x1FC00] =	vst v63  }
0x2f7: {  	_ =	swait.ge [sflag:s24], $0x2800  }
0x2f8: {  	[sflag:s24] =	ssyncset.done $0x0  }
0x2f9: {  	[sflag:s24] =	ssyncadd.s32 $0xFFFFD800  }
0x2fa: {  	[spmem:s2] =	stream.indirect.scatter.add.f32 [tilespmem:s20], [sflag:$0x7], $0x80, s8, s18, $0xb8;
	[tilespmem:$0x1FC00] =	vst v63  }
0x2fb: {  	_ =	swait.ge [sflag:s25], $0x2800  }
0x2fc: {  	[sflag:s25] =	ssyncset.done $0x0  }
0x2fd: {  	[sflag:s25] =	ssyncadd.s32 $0xFFFFD800  }
0x2fe: {  	[spmem:s2] =	stream.indirect.scatter.add.f32 [tilespmem:s21], [sflag:$0x8], $0x80, s9, s18, $0xb8;
	[tilespmem:$0x1FC00] =	vst v63  }
0x2ff: {  	_ =	swait.ge [sflag:s26], $0x2800  }
0x300: {  	[sflag:s26] =	ssyncset.done $0x0  }
0x301: {  	[sflag:s26] =	ssyncadd.s32 $0xFFFFD800  }
0x302: {  	[tilespmem:s15], [sflag:$0x1] =	stream.indirect.gather [hbm4b:s4+s18], $0x80, s10, s18, $0xb8;
	[tilespmem:$0x1FC00] =	vst v63  }
0x303: {  	_ =	swait.ge [sflag:s28], $0x2800  }
0x304: {  	[sflag:s28] =	ssyncset.done $0x0  }
0x305: {  	[sflag:s28] =	ssyncadd.s32 $0xFFFFD800  }
0x306: {  	_ =	swait.ge [sflag:s29], $0x2800  }
0x307: {  	[sflag:s29] =	ssyncset.done $0x0  }
0x308: {  	[sflag:s29] =	ssyncadd.s32 $0xFFFFD800  }
0x309: {  	_ =	swait.ge [sflag:s30], $0x2800  }
0x30a: {  	[sflag:s30] =	ssyncset.done $0x0  }
0x30b: {  	[sflag:s30] =	ssyncadd.s32 $0xFFFFD800  }
0x30c: {  	_ =	swait.ge [sflag:s22], $0x2800  }
0x30d: {  	[sflag:s22] =	ssyncset.done $0x0  }
0x30e: {  	[sflag:s22] =	ssyncadd.s32 $0xFFFFD800  }
0x30f: {  	[spmem:s2] =	stream.indirect.scatter.add.f32 [tilespmem:s15], [sflag:$0x5], $0x80, s11, s18, $0xb8;
	[tilespmem:$0x1FC00] =	vst v63  }
0x310: {  	_ =	swait.ge [sflag:s26], $0x2800  }
0x311: {  	[sflag:s26] =	ssyncset.done $0x0  }
0x312: {  	[sflag:s26] =	ssyncadd.s32 $0xFFFFD800  }
0x313: {  	[bflag:$0x0] =	sbarrier.arrive $0xFFFF  }
0x314: {  	s13 =	sld [smem:$0x7EE]  }
0x315: {  	s12 =	stileid.u32;
	s14 =	sld [smem:$0x7F1]  }
0x316: {  	s5 =	sshll.u32 s12, $0x6  }
0x317: {  	s5 =	sor.u32 $0x1C09, s5;
	s12 =	sshrl.u32 s13, $0x3  }
0x318: {  	[hbm:s14], [sflag:s5] =	dma.local [spmem:s12], $0x2780  }
0x319: {  	_ =	swait.ge [sflag:s16], $0x2780  }
0x31a: {  	s13 =	sld [smem:$0x7E7]  }
0x31b: {  	s14 =	sld [smem:$0x7F3];
	_ =	sdelay $0x1  }
0x31c: {  	s12 =	sadd.s32 $0x1, s13  }
0x31d: {  	p0 =	sne.s32 s12, s14  }
.Ltmp2:
0x31e: {  	_ = 	snop;
	(pc) =	sbr.rel @p0 .LBB2_1-.Ltmp2, $3  }
0x31f: {  	_ =	sdelay $0x1  }
0x320: {  	[sflag:s16] =	ssyncset.done $0x0  }
0x321: {  	[sflag:s16] =	ssyncadd.s32 $0xFFFFD880  }
0x322: {  	_ =	sfence.sel $0x180000  }
0x323: {  	[bflag:$0x0] =	sbarrier.arrive $0xFFFF  }
0x324: {  	_ =	strace $0x9000004A  }
0x325: {  	s0 =	stileid.u32;
	[bflag:$0x2] =	sbarrier.arrive $0xFFFF  }
0x326: {  	p0 =	sne.s32 s0, $0x0;
	s0 =	rddreg [dreg:$0x2]  }
0x327: {  	s0 =	sadd.s32 @!p0 $0x100000, s0  }
0x328: {  	[sflag:s0] =	ssyncadd.tile.s32 @!p0 $0x1;
	_ =	shalt  }
.Lfunc_end2:
_tile_overlayer_lowered:
.L_overlay_start_2:
0x329: {  	(tag) =	ssettag $0x2  }
0x32a: {  	s0 =	rddreg [dreg:$0x0];
	s2 =	stileid.u32  }
0x32b: {  	s1 =	rddreg [dreg:$0x1];
	p0 =	sne.s32 s2, $0x0  }
0x32c: {  	s3 =	rddreg [dreg:$0x2];
	[bflag:$0x3] =	sbarrier.arrive $0xFFFF;
	s2 =	simm.s32 @!p0 $0x1C09  }
0x32d: {  	[timem:s3], [sflag:s2] =	dma.local @!p0 [hbm:s0], s1  }
0x32e: {  	s0 =	simm.s32 @!p0 $0x9  }
0x32f: {  	_ =	swait.ge @!p0 [sflag:s0], s1  }
0x330: {  	s1 =	ssub.s32 @!p0 $0x0, s1;
	[sflag:s0] =	ssyncset.done @!p0 $0x0  }
0x331: {  	[sflag:s0] =	ssyncadd.s32 @!p0 s1  }
0x332: {  	[bflag:$0x3] =	sbarrier.arrive $0xFFFF  }
0x333: {  	_ =	shalt  }

</sc_bundles>
